<compile_context>
chip_gen: v7x
topology: tpu7x:2x2x1
jax: 0.10.2.dev20260603
libtpu: 0.0.44.dev20260713+nightly
codegen_flags: <defaults>
</compile_context>

<pallas_src>
import functools

import jax
import jax.numpy as jnp
from jax import lax
from jax.experimental import pallas as pl
from jax.experimental.pallas import tpu as pltpu
from jax.experimental.pallas import tpu_sc as plsc

_CH = 128
_SUB = 8
_NW = 32
_D = 16


def _padded_edges(e):
    blk = _CH * _SUB * _NW
    return -(-e // blk) * blk


def _make_deg_kernel(n, e):
    k = _CH * _SUB
    ep = _padded_edges(e)
    itb = ep // (k * _NW)
    tpw = n // 16
    npad = n + 8
    mesh = plsc.VectorSubcoreMesh(core_axis_name="c", subcore_axis_name="s")

    @functools.partial(
        pl.kernel,
        out_type=jax.ShapeDtypeStruct((32, tpw, _D), jnp.float32),
        mesh=mesh,
        scratch_types=[
            pltpu.VMEM((2, _SUB, _CH), jnp.int32),
            pltpu.VMEM((_CH, _D), jnp.float32),
            pltpu.VMEM_SHARED((npad, _D), jnp.float32),
            pltpu.SemaphoreType.DMA,
            pltpu.SemaphoreType.DMA,
        ],
        compiler_params=pltpu.CompilerParams(use_tc_tiling_on_sc=False),
    )
    def deg_kernel(dst_hbm, ones_hbm, zeros_hbm, out_hbm,
                   didx, ones_v, acc, isem, ssem):
        cid = lax.axis_index("c")
        sid = lax.axis_index("s")
        wid = sid * 2 + cid
        r0 = sid * tpw
        pltpu.sync_copy(ones_hbm, ones_v)
        pltpu.sync_copy(zeros_hbm, acc.at[pl.ds(r0, tpw)])
        plsc.subcore_barrier()

        def fire_idx(i, slot):
            blk = wid + i * _NW
            pltpu.async_copy(
                dst_hbm.at[pl.ds(blk * _SUB, _SUB)], didx.at[slot], isem)

        def wait_idx(slot):
            pltpu.make_async_copy(
                dst_hbm.at[pl.ds(0, _SUB)], didx.at[slot], isem).wait()

        fire_idx(0, 0)

        @pl.loop(0, itb)
        def _(i):
            slot = lax.rem(i, 2)
            wait_idx(slot)

            @pl.when(i + 1 < itb)
            def _():
                fire_idx(i + 1, 1 - slot)

            descs = [pltpu.async_copy(ones_v, acc.at[didx.at[slot, j]],
                                      ssem, add=True) for j in range(_SUB)]
            for dsc in descs:
                dsc.wait()

        plsc.subcore_barrier()
        pltpu.sync_copy(acc.at[pl.ds(r0, tpw)], out_hbm.at[cid * 16 + sid])

    return deg_kernel


def _make_seg_kernel(n, e):
    k = _CH * _SUB
    ep = _padded_edges(e)
    itb = ep // (k * _NW)
    tpw = n // 16
    npad = n + 8
    mesh = plsc.VectorSubcoreMesh(core_axis_name="c", subcore_axis_name="s")

    @functools.partial(
        pl.kernel,
        out_type=jax.ShapeDtypeStruct((32, tpw, _D), jnp.float32),
        mesh=mesh,
        scratch_types=[
            pltpu.VMEM((2, _SUB, _CH), jnp.int32),
            pltpu.VMEM((2, _SUB, _CH), jnp.int32),
            pltpu.VMEM((k, _D), jnp.float32),
            pltpu.VMEM_SHARED((npad, _D), jnp.float32),
            pltpu.SemaphoreType.DMA,
            pltpu.SemaphoreType.DMA,
            pltpu.SemaphoreType.DMA,
        ],
        compiler_params=pltpu.CompilerParams(use_tc_tiling_on_sc=False),
    )
    def seg_kernel(g_hbm, src_hbm, dst_hbm, zeros_hbm, out_hbm,
                   sidx, didx, rows, acc, isem, gsem, ssem):
        cid = lax.axis_index("c")
        sid = lax.axis_index("s")
        wid = sid * 2 + cid
        r0 = sid * tpw
        pltpu.sync_copy(zeros_hbm, acc.at[pl.ds(r0, tpw)])
        plsc.subcore_barrier()

        def fire_idx(i, slot):
            blk = wid + i * _NW
            pltpu.async_copy(
                src_hbm.at[pl.ds(blk * _SUB, _SUB)], sidx.at[slot], isem)
            pltpu.async_copy(
                dst_hbm.at[pl.ds(blk * _SUB, _SUB)], didx.at[slot], isem)

        def wait_idx(slot):
            pltpu.make_async_copy(
                src_hbm.at[pl.ds(0, _SUB)], sidx.at[slot], isem).wait()
            pltpu.make_async_copy(
                dst_hbm.at[pl.ds(0, _SUB)], didx.at[slot], isem).wait()

        def fire_gathers(slot, js):
            return [pltpu.async_copy(g_hbm.at[sidx.at[slot, j]],
                                     rows.at[pl.ds(j * _CH, _CH)], gsem)
                    for j in js]

        def fire_scatters(slot, js):
            return [pltpu.async_copy(rows.at[pl.ds(j * _CH, _CH)],
                                     acc.at[didx.at[slot, j]], ssem, add=True)
                    for j in js]

        fire_idx(0, 0)

        @pl.loop(0, itb)
        def _(i):
            slot = lax.rem(i, 2)
            wait_idx(slot)

            @pl.when(i + 1 < itb)
            def _():
                fire_idx(i + 1, 1 - slot)

            ga = fire_gathers(slot, range(_SUB))
            sa = []
            for j in range(_SUB):
                ga[j].wait()
                sa += fire_scatters(slot, [j])
            for dsc in sa:
                dsc.wait()

        plsc.subcore_barrier()
        pltpu.sync_copy(acc.at[pl.ds(r0, tpw)], out_hbm.at[cid * 16 + sid])

    return seg_kernel


def _tc1_body(x8_ref, d_ref, w1e_ref, g1_ref, dinv_ref):
    dinv = lax.rsqrt(d_ref[0] + d_ref[1] + 1.0)
    h = jnp.dot(x8_ref[...], w1e_ref[...],
                preferred_element_type=jnp.float32)
    g1_ref[...] = dinv * h
    dinv_ref[...] = dinv


def _tc2_body(p_ref, g1_ref, dinv_ref, b1_ref, w2e_ref, g2_ref):
    dinv = dinv_ref[...]
    z = dinv * (p_ref[0] + p_ref[1] + g1_ref[...]) + b1_ref[...]
    h = jnp.maximum(z, 0.0)
    h2 = jnp.dot(h, w2e_ref[...], preferred_element_type=jnp.float32)
    g2_ref[...] = dinv * h2


def _tc3_body(q_ref, g2_ref, dinv_ref, b2_ref, e0_ref, e1_ref,
              o0_ref, o1_ref):
    s = dinv_ref[...] * (q_ref[0] + q_ref[1] + g2_ref[...])
    z0 = jnp.dot(s, e0_ref[...], preferred_element_type=jnp.float32)
    z1 = jnp.dot(s, e1_ref[...], preferred_element_type=jnp.float32)
    z0 = z0 + b2_ref[0, 0]
    z1 = z1 + b2_ref[0, 1]
    m = jnp.maximum(z0, z1)
    lse = m + jnp.log(jnp.exp(z0 - m) + jnp.exp(z1 - m))
    o0_ref[...] = z0 - lse
    o1_ref[...] = z1 - lse


def kernel(x, edge_index, W1, b1, W2, b2):
    n, d_in = x.shape
    e = edge_index.shape[1]
    d_hid = W1.shape[1]
    d_out = W2.shape[1]
    ep = _padded_edges(e)
    src = jnp.concatenate(
        [edge_index[0], jnp.zeros((ep - e,), jnp.int32)]).reshape(-1, _CH)
    dst = jnp.concatenate(
        [edge_index[1], jnp.full((ep - e,), n, jnp.int32)]).reshape(-1, _CH)

    ones16 = jnp.ones((_CH, _D), jnp.float32)
    zeros16 = jnp.zeros((n // 16, _D), jnp.float32)
    dn = n // 8

    deg_k = _make_deg_kernel(n, e)
    seg_k = _make_seg_kernel(n, e)

    degp = deg_k(dst, ones16, zeros16).ravel().reshape(2, dn, 128)

    x8 = x.reshape(dn, 8 * d_in)
    w1e = jnp.kron(jnp.eye(8, dtype=jnp.float32), W1)

    f32 = jnp.float32
    g1d, dinvd = pl.pallas_call(
        _tc1_body,
        out_shape=[jax.ShapeDtypeStruct((dn, 128), f32),
                   jax.ShapeDtypeStruct((dn, 128), f32)],
    )(x8, degp, w1e)

    segp1 = seg_k(g1d.reshape(n, _D), src, dst,
                  zeros16).ravel().reshape(2, dn, 128)

    b1e = jnp.tile(b1, 128 // d_hid).reshape(1, 128)
    w2e = jnp.kron(jnp.eye(128 // _D, dtype=f32),
                   jnp.pad(W2, ((0, 0), (0, _D - d_out))))

    g2d = pl.pallas_call(
        _tc2_body,
        out_shape=jax.ShapeDtypeStruct((dn, 128), f32),
    )(segp1, g1d, dinvd, b1e, w2e)

    segp2 = seg_k(g2d.reshape(n, _D), src, dst,
                  zeros16).ravel().reshape(2, dn, 128)

    lane = jnp.arange(128)
    node = jnp.arange(8)
    e0 = (lane[:, None] == node[None, :] * _D).astype(f32)
    e1 = (lane[:, None] == node[None, :] * _D + 1).astype(f32)

    o0, o1 = pl.pallas_call(
        _tc3_body,
        out_shape=[jax.ShapeDtypeStruct((dn, 8), f32),
                   jax.ShapeDtypeStruct((dn, 8), f32)],
    )(segp2, g2d, dinvd, b2.reshape(1, d_out), e0, e1)

    return jnp.concatenate(
        [o0.reshape(n, 1), o1.reshape(n, 1)], axis=1)

# --- scband reference (transcript-rebuilt; emitter-appended) ---
"""Pipeline reference for scband-gcn-45509473469206 (READ-ONLY COPY).

The authoritative reference and input builder live on the scoring server;
editing this copy changes nothing except your own understanding.
"""

import jax, jax.numpy as jnp
import numpy as np

N = 100000
E = 3200000
D_IN = 20
D_HID = 16
D_OUT = 2


def setup_inputs(seed: int = 0) -> dict:
    key = jax.random.key(seed)
    k1, k2, k3, k4 = jax.random.split(key, 4)
    x = jax.random.normal(k1, (N, D_IN), dtype=jnp.float32)
    edge_index = jax.random.randint(k2, (2, E), 0, N, dtype=jnp.int32)
    W1 = jax.random.normal(k3, (D_IN, D_HID), dtype=jnp.float32) * (1.0 / np.sqrt(D_IN))
    b1 = jnp.zeros((D_HID,), dtype=jnp.float32)
    W2 = jax.random.normal(k4, (D_HID, D_OUT), dtype=jnp.float32) * (1.0 / np.sqrt(D_HID))
    b2 = jnp.zeros((D_OUT,), dtype=jnp.float32)
    return {"x": x, "edge_index": edge_index, "W1": W1, "b1": b1, "W2": W2, "b2": b2}


def _gcn_conv(h, W, b, src, dst, n):
    # GCNConv: h' = D^{-1/2} (A + I) D^{-1/2} (h W) + b  (with self-loops)
    h = h @ W
    loop = jnp.arange(n, dtype=src.dtype)
    src_f = jnp.concatenate([src, loop])
    dst_f = jnp.concatenate([dst, loop])
    deg = jnp.zeros((n,), dtype=h.dtype).at[dst_f].add(1.0)
    dinv = jnp.where(deg > 0, jax.lax.rsqrt(deg), 0.0)
    norm = dinv[src_f] * dinv[dst_f]
    msg = h[src_f] * norm[:, None]
    out = jax.ops.segment_sum(msg, dst_f, num_segments=n)
    return out + b


def reference(x, edge_index, W1, b1, W2, b2):
    src = edge_index[0]
    dst = edge_index[1]
    h = _gcn_conv(x, W1, b1, src, dst, N)
    h = jax.nn.relu(h)
    # dropout is identity in eval mode (training=False)
    h = _gcn_conv(h, W2, b2, src, dst, N)
    return jax.nn.log_softmax(h, axis=1)

if __name__ == "__main__":
    import jax
    _d = setup_inputs()
    print(jax.jit(kernel)(*tuple(_d.values())))

</pallas_src>

<mosaic_0001>
#map = affine_map<(d0, d1) -> (0, 0)>
#map1 = affine_map<(d0, d1) -> (0, 0, 0)>
module attributes {stable_mosaic.version = 14 : i64} {
  func.func @deg_kernel(%arg0: i32, %arg1: i32, %arg2: memref<25088x128xi32, #tpu.memory_space<hbm>>, %arg3: memref<128x16xf32, #tpu.memory_space<hbm>>, %arg4: memref<6250x16xf32, #tpu.memory_space<hbm>>, %arg5: memref<32x6250x16xf32, #tpu.memory_space<hbm>>, %arg6: memref<2x8x128xi32, #tpu.memory_space<vmem>>, %arg7: memref<128x16xf32, #tpu.memory_space<vmem>>, %arg8: memref<100008x16xf32, #tpu.memory_space<vmem_shared>>, %arg9: memref<!tpu.dma_semaphore, #tpu.memory_space<semaphore_mem>>, %arg10: memref<!tpu.dma_semaphore, #tpu.memory_space<semaphore_mem>>) attributes {dimension_semantics = [#tpu.dimension_semantics<core_parallel>, #tpu.dimension_semantics<subcore_parallel>], iteration_bounds = array<i64: 2, 16>, scalar_prefetch = 0 : i64, scratch_operands = 5 : i64, tpu.core_type = #tpu.core_type<sc_vector_subcore>, window_params = [{transform_indices = #map}, {transform_indices = #map}, {transform_indices = #map}, {transform_indices = #map1}]} {
    %mul3A = arith.constant 2 : i32
    %mul3A_0 = arith.muli %arg1, %mul3A : i32
    %add3A = arith.addi %mul3A_0, %arg0 : i32
    %mul3A_1 = arith.constant 6250 : i32
    %mul3A_2 = arith.muli %arg1, %mul3A_1 : i32
    "tpu.region"() ({
      %run_scoped3A = tpu.sem_alloc : memref<!tpu.dma_semaphore, #tpu.memory_space<semaphore_mem>>
      tpu.enqueue_dma source(%arg3 : memref<128x16xf32, #tpu.memory_space<hbm>>) target(%arg7 : memref<128x16xf32, #tpu.memory_space<vmem>>) target_semaphore(%run_scoped3A : memref<!tpu.dma_semaphore, #tpu.memory_space<semaphore_mem>>)
      tpu.wait_dma2 semaphore(%run_scoped3A : memref<!tpu.dma_semaphore, #tpu.memory_space<semaphore_mem>>) src(%arg3 : memref<128x16xf32, #tpu.memory_space<hbm>>) dst(%arg7 : memref<128x16xf32, #tpu.memory_space<vmem>>)
      tpu.yield
    }) : () -> ()
    "tpu.region"() ({
      %run_scoped3A = tpu.sem_alloc : memref<!tpu.dma_semaphore, #tpu.memory_space<semaphore_mem>>
      %dma_start3A_27 = arith.constant 0 : i32
      %dma_start3A_28 = tpu.memref_slice %arg8[%mul3A_2, %dma_start3A_27] : memref<100008x16xf32, #tpu.memory_space<vmem_shared>> -> memref<6250x16xf32, #tpu.memory_space<vmem_shared>>
      tpu.enqueue_dma source(%arg4 : memref<6250x16xf32, #tpu.memory_space<hbm>>) target(%dma_start3A_28 : memref<6250x16xf32, #tpu.memory_space<vmem_shared>>) target_semaphore(%run_scoped3A : memref<!tpu.dma_semaphore, #tpu.memory_space<semaphore_mem>>)
      %dma_wait3A = arith.constant 0 : i32
      %dma_wait3A_29 = tpu.memref_slice %arg8[%mul3A_2, %dma_wait3A] : memref<100008x16xf32, #tpu.memory_space<vmem_shared>> -> memref<6250x16xf32, #tpu.memory_space<vmem_shared>>
      tpu.wait_dma2 semaphore(%run_scoped3A : memref<!tpu.dma_semaphore, #tpu.memory_space<semaphore_mem>>) src(%arg4 : memref<6250x16xf32, #tpu.memory_space<hbm>>) dst(%dma_wait3A_29 : memref<6250x16xf32, #tpu.memory_space<vmem_shared>>)
      tpu.yield
    }) : () -> ()
    %barrier3A = arith.constant 0 : index
    tpu.barrier barrier_id(%barrier3A)
    %add3A_3 = arith.constant 0 : i32
    %add3A_4 = arith.addi %add3A, %add3A_3 : i32
    %mul3A_5 = arith.constant 8 : i32
    %mul3A_6 = arith.muli %add3A_4, %mul3A_5 : i32
    %dma_start3A = arith.constant 0 : i32
    %dma_start3A_7 = arith.constant 0 : i32
    %dma_start3A_8 = arith.constant 0 : i32
    %dma_start3A_9 = tpu.memref_slice %arg6[%dma_start3A, %dma_start3A_7, %dma_start3A_8] : memref<2x8x128xi32, #tpu.memory_space<vmem>> -> memref<1x8x128xi32, #tpu.memory_space<vmem>>
    %dma_start3A_10 = tpu.memref_squeeze %dma_start3A_9 : memref<1x8x128xi32, #tpu.memory_space<vmem>> -> memref<8x128xi32, #tpu.memory_space<vmem>>
    %dma_start3A_11 = arith.constant 0 : i32
    %dma_start3A_12 = tpu.memref_slice %arg2[%mul3A_6, %dma_start3A_11] : memref<25088x128xi32, #tpu.memory_space<hbm>> -> memref<8x128xi32, #tpu.memory_space<hbm>>
    %dma_start3A_13 = arith.constant 0 : i32
    %dma_start3A_14 = arith.constant 0 : i32
    %dma_start3A_15 = tpu.memref_slice %arg6[%dma_start3A, %dma_start3A_13, %dma_start3A_14] : memref<2x8x128xi32, #tpu.memory_space<vmem>> -> memref<1x8x128xi32, #tpu.memory_space<vmem>>
    %dma_start3A_16 = tpu.memref_squeeze %dma_start3A_15 : memref<1x8x128xi32, #tpu.memory_space<vmem>> -> memref<8x128xi32, #tpu.memory_space<vmem>>
    %dma_start3A_17 = arith.constant 0 : i32
    %dma_start3A_18 = tpu.memref_slice %arg2[%mul3A_6, %dma_start3A_17] : memref<25088x128xi32, #tpu.memory_space<hbm>> -> memref<8x128xi32, #tpu.memory_space<hbm>>
    tpu.enqueue_dma source(%dma_start3A_18 : memref<8x128xi32, #tpu.memory_space<hbm>>) target(%dma_start3A_16 : memref<8x128xi32, #tpu.memory_space<vmem>>) target_semaphore(%arg9 : memref<!tpu.dma_semaphore, #tpu.memory_space<semaphore_mem>>)
    %scan3A = arith.constant 0 : i32
    %scan3A_19 = arith.constant 98 : i32
    %scan3A_20 = arith.addi %scan3A, %scan3A_19 : i32
    %scan3A_21 = arith.constant 1 : i32
    scf.for %scan3A_27 = %scan3A to %scan3A_20 step %scan3A_21  : i32 {
      %mul3A_28 = arith.constant 1 : i32
      %mul3A_29 = arith.muli %scan3A_27, %mul3A_28 : i32
      %add3A_30 = arith.constant 0 : i32
      %add3A_31 = arith.addi %add3A_30, %mul3A_29 : i32
      %rem3A = arith.constant 2 : i32
      %rem3A_32 = arith.remsi %add3A_31, %rem3A : i32
      %dma_wait3A = arith.constant 0 : i32
      %dma_wait3A_33 = arith.constant 0 : i32
      %dma_wait3A_34 = tpu.memref_slice %arg6[%rem3A_32, %dma_wait3A, %dma_wait3A_33] : memref<2x8x128xi32, #tpu.memory_space<vmem>> -> memref<1x8x128xi32, #tpu.memory_space<vmem>>
      %dma_wait3A_35 = tpu.memref_squeeze %dma_wait3A_34 : memref<1x8x128xi32, #tpu.memory_space<vmem>> -> memref<8x128xi32, #tpu.memory_space<vmem>>
      %dma_wait3A_36 = arith.constant 0 : i32
      %dma_wait3A_37 = arith.constant 0 : i32
      %dma_wait3A_38 = tpu.memref_slice %arg2[%dma_wait3A_36, %dma_wait3A_37] : memref<25088x128xi32, #tpu.memory_space<hbm>> -> memref<8x128xi32, #tpu.memory_space<hbm>>
      %dma_wait3A_39 = arith.constant 0 : i32
      %dma_wait3A_40 = arith.constant 0 : i32
      %dma_wait3A_41 = tpu.memref_slice %arg6[%rem3A_32, %dma_wait3A_39, %dma_wait3A_40] : memref<2x8x128xi32, #tpu.memory_space<vmem>> -> memref<1x8x128xi32, #tpu.memory_space<vmem>>
      %dma_wait3A_42 = tpu.memref_squeeze %dma_wait3A_41 : memref<1x8x128xi32, #tpu.memory_space<vmem>> -> memref<8x128xi32, #tpu.memory_space<vmem>>
      %dma_wait3A_43 = arith.constant 0 : i32
      %dma_wait3A_44 = arith.constant 0 : i32
      %dma_wait3A_45 = tpu.memref_slice %arg2[%dma_wait3A_43, %dma_wait3A_44] : memref<25088x128xi32, #tpu.memory_space<hbm>> -> memref<8x128xi32, #tpu.memory_space<hbm>>
      tpu.wait_dma2 semaphore(%arg9 : memref<!tpu.dma_semaphore, #tpu.memory_space<semaphore_mem>>) src(%dma_wait3A_45 : memref<8x128xi32, #tpu.memory_space<hbm>>) dst(%dma_wait3A_42 : memref<8x128xi32, #tpu.memory_space<vmem>>)
      %add3A_46 = arith.constant 1 : i32
      %add3A_47 = arith.addi %add3A_31, %add3A_46 : i32
      %lt3A = arith.constant 98 : i32
      %lt3A_48 = arith.cmpi slt, %add3A_47, %lt3A : i32
      %convert_element_type3A = arith.extui %lt3A_48 : i1 to i32
      %cond3A = arith.constant 0 : i32
      %cond3A_49 = arith.cmpi ne, %convert_element_type3A, %cond3A : i32
      scf.if %cond3A_49 {
        %add3A_162 = arith.constant 1 : i32
        %add3A_163 = arith.addi %add3A_31, %add3A_162 : i32
        %sub3A = arith.constant 1 : i32
        %sub3A_164 = arith.subi %sub3A, %rem3A_32 : i32
        %mul3A_165 = arith.constant 32 : i32
        %mul3A_166 = arith.muli %add3A_163, %mul3A_165 : i32
        %add3A_167 = arith.addi %add3A, %mul3A_166 : i32
        %mul3A_168 = arith.constant 8 : i32
        %mul3A_169 = arith.muli %add3A_167, %mul3A_168 : i32
        %dma_start3A_170 = arith.constant 0 : i32
        %dma_start3A_171 = arith.constant 0 : i32
        %dma_start3A_172 = tpu.memref_slice %arg6[%sub3A_164, %dma_start3A_170, %dma_start3A_171] : memref<2x8x128xi32, #tpu.memory_space<vmem>> -> memref<1x8x128xi32, #tpu.memory_space<vmem>>
        %dma_start3A_173 = tpu.memref_squeeze %dma_start3A_172 : memref<1x8x128xi32, #tpu.memory_space<vmem>> -> memref<8x128xi32, #tpu.memory_space<vmem>>
        %dma_start3A_174 = arith.constant 0 : i32
        %dma_start3A_175 = tpu.memref_slice %arg2[%mul3A_169, %dma_start3A_174] : memref<25088x128xi32, #tpu.memory_space<hbm>> -> memref<8x128xi32, #tpu.memory_space<hbm>>
        %dma_start3A_176 = arith.constant 0 : i32
        %dma_start3A_177 = arith.constant 0 : i32
        %dma_start3A_178 = tpu.memref_slice %arg6[%sub3A_164, %dma_start3A_176, %dma_start3A_177] : memref<2x8x128xi32, #tpu.memory_space<vmem>> -> memref<1x8x128xi32, #tpu.memory_space<vmem>>
        %dma_start3A_179 = tpu.memref_squeeze %dma_start3A_178 : memref<1x8x128xi32, #tpu.memory_space<vmem>> -> memref<8x128xi32, #tpu.memory_space<vmem>>
        %dma_start3A_180 = arith.constant 0 : i32
        %dma_start3A_181 = tpu.memref_slice %arg2[%mul3A_169, %dma_start3A_180] : memref<25088x128xi32, #tpu.memory_space<hbm>> -> memref<8x128xi32, #tpu.memory_space<hbm>>
        tpu.enqueue_dma source(%dma_start3A_181 : memref<8x128xi32, #tpu.memory_space<hbm>>) target(%dma_start3A_179 : memref<8x128xi32, #tpu.memory_space<vmem>>) target_semaphore(%arg9 : memref<!tpu.dma_semaphore, #tpu.memory_space<semaphore_mem>>)
      } else {
      }
      %dma_start3A_50 = arith.constant 0 : i32
      %dma_start3A_51 = arith.constant 0 : i32
      %dma_start3A_52 = tpu.memref_slice %arg6[%rem3A_32, %dma_start3A_50, %dma_start3A_51] : memref<2x8x128xi32, #tpu.memory_space<vmem>> -> memref<1x1x128xi32, #tpu.memory_space<vmem>>
      %dma_start3A_53 = tpu.memref_squeeze %dma_start3A_52 : memref<1x1x128xi32, #tpu.memory_space<vmem>> -> memref<128xi32, #tpu.memory_space<vmem>>
      %dma_start3A_54 = arith.constant 0 : i32
      %dma_start3A_55 = arith.constant 0 : i32
      %dma_start3A_56 = tpu.memref_slice %arg8[%dma_start3A_54, %dma_start3A_55] : memref<100008x16xf32, #tpu.memory_space<vmem_shared>> -> memref<100008x16xf32, #tpu.memory_space<vmem_shared>>
      tpu.enqueue_indirect_dma source(%arg7 : memref<128x16xf32, #tpu.memory_space<vmem>>) target(%dma_start3A_56 : memref<100008x16xf32, #tpu.memory_space<vmem_shared>>) offsets(%dma_start3A_53 : memref<128xi32, #tpu.memory_space<vmem>>) semaphore(%arg10 : memref<!tpu.dma_semaphore, #tpu.memory_space<semaphore_mem>>) {add = true}
      %dma_start3A_57 = arith.constant 1 : i32
      %dma_start3A_58 = arith.constant 0 : i32
      %dma_start3A_59 = tpu.memref_slice %arg6[%rem3A_32, %dma_start3A_57, %dma_start3A_58] : memref<2x8x128xi32, #tpu.memory_space<vmem>> -> memref<1x1x128xi32, #tpu.memory_space<vmem>>
      %dma_start3A_60 = tpu.memref_squeeze %dma_start3A_59 : memref<1x1x128xi32, #tpu.memory_space<vmem>> -> memref<128xi32, #tpu.memory_space<vmem>>
      %dma_start3A_61 = arith.constant 0 : i32
      %dma_start3A_62 = arith.constant 0 : i32
      %dma_start3A_63 = tpu.memref_slice %arg8[%dma_start3A_61, %dma_start3A_62] : memref<100008x16xf32, #tpu.memory_space<vmem_shared>> -> memref<100008x16xf32, #tpu.memory_space<vmem_shared>>
      tpu.enqueue_indirect_dma source(%arg7 : memref<128x16xf32, #tpu.memory_space<vmem>>) target(%dma_start3A_63 : memref<100008x16xf32, #tpu.memory_space<vmem_shared>>) offsets(%dma_start3A_60 : memref<128xi32, #tpu.memory_space<vmem>>) semaphore(%arg10 : memref<!tpu.dma_semaphore, #tpu.memory_space<semaphore_mem>>) {add = true}
      %dma_start3A_64 = arith.constant 2 : i32
      %dma_start3A_65 = arith.constant 0 : i32
      %dma_start3A_66 = tpu.memref_slice %arg6[%rem3A_32, %dma_start3A_64, %dma_start3A_65] : memref<2x8x128xi32, #tpu.memory_space<vmem>> -> memref<1x1x128xi32, #tpu.memory_space<vmem>>
      %dma_start3A_67 = tpu.memref_squeeze %dma_start3A_66 : memref<1x1x128xi32, #tpu.memory_space<vmem>> -> memref<128xi32, #tpu.memory_space<vmem>>
      %dma_start3A_68 = arith.constant 0 : i32
      %dma_start3A_69 = arith.constant 0 : i32
      %dma_start3A_70 = tpu.memref_slice %arg8[%dma_start3A_68, %dma_start3A_69] : memref<100008x16xf32, #tpu.memory_space<vmem_shared>> -> memref<100008x16xf32, #tpu.memory_space<vmem_shared>>
      tpu.enqueue_indirect_dma source(%arg7 : memref<128x16xf32, #tpu.memory_space<vmem>>) target(%dma_start3A_70 : memref<100008x16xf32, #tpu.memory_space<vmem_shared>>) offsets(%dma_start3A_67 : memref<128xi32, #tpu.memory_space<vmem>>) semaphore(%arg10 : memref<!tpu.dma_semaphore, #tpu.memory_space<semaphore_mem>>) {add = true}
      %dma_start3A_71 = arith.constant 3 : i32
      %dma_start3A_72 = arith.constant 0 : i32
      %dma_start3A_73 = tpu.memref_slice %arg6[%rem3A_32, %dma_start3A_71, %dma_start3A_72] : memref<2x8x128xi32, #tpu.memory_space<vmem>> -> memref<1x1x128xi32, #tpu.memory_space<vmem>>
      %dma_start3A_74 = tpu.memref_squeeze %dma_start3A_73 : memref<1x1x128xi32, #tpu.memory_space<vmem>> -> memref<128xi32, #tpu.memory_space<vmem>>
      %dma_start3A_75 = arith.constant 0 : i32
      %dma_start3A_76 = arith.constant 0 : i32
      %dma_start3A_77 = tpu.memref_slice %arg8[%dma_start3A_75, %dma_start3A_76] : memref<100008x16xf32, #tpu.memory_space<vmem_shared>> -> memref<100008x16xf32, #tpu.memory_space<vmem_shared>>
      tpu.enqueue_indirect_dma source(%arg7 : memref<128x16xf32, #tpu.memory_space<vmem>>) target(%dma_start3A_77 : memref<100008x16xf32, #tpu.memory_space<vmem_shared>>) offsets(%dma_start3A_74 : memref<128xi32, #tpu.memory_space<vmem>>) semaphore(%arg10 : memref<!tpu.dma_semaphore, #tpu.memory_space<semaphore_mem>>) {add = true}
      %dma_start3A_78 = arith.constant 4 : i32
      %dma_start3A_79 = arith.constant 0 : i32
      %dma_start3A_80 = tpu.memref_slice %arg6[%rem3A_32, %dma_start3A_78, %dma_start3A_79] : memref<2x8x128xi32, #tpu.memory_space<vmem>> -> memref<1x1x128xi32, #tpu.memory_space<vmem>>
      %dma_start3A_81 = tpu.memref_squeeze %dma_start3A_80 : memref<1x1x128xi32, #tpu.memory_space<vmem>> -> memref<128xi32, #tpu.memory_space<vmem>>
      %dma_start3A_82 = arith.constant 0 : i32
      %dma_start3A_83 = arith.constant 0 : i32
      %dma_start3A_84 = tpu.memref_slice %arg8[%dma_start3A_82, %dma_start3A_83] : memref<100008x16xf32, #tpu.memory_space<vmem_shared>> -> memref<100008x16xf32, #tpu.memory_space<vmem_shared>>
      tpu.enqueue_indirect_dma source(%arg7 : memref<128x16xf32, #tpu.memory_space<vmem>>) target(%dma_start3A_84 : memref<100008x16xf32, #tpu.memory_space<vmem_shared>>) offsets(%dma_start3A_81 : memref<128xi32, #tpu.memory_space<vmem>>) semaphore(%arg10 : memref<!tpu.dma_semaphore, #tpu.memory_space<semaphore_mem>>) {add = true}
      %dma_start3A_85 = arith.constant 5 : i32
      %dma_start3A_86 = arith.constant 0 : i32
      %dma_start3A_87 = tpu.memref_slice %arg6[%rem3A_32, %dma_start3A_85, %dma_start3A_86] : memref<2x8x128xi32, #tpu.memory_space<vmem>> -> memref<1x1x128xi32, #tpu.memory_space<vmem>>
      %dma_start3A_88 = tpu.memref_squeeze %dma_start3A_87 : memref<1x1x128xi32, #tpu.memory_space<vmem>> -> memref<128xi32, #tpu.memory_space<vmem>>
      %dma_start3A_89 = arith.constant 0 : i32
      %dma_start3A_90 = arith.constant 0 : i32
      %dma_start3A_91 = tpu.memref_slice %arg8[%dma_start3A_89, %dma_start3A_90] : memref<100008x16xf32, #tpu.memory_space<vmem_shared>> -> memref<100008x16xf32, #tpu.memory_space<vmem_shared>>
      tpu.enqueue_indirect_dma source(%arg7 : memref<128x16xf32, #tpu.memory_space<vmem>>) target(%dma_start3A_91 : memref<100008x16xf32, #tpu.memory_space<vmem_shared>>) offsets(%dma_start3A_88 : memref<128xi32, #tpu.memory_space<vmem>>) semaphore(%arg10 : memref<!tpu.dma_semaphore, #tpu.memory_space<semaphore_mem>>) {add = true}
      %dma_start3A_92 = arith.constant 6 : i32
      %dma_start3A_93 = arith.constant 0 : i32
      %dma_start3A_94 = tpu.memref_slice %arg6[%rem3A_32, %dma_start3A_92, %dma_start3A_93] : memref<2x8x128xi32, #tpu.memory_space<vmem>> -> memref<1x1x128xi32, #tpu.memory_space<vmem>>
      %dma_start3A_95 = tpu.memref_squeeze %dma_start3A_94 : memref<1x1x128xi32, #tpu.memory_space<vmem>> -> memref<128xi32, #tpu.memory_space<vmem>>
      %dma_start3A_96 = arith.constant 0 : i32
      %dma_start3A_97 = arith.constant 0 : i32
      %dma_start3A_98 = tpu.memref_slice %arg8[%dma_start3A_96, %dma_start3A_97] : memref<100008x16xf32, #tpu.memory_space<vmem_shared>> -> memref<100008x16xf32, #tpu.memory_space<vmem_shared>>
      tpu.enqueue_indirect_dma source(%arg7 : memref<128x16xf32, #tpu.memory_space<vmem>>) target(%dma_start3A_98 : memref<100008x16xf32, #tpu.memory_space<vmem_shared>>) offsets(%dma_start3A_95 : memref<128xi32, #tpu.memory_space<vmem>>) semaphore(%arg10 : memref<!tpu.dma_semaphore, #tpu.memory_space<semaphore_mem>>) {add = true}
      %dma_start3A_99 = arith.constant 7 : i32
      %dma_start3A_100 = arith.constant 0 : i32
      %dma_start3A_101 = tpu.memref_slice %arg6[%rem3A_32, %dma_start3A_99, %dma_start3A_100] : memref<2x8x128xi32, #tpu.memory_space<vmem>> -> memref<1x1x128xi32, #tpu.memory_space<vmem>>
      %dma_start3A_102 = tpu.memref_squeeze %dma_start3A_101 : memref<1x1x128xi32, #tpu.memory_space<vmem>> -> memref<128xi32, #tpu.memory_space<vmem>>
      %dma_start3A_103 = arith.constant 0 : i32
      %dma_start3A_104 = arith.constant 0 : i32
      %dma_start3A_105 = tpu.memref_slice %arg8[%dma_start3A_103, %dma_start3A_104] : memref<100008x16xf32, #tpu.memory_space<vmem_shared>> -> memref<100008x16xf32, #tpu.memory_space<vmem_shared>>
      tpu.enqueue_indirect_dma source(%arg7 : memref<128x16xf32, #tpu.memory_space<vmem>>) target(%dma_start3A_105 : memref<100008x16xf32, #tpu.memory_space<vmem_shared>>) offsets(%dma_start3A_102 : memref<128xi32, #tpu.memory_space<vmem>>) semaphore(%arg10 : memref<!tpu.dma_semaphore, #tpu.memory_space<semaphore_mem>>) {add = true}
      %dma_wait3A_106 = arith.constant 0 : i32
      %dma_wait3A_107 = arith.constant 0 : i32
      %dma_wait3A_108 = tpu.memref_slice %arg6[%rem3A_32, %dma_wait3A_106, %dma_wait3A_107] : memref<2x8x128xi32, #tpu.memory_space<vmem>> -> memref<1x1x128xi32, #tpu.memory_space<vmem>>
      %dma_wait3A_109 = tpu.memref_squeeze %dma_wait3A_108 : memref<1x1x128xi32, #tpu.memory_space<vmem>> -> memref<128xi32, #tpu.memory_space<vmem>>
      %dma_wait3A_110 = arith.constant 0 : i32
      %dma_wait3A_111 = arith.constant 0 : i32
      %dma_wait3A_112 = tpu.memref_slice %arg8[%dma_wait3A_110, %dma_wait3A_111] : memref<100008x16xf32, #tpu.memory_space<vmem_shared>> -> memref<100008x16xf32, #tpu.memory_space<vmem_shared>>
      tpu.wait_indirect_dma semaphore(%arg10 : memref<!tpu.dma_semaphore, #tpu.memory_space<semaphore_mem>>) src(%arg7 : memref<128x16xf32, #tpu.memory_space<vmem>>) dst(%dma_wait3A_112 : memref<100008x16xf32, #tpu.memory_space<vmem_shared>>)
      %dma_wait3A_113 = arith.constant 1 : i32
      %dma_wait3A_114 = arith.constant 0 : i32
      %dma_wait3A_115 = tpu.memref_slice %arg6[%rem3A_32, %dma_wait3A_113, %dma_wait3A_114] : memref<2x8x128xi32, #tpu.memory_space<vmem>> -> memref<1x1x128xi32, #tpu.memory_space<vmem>>
      %dma_wait3A_116 = tpu.memref_squeeze %dma_wait3A_115 : memref<1x1x128xi32, #tpu.memory_space<vmem>> -> memref<128xi32, #tpu.memory_space<vmem>>
      %dma_wait3A_117 = arith.constant 0 : i32
      %dma_wait3A_118 = arith.constant 0 : i32
      %dma_wait3A_119 = tpu.memref_slice %arg8[%dma_wait3A_117, %dma_wait3A_118] : memref<100008x16xf32, #tpu.memory_space<vmem_shared>> -> memref<100008x16xf32, #tpu.memory_space<vmem_shared>>
      tpu.wait_indirect_dma semaphore(%arg10 : memref<!tpu.dma_semaphore, #tpu.memory_space<semaphore_mem>>) src(%arg7 : memref<128x16xf32, #tpu.memory_space<vmem>>) dst(%dma_wait3A_119 : memref<100008x16xf32, #tpu.memory_space<vmem_shared>>)
      %dma_wait3A_120 = arith.constant 2 : i32
      %dma_wait3A_121 = arith.constant 0 : i32
      %dma_wait3A_122 = tpu.memref_slice %arg6[%rem3A_32, %dma_wait3A_120, %dma_wait3A_121] : memref<2x8x128xi32, #tpu.memory_space<vmem>> -> memref<1x1x128xi32, #tpu.memory_space<vmem>>
      %dma_wait3A_123 = tpu.memref_squeeze %dma_wait3A_122 : memref<1x1x128xi32, #tpu.memory_space<vmem>> -> memref<128xi32, #tpu.memory_space<vmem>>
      %dma_wait3A_124 = arith.constant 0 : i32
      %dma_wait3A_125 = arith.constant 0 : i32
      %dma_wait3A_126 = tpu.memref_slice %arg8[%dma_wait3A_124, %dma_wait3A_125] : memref<100008x16xf32, #tpu.memory_space<vmem_shared>> -> memref<100008x16xf32, #tpu.memory_space<vmem_shared>>
      tpu.wait_indirect_dma semaphore(%arg10 : memref<!tpu.dma_semaphore, #tpu.memory_space<semaphore_mem>>) src(%arg7 : memref<128x16xf32, #tpu.memory_space<vmem>>) dst(%dma_wait3A_126 : memref<100008x16xf32, #tpu.memory_space<vmem_shared>>)
      %dma_wait3A_127 = arith.constant 3 : i32
      %dma_wait3A_128 = arith.constant 0 : i32
      %dma_wait3A_129 = tpu.memref_slice %arg6[%rem3A_32, %dma_wait3A_127, %dma_wait3A_128] : memref<2x8x128xi32, #tpu.memory_space<vmem>> -> memref<1x1x128xi32, #tpu.memory_space<vmem>>
      %dma_wait3A_130 = tpu.memref_squeeze %dma_wait3A_129 : memref<1x1x128xi32, #tpu.memory_space<vmem>> -> memref<128xi32, #tpu.memory_space<vmem>>
      %dma_wait3A_131 = arith.constant 0 : i32
      %dma_wait3A_132 = arith.constant 0 : i32
      %dma_wait3A_133 = tpu.memref_slice %arg8[%dma_wait3A_131, %dma_wait3A_132] : memref<100008x16xf32, #tpu.memory_space<vmem_shared>> -> memref<100008x16xf32, #tpu.memory_space<vmem_shared>>
      tpu.wait_indirect_dma semaphore(%arg10 : memref<!tpu.dma_semaphore, #tpu.memory_space<semaphore_mem>>) src(%arg7 : memref<128x16xf32, #tpu.memory_space<vmem>>) dst(%dma_wait3A_133 : memref<100008x16xf32, #tpu.memory_space<vmem_shared>>)
      %dma_wait3A_134 = arith.constant 4 : i32
      %dma_wait3A_135 = arith.constant 0 : i32
      %dma_wait3A_136 = tpu.memref_slice %arg6[%rem3A_32, %dma_wait3A_134, %dma_wait3A_135] : memref<2x8x128xi32, #tpu.memory_space<vmem>> -> memref<1x1x128xi32, #tpu.memory_space<vmem>>
      %dma_wait3A_137 = tpu.memref_squeeze %dma_wait3A_136 : memref<1x1x128xi32, #tpu.memory_space<vmem>> -> memref<128xi32, #tpu.memory_space<vmem>>
      %dma_wait3A_138 = arith.constant 0 : i32
      %dma_wait3A_139 = arith.constant 0 : i32
      %dma_wait3A_140 = tpu.memref_slice %arg8[%dma_wait3A_138, %dma_wait3A_139] : memref<100008x16xf32, #tpu.memory_space<vmem_shared>> -> memref<100008x16xf32, #tpu.memory_space<vmem_shared>>
      tpu.wait_indirect_dma semaphore(%arg10 : memref<!tpu.dma_semaphore, #tpu.memory_space<semaphore_mem>>) src(%arg7 : memref<128x16xf32, #tpu.memory_space<vmem>>) dst(%dma_wait3A_140 : memref<100008x16xf32, #tpu.memory_space<vmem_shared>>)
      %dma_wait3A_141 = arith.constant 5 : i32
      %dma_wait3A_142 = arith.constant 0 : i32
      %dma_wait3A_143 = tpu.memref_slice %arg6[%rem3A_32, %dma_wait3A_141, %dma_wait3A_142] : memref<2x8x128xi32, #tpu.memory_space<vmem>> -> memref<1x1x128xi32, #tpu.memory_space<vmem>>
      %dma_wait3A_144 = tpu.memref_squeeze %dma_wait3A_143 : memref<1x1x128xi32, #tpu.memory_space<vmem>> -> memref<128xi32, #tpu.memory_space<vmem>>
      %dma_wait3A_145 = arith.constant 0 : i32
      %dma_wait3A_146 = arith.constant 0 : i32
      %dma_wait3A_147 = tpu.memref_slice %arg8[%dma_wait3A_145, %dma_wait3A_146] : memref<100008x16xf32, #tpu.memory_space<vmem_shared>> -> memref<100008x16xf32, #tpu.memory_space<vmem_shared>>
      tpu.wait_indirect_dma semaphore(%arg10 : memref<!tpu.dma_semaphore, #tpu.memory_space<semaphore_mem>>) src(%arg7 : memref<128x16xf32, #tpu.memory_space<vmem>>) dst(%dma_wait3A_147 : memref<100008x16xf32, #tpu.memory_space<vmem_shared>>)
      %dma_wait3A_148 = arith.constant 6 : i32
      %dma_wait3A_149 = arith.constant 0 : i32
      %dma_wait3A_150 = tpu.memref_slice %arg6[%rem3A_32, %dma_wait3A_148, %dma_wait3A_149] : memref<2x8x128xi32, #tpu.memory_space<vmem>> -> memref<1x1x128xi32, #tpu.memory_space<vmem>>
      %dma_wait3A_151 = tpu.memref_squeeze %dma_wait3A_150 : memref<1x1x128xi32, #tpu.memory_space<vmem>> -> memref<128xi32, #tpu.memory_space<vmem>>
      %dma_wait3A_152 = arith.constant 0 : i32
      %dma_wait3A_153 = arith.constant 0 : i32
      %dma_wait3A_154 = tpu.memref_slice %arg8[%dma_wait3A_152, %dma_wait3A_153] : memref<100008x16xf32, #tpu.memory_space<vmem_shared>> -> memref<100008x16xf32, #tpu.memory_space<vmem_shared>>
      tpu.wait_indirect_dma semaphore(%arg10 : memref<!tpu.dma_semaphore, #tpu.memory_space<semaphore_mem>>) src(%arg7 : memref<128x16xf32, #tpu.memory_space<vmem>>) dst(%dma_wait3A_154 : memref<100008x16xf32, #tpu.memory_space<vmem_shared>>)
      %dma_wait3A_155 = arith.constant 7 : i32
      %dma_wait3A_156 = arith.constant 0 : i32
      %dma_wait3A_157 = tpu.memref_slice %arg6[%rem3A_32, %dma_wait3A_155, %dma_wait3A_156] : memref<2x8x128xi32, #tpu.memory_space<vmem>> -> memref<1x1x128xi32, #tpu.memory_space<vmem>>
      %dma_wait3A_158 = tpu.memref_squeeze %dma_wait3A_157 : memref<1x1x128xi32, #tpu.memory_space<vmem>> -> memref<128xi32, #tpu.memory_space<vmem>>
      %dma_wait3A_159 = arith.constant 0 : i32
      %dma_wait3A_160 = arith.constant 0 : i32
      %dma_wait3A_161 = tpu.memref_slice %arg8[%dma_wait3A_159, %dma_wait3A_160] : memref<100008x16xf32, #tpu.memory_space<vmem_shared>> -> memref<100008x16xf32, #tpu.memory_space<vmem_shared>>
      tpu.wait_indirect_dma semaphore(%arg10 : memref<!tpu.dma_semaphore, #tpu.memory_space<semaphore_mem>>) src(%arg7 : memref<128x16xf32, #tpu.memory_space<vmem>>) dst(%dma_wait3A_161 : memref<100008x16xf32, #tpu.memory_space<vmem_shared>>)
    }
    %scan3A_22 = arith.constant 98 : i32
    %barrier3A_23 = arith.constant 0 : index
    tpu.barrier barrier_id(%barrier3A_23)
    %mul3A_24 = arith.constant 16 : i32
    %mul3A_25 = arith.muli %arg0, %mul3A_24 : i32
    %add3A_26 = arith.addi %mul3A_25, %arg1 : i32
    "tpu.region"() ({
      %run_scoped3A = tpu.sem_alloc : memref<!tpu.dma_semaphore, #tpu.memory_space<semaphore_mem>>
      %dma_start3A_27 = arith.constant 0 : i32
      %dma_start3A_28 = arith.constant 0 : i32
      %dma_start3A_29 = tpu.memref_slice %arg5[%add3A_26, %dma_start3A_27, %dma_start3A_28] : memref<32x6250x16xf32, #tpu.memory_space<hbm>> -> memref<1x6250x16xf32, #tpu.memory_space<hbm>>
      %dma_start3A_30 = tpu.memref_squeeze %dma_start3A_29 : memref<1x6250x16xf32, #tpu.memory_space<hbm>> -> memref<6250x16xf32, #tpu.memory_space<hbm>>
      %dma_start3A_31 = arith.constant 0 : i32
      %dma_start3A_32 = tpu.memref_slice %arg8[%mul3A_2, %dma_start3A_31] : memref<100008x16xf32, #tpu.memory_space<vmem_shared>> -> memref<6250x16xf32, #tpu.memory_space<vmem_shared>>
      tpu.enqueue_dma source(%dma_start3A_32 : memref<6250x16xf32, #tpu.memory_space<vmem_shared>>) target(%dma_start3A_30 : memref<6250x16xf32, #tpu.memory_space<hbm>>) target_semaphore(%run_scoped3A : memref<!tpu.dma_semaphore, #tpu.memory_space<semaphore_mem>>)
      %dma_wait3A = arith.constant 0 : i32
      %dma_wait3A_33 = arith.constant 0 : i32
      %dma_wait3A_34 = tpu.memref_slice %arg5[%add3A_26, %dma_wait3A, %dma_wait3A_33] : memref<32x6250x16xf32, #tpu.memory_space<hbm>> -> memref<1x6250x16xf32, #tpu.memory_space<hbm>>
      %dma_wait3A_35 = tpu.memref_squeeze %dma_wait3A_34 : memref<1x6250x16xf32, #tpu.memory_space<hbm>> -> memref<6250x16xf32, #tpu.memory_space<hbm>>
      %dma_wait3A_36 = arith.constant 0 : i32
      %dma_wait3A_37 = tpu.memref_slice %arg8[%mul3A_2, %dma_wait3A_36] : memref<100008x16xf32, #tpu.memory_space<vmem_shared>> -> memref<6250x16xf32, #tpu.memory_space<vmem_shared>>
      tpu.wait_dma2 semaphore(%run_scoped3A : memref<!tpu.dma_semaphore, #tpu.memory_space<semaphore_mem>>) src(%dma_wait3A_37 : memref<6250x16xf32, #tpu.memory_space<vmem_shared>>) dst(%dma_wait3A_35 : memref<6250x16xf32, #tpu.memory_space<hbm>>)
      tpu.yield
    }) : () -> ()
    return
  }
}

#map = affine_map<(d0, d1) -> (0, 0)>
#map1 = affine_map<(d0, d1) -> (0, 0, 0)>
module attributes {stable_mosaic.version = 14 : i64} {
  func.func @seg_kernel(%arg0: i32, %arg1: i32, %arg2: memref<100000x16xf32, #tpu.memory_space<hbm>>, %arg3: memref<25088x128xi32, #tpu.memory_space<hbm>>, %arg4: memref<25088x128xi32, #tpu.memory_space<hbm>>, %arg5: memref<6250x16xf32, #tpu.memory_space<hbm>>, %arg6: memref<32x6250x16xf32, #tpu.memory_space<hbm>>, %arg7: memref<2x8x128xi32, #tpu.memory_space<vmem>>, %arg8: memref<2x8x128xi32, #tpu.memory_space<vmem>>, %arg9: memref<1024x16xf32, #tpu.memory_space<vmem>>, %arg10: memref<100008x16xf32, #tpu.memory_space<vmem_shared>>, %arg11: memref<!tpu.dma_semaphore, #tpu.memory_space<semaphore_mem>>, %arg12: memref<!tpu.dma_semaphore, #tpu.memory_space<semaphore_mem>>, %arg13: memref<!tpu.dma_semaphore, #tpu.memory_space<semaphore_mem>>) attributes {dimension_semantics = [#tpu.dimension_semantics<core_parallel>, #tpu.dimension_semantics<subcore_parallel>], iteration_bounds = array<i64: 2, 16>, scalar_prefetch = 0 : i64, scratch_operands = 7 : i64, tpu.core_type = #tpu.core_type<sc_vector_subcore>, window_params = [{transform_indices = #map}, {transform_indices = #map}, {transform_indices = #map}, {transform_indices = #map}, {transform_indices = #map1}]} {
    %mul3A = arith.constant 2 : i32
    %mul3A_0 = arith.muli %arg1, %mul3A : i32
    %add3A = arith.addi %mul3A_0, %arg0 : i32
    %mul3A_1 = arith.constant 6250 : i32
    %mul3A_2 = arith.muli %arg1, %mul3A_1 : i32
    "tpu.region"() ({
      %run_scoped3A = tpu.sem_alloc : memref<!tpu.dma_semaphore, #tpu.memory_space<semaphore_mem>>
      %dma_start3A_42 = arith.constant 0 : i32
      %dma_start3A_43 = tpu.memref_slice %arg10[%mul3A_2, %dma_start3A_42] : memref<100008x16xf32, #tpu.memory_space<vmem_shared>> -> memref<6250x16xf32, #tpu.memory_space<vmem_shared>>
      tpu.enqueue_dma source(%arg5 : memref<6250x16xf32, #tpu.memory_space<hbm>>) target(%dma_start3A_43 : memref<6250x16xf32, #tpu.memory_space<vmem_shared>>) target_semaphore(%run_scoped3A : memref<!tpu.dma_semaphore, #tpu.memory_space<semaphore_mem>>)
      %dma_wait3A = arith.constant 0 : i32
      %dma_wait3A_44 = tpu.memref_slice %arg10[%mul3A_2, %dma_wait3A] : memref<100008x16xf32, #tpu.memory_space<vmem_shared>> -> memref<6250x16xf32, #tpu.memory_space<vmem_shared>>
      tpu.wait_dma2 semaphore(%run_scoped3A : memref<!tpu.dma_semaphore, #tpu.memory_space<semaphore_mem>>) src(%arg5 : memref<6250x16xf32, #tpu.memory_space<hbm>>) dst(%dma_wait3A_44 : memref<6250x16xf32, #tpu.memory_space<vmem_shared>>)
      tpu.yield
    }) : () -> ()
    %barrier3A = arith.constant 0 : index
    tpu.barrier barrier_id(%barrier3A)
    %add3A_3 = arith.constant 0 : i32
    %add3A_4 = arith.addi %add3A, %add3A_3 : i32
    %mul3A_5 = arith.constant 8 : i32
    %mul3A_6 = arith.muli %add3A_4, %mul3A_5 : i32
    %dma_start3A = arith.constant 0 : i32
    %dma_start3A_7 = arith.constant 0 : i32
    %dma_start3A_8 = arith.constant 0 : i32
    %dma_start3A_9 = tpu.memref_slice %arg7[%dma_start3A, %dma_start3A_7, %dma_start3A_8] : memref<2x8x128xi32, #tpu.memory_space<vmem>> -> memref<1x8x128xi32, #tpu.memory_space<vmem>>
    %dma_start3A_10 = tpu.memref_squeeze %dma_start3A_9 : memref<1x8x128xi32, #tpu.memory_space<vmem>> -> memref<8x128xi32, #tpu.memory_space<vmem>>
    %dma_start3A_11 = arith.constant 0 : i32
    %dma_start3A_12 = tpu.memref_slice %arg3[%mul3A_6, %dma_start3A_11] : memref<25088x128xi32, #tpu.memory_space<hbm>> -> memref<8x128xi32, #tpu.memory_space<hbm>>
    %dma_start3A_13 = arith.constant 0 : i32
    %dma_start3A_14 = arith.constant 0 : i32
    %dma_start3A_15 = tpu.memref_slice %arg7[%dma_start3A, %dma_start3A_13, %dma_start3A_14] : memref<2x8x128xi32, #tpu.memory_space<vmem>> -> memref<1x8x128xi32, #tpu.memory_space<vmem>>
    %dma_start3A_16 = tpu.memref_squeeze %dma_start3A_15 : memref<1x8x128xi32, #tpu.memory_space<vmem>> -> memref<8x128xi32, #tpu.memory_space<vmem>>
    %dma_start3A_17 = arith.constant 0 : i32
    %dma_start3A_18 = tpu.memref_slice %arg3[%mul3A_6, %dma_start3A_17] : memref<25088x128xi32, #tpu.memory_space<hbm>> -> memref<8x128xi32, #tpu.memory_space<hbm>>
    tpu.enqueue_dma source(%dma_start3A_18 : memref<8x128xi32, #tpu.memory_space<hbm>>) target(%dma_start3A_16 : memref<8x128xi32, #tpu.memory_space<vmem>>) target_semaphore(%arg11 : memref<!tpu.dma_semaphore, #tpu.memory_space<semaphore_mem>>)
    %mul3A_19 = arith.constant 8 : i32
    %mul3A_20 = arith.muli %add3A_4, %mul3A_19 : i32
    %dma_start3A_21 = arith.constant 0 : i32
    %dma_start3A_22 = arith.constant 0 : i32
    %dma_start3A_23 = arith.constant 0 : i32
    %dma_start3A_24 = tpu.memref_slice %arg8[%dma_start3A_21, %dma_start3A_22, %dma_start3A_23] : memref<2x8x128xi32, #tpu.memory_space<vmem>> -> memref<1x8x128xi32, #tpu.memory_space<vmem>>
    %dma_start3A_25 = tpu.memref_squeeze %dma_start3A_24 : memref<1x8x128xi32, #tpu.memory_space<vmem>> -> memref<8x128xi32, #tpu.memory_space<vmem>>
    %dma_start3A_26 = arith.constant 0 : i32
    %dma_start3A_27 = tpu.memref_slice %arg4[%mul3A_20, %dma_start3A_26] : memref<25088x128xi32, #tpu.memory_space<hbm>> -> memref<8x128xi32, #tpu.memory_space<hbm>>
    %dma_start3A_28 = arith.constant 0 : i32
    %dma_start3A_29 = arith.constant 0 : i32
    %dma_start3A_30 = tpu.memref_slice %arg8[%dma_start3A_21, %dma_start3A_28, %dma_start3A_29] : memref<2x8x128xi32, #tpu.memory_space<vmem>> -> memref<1x8x128xi32, #tpu.memory_space<vmem>>
    %dma_start3A_31 = tpu.memref_squeeze %dma_start3A_30 : memref<1x8x128xi32, #tpu.memory_space<vmem>> -> memref<8x128xi32, #tpu.memory_space<vmem>>
    %dma_start3A_32 = arith.constant 0 : i32
    %dma_start3A_33 = tpu.memref_slice %arg4[%mul3A_20, %dma_start3A_32] : memref<25088x128xi32, #tpu.memory_space<hbm>> -> memref<8x128xi32, #tpu.memory_space<hbm>>
    tpu.enqueue_dma source(%dma_start3A_33 : memref<8x128xi32, #tpu.memory_space<hbm>>) target(%dma_start3A_31 : memref<8x128xi32, #tpu.memory_space<vmem>>) target_semaphore(%arg11 : memref<!tpu.dma_semaphore, #tpu.memory_space<semaphore_mem>>)
    %scan3A = arith.constant 0 : i32
    %scan3A_34 = arith.constant 98 : i32
    %scan3A_35 = arith.addi %scan3A, %scan3A_34 : i32
    %scan3A_36 = arith.constant 1 : i32
    scf.for %scan3A_42 = %scan3A to %scan3A_35 step %scan3A_36  : i32 {
      %mul3A_43 = arith.constant 1 : i32
      %mul3A_44 = arith.muli %scan3A_42, %mul3A_43 : i32
      %add3A_45 = arith.constant 0 : i32
      %add3A_46 = arith.addi %add3A_45, %mul3A_44 : i32
      %rem3A = arith.constant 2 : i32
      %rem3A_47 = arith.remsi %add3A_46, %rem3A : i32
      %dma_wait3A = arith.constant 0 : i32
      %dma_wait3A_48 = arith.constant 0 : i32
      %dma_wait3A_49 = tpu.memref_slice %arg7[%rem3A_47, %dma_wait3A, %dma_wait3A_48] : memref<2x8x128xi32, #tpu.memory_space<vmem>> -> memref<1x8x128xi32, #tpu.memory_space<vmem>>
      %dma_wait3A_50 = tpu.memref_squeeze %dma_wait3A_49 : memref<1x8x128xi32, #tpu.memory_space<vmem>> -> memref<8x128xi32, #tpu.memory_space<vmem>>
      %dma_wait3A_51 = arith.constant 0 : i32
      %dma_wait3A_52 = arith.constant 0 : i32
      %dma_wait3A_53 = tpu.memref_slice %arg3[%dma_wait3A_51, %dma_wait3A_52] : memref<25088x128xi32, #tpu.memory_space<hbm>> -> memref<8x128xi32, #tpu.memory_space<hbm>>
      %dma_wait3A_54 = arith.constant 0 : i32
      %dma_wait3A_55 = arith.constant 0 : i32
      %dma_wait3A_56 = tpu.memref_slice %arg7[%rem3A_47, %dma_wait3A_54, %dma_wait3A_55] : memref<2x8x128xi32, #tpu.memory_space<vmem>> -> memref<1x8x128xi32, #tpu.memory_space<vmem>>
      %dma_wait3A_57 = tpu.memref_squeeze %dma_wait3A_56 : memref<1x8x128xi32, #tpu.memory_space<vmem>> -> memref<8x128xi32, #tpu.memory_space<vmem>>
      %dma_wait3A_58 = arith.constant 0 : i32
      %dma_wait3A_59 = arith.constant 0 : i32
      %dma_wait3A_60 = tpu.memref_slice %arg3[%dma_wait3A_58, %dma_wait3A_59] : memref<25088x128xi32, #tpu.memory_space<hbm>> -> memref<8x128xi32, #tpu.memory_space<hbm>>
      tpu.wait_dma2 semaphore(%arg11 : memref<!tpu.dma_semaphore, #tpu.memory_space<semaphore_mem>>) src(%dma_wait3A_60 : memref<8x128xi32, #tpu.memory_space<hbm>>) dst(%dma_wait3A_57 : memref<8x128xi32, #tpu.memory_space<vmem>>)
      %dma_wait3A_61 = arith.constant 0 : i32
      %dma_wait3A_62 = arith.constant 0 : i32
      %dma_wait3A_63 = tpu.memref_slice %arg8[%rem3A_47, %dma_wait3A_61, %dma_wait3A_62] : memref<2x8x128xi32, #tpu.memory_space<vmem>> -> memref<1x8x128xi32, #tpu.memory_space<vmem>>
      %dma_wait3A_64 = tpu.memref_squeeze %dma_wait3A_63 : memref<1x8x128xi32, #tpu.memory_space<vmem>> -> memref<8x128xi32, #tpu.memory_space<vmem>>
      %dma_wait3A_65 = arith.constant 0 : i32
      %dma_wait3A_66 = arith.constant 0 : i32
      %dma_wait3A_67 = tpu.memref_slice %arg4[%dma_wait3A_65, %dma_wait3A_66] : memref<25088x128xi32, #tpu.memory_space<hbm>> -> memref<8x128xi32, #tpu.memory_space<hbm>>
      %dma_wait3A_68 = arith.constant 0 : i32
      %dma_wait3A_69 = arith.constant 0 : i32
      %dma_wait3A_70 = tpu.memref_slice %arg8[%rem3A_47, %dma_wait3A_68, %dma_wait3A_69] : memref<2x8x128xi32, #tpu.memory_space<vmem>> -> memref<1x8x128xi32, #tpu.memory_space<vmem>>
      %dma_wait3A_71 = tpu.memref_squeeze %dma_wait3A_70 : memref<1x8x128xi32, #tpu.memory_space<vmem>> -> memref<8x128xi32, #tpu.memory_space<vmem>>
      %dma_wait3A_72 = arith.constant 0 : i32
      %dma_wait3A_73 = arith.constant 0 : i32
      %dma_wait3A_74 = tpu.memref_slice %arg4[%dma_wait3A_72, %dma_wait3A_73] : memref<25088x128xi32, #tpu.memory_space<hbm>> -> memref<8x128xi32, #tpu.memory_space<hbm>>
      tpu.wait_dma2 semaphore(%arg11 : memref<!tpu.dma_semaphore, #tpu.memory_space<semaphore_mem>>) src(%dma_wait3A_74 : memref<8x128xi32, #tpu.memory_space<hbm>>) dst(%dma_wait3A_71 : memref<8x128xi32, #tpu.memory_space<vmem>>)
      %add3A_75 = arith.constant 1 : i32
      %add3A_76 = arith.addi %add3A_46, %add3A_75 : i32
      %lt3A = arith.constant 98 : i32
      %lt3A_77 = arith.cmpi slt, %add3A_76, %lt3A : i32
      %convert_element_type3A = arith.extui %lt3A_77 : i1 to i32
      %cond3A = arith.constant 0 : i32
      %cond3A_78 = arith.cmpi ne, %convert_element_type3A, %cond3A : i32
      scf.if %cond3A_78 {
        %add3A_399 = arith.constant 1 : i32
        %add3A_400 = arith.addi %add3A_46, %add3A_399 : i32
        %sub3A = arith.constant 1 : i32
        %sub3A_401 = arith.subi %sub3A, %rem3A_47 : i32
        %mul3A_402 = arith.constant 32 : i32
        %mul3A_403 = arith.muli %add3A_400, %mul3A_402 : i32
        %add3A_404 = arith.addi %add3A, %mul3A_403 : i32
        %mul3A_405 = arith.constant 8 : i32
        %mul3A_406 = arith.muli %add3A_404, %mul3A_405 : i32
        %dma_start3A_407 = arith.constant 0 : i32
        %dma_start3A_408 = arith.constant 0 : i32
        %dma_start3A_409 = tpu.memref_slice %arg7[%sub3A_401, %dma_start3A_407, %dma_start3A_408] : memref<2x8x128xi32, #tpu.memory_space<vmem>> -> memref<1x8x128xi32, #tpu.memory_space<vmem>>
        %dma_start3A_410 = tpu.memref_squeeze %dma_start3A_409 : memref<1x8x128xi32, #tpu.memory_space<vmem>> -> memref<8x128xi32, #tpu.memory_space<vmem>>
        %dma_start3A_411 = arith.constant 0 : i32
        %dma_start3A_412 = tpu.memref_slice %arg3[%mul3A_406, %dma_start3A_411] : memref<25088x128xi32, #tpu.memory_space<hbm>> -> memref<8x128xi32, #tpu.memory_space<hbm>>
        %dma_start3A_413 = arith.constant 0 : i32
        %dma_start3A_414 = arith.constant 0 : i32
        %dma_start3A_415 = tpu.memref_slice %arg7[%sub3A_401, %dma_start3A_413, %dma_start3A_414] : memref<2x8x128xi32, #tpu.memory_space<vmem>> -> memref<1x8x128xi32, #tpu.memory_space<vmem>>
        %dma_start3A_416 = tpu.memref_squeeze %dma_start3A_415 : memref<1x8x128xi32, #tpu.memory_space<vmem>> -> memref<8x128xi32, #tpu.memory_space<vmem>>
        %dma_start3A_417 = arith.constant 0 : i32
        %dma_start3A_418 = tpu.memref_slice %arg3[%mul3A_406, %dma_start3A_417] : memref<25088x128xi32, #tpu.memory_space<hbm>> -> memref<8x128xi32, #tpu.memory_space<hbm>>
        tpu.enqueue_dma source(%dma_start3A_418 : memref<8x128xi32, #tpu.memory_space<hbm>>) target(%dma_start3A_416 : memref<8x128xi32, #tpu.memory_space<vmem>>) target_semaphore(%arg11 : memref<!tpu.dma_semaphore, #tpu.memory_space<semaphore_mem>>)
        %mul3A_419 = arith.constant 8 : i32
        %mul3A_420 = arith.muli %add3A_404, %mul3A_419 : i32
        %dma_start3A_421 = arith.constant 0 : i32
        %dma_start3A_422 = arith.constant 0 : i32
        %dma_start3A_423 = tpu.memref_slice %arg8[%sub3A_401, %dma_start3A_421, %dma_start3A_422] : memref<2x8x128xi32, #tpu.memory_space<vmem>> -> memref<1x8x128xi32, #tpu.memory_space<vmem>>
        %dma_start3A_424 = tpu.memref_squeeze %dma_start3A_423 : memref<1x8x128xi32, #tpu.memory_space<vmem>> -> memref<8x128xi32, #tpu.memory_space<vmem>>
        %dma_start3A_425 = arith.constant 0 : i32
        %dma_start3A_426 = tpu.memref_slice %arg4[%mul3A_420, %dma_start3A_425] : memref<25088x128xi32, #tpu.memory_space<hbm>> -> memref<8x128xi32, #tpu.memory_space<hbm>>
        %dma_start3A_427 = arith.constant 0 : i32
        %dma_start3A_428 = arith.constant 0 : i32
        %dma_start3A_429 = tpu.memref_slice %arg8[%sub3A_401, %dma_start3A_427, %dma_start3A_428] : memref<2x8x128xi32, #tpu.memory_space<vmem>> -> memref<1x8x128xi32, #tpu.memory_space<vmem>>
        %dma_start3A_430 = tpu.memref_squeeze %dma_start3A_429 : memref<1x8x128xi32, #tpu.memory_space<vmem>> -> memref<8x128xi32, #tpu.memory_space<vmem>>
        %dma_start3A_431 = arith.constant 0 : i32
        %dma_start3A_432 = tpu.memref_slice %arg4[%mul3A_420, %dma_start3A_431] : memref<25088x128xi32, #tpu.memory_space<hbm>> -> memref<8x128xi32, #tpu.memory_space<hbm>>
        tpu.enqueue_dma source(%dma_start3A_432 : memref<8x128xi32, #tpu.memory_space<hbm>>) target(%dma_start3A_430 : memref<8x128xi32, #tpu.memory_space<vmem>>) target_semaphore(%arg11 : memref<!tpu.dma_semaphore, #tpu.memory_space<semaphore_mem>>)
      } else {
      }
      %dma_start3A_79 = arith.constant 0 : i32
      %dma_start3A_80 = arith.constant 0 : i32
      %dma_start3A_81 = arith.constant 0 : i32
      %dma_start3A_82 = tpu.memref_slice %arg9[%dma_start3A_80, %dma_start3A_81] : memref<1024x16xf32, #tpu.memory_space<vmem>> -> memref<128x16xf32, #tpu.memory_space<vmem>>
      %dma_start3A_83 = arith.constant 0 : i32
      %dma_start3A_84 = tpu.memref_slice %arg7[%rem3A_47, %dma_start3A_79, %dma_start3A_83] : memref<2x8x128xi32, #tpu.memory_space<vmem>> -> memref<1x1x128xi32, #tpu.memory_space<vmem>>
      %dma_start3A_85 = tpu.memref_squeeze %dma_start3A_84 : memref<1x1x128xi32, #tpu.memory_space<vmem>> -> memref<128xi32, #tpu.memory_space<vmem>>
      %dma_start3A_86 = arith.constant 0 : i32
      %dma_start3A_87 = arith.constant 0 : i32
      %dma_start3A_88 = tpu.memref_slice %arg2[%dma_start3A_86, %dma_start3A_87] : memref<100000x16xf32, #tpu.memory_space<hbm>> -> memref<100000x16xf32, #tpu.memory_space<hbm>>
      tpu.enqueue_indirect_dma source(%dma_start3A_88 : memref<100000x16xf32, #tpu.memory_space<hbm>>) target(%dma_start3A_82 : memref<128x16xf32, #tpu.memory_space<vmem>>) offsets(%dma_start3A_85 : memref<128xi32, #tpu.memory_space<vmem>>) semaphore(%arg12 : memref<!tpu.dma_semaphore, #tpu.memory_space<semaphore_mem>>)
      %dma_start3A_89 = arith.constant 1 : i32
      %dma_start3A_90 = arith.constant 128 : i32
      %dma_start3A_91 = arith.constant 0 : i32
      %dma_start3A_92 = tpu.memref_slice %arg9[%dma_start3A_90, %dma_start3A_91] : memref<1024x16xf32, #tpu.memory_space<vmem>> -> memref<128x16xf32, #tpu.memory_space<vmem>>
      %dma_start3A_93 = arith.constant 0 : i32
      %dma_start3A_94 = tpu.memref_slice %arg7[%rem3A_47, %dma_start3A_89, %dma_start3A_93] : memref<2x8x128xi32, #tpu.memory_space<vmem>> -> memref<1x1x128xi32, #tpu.memory_space<vmem>>
      %dma_start3A_95 = tpu.memref_squeeze %dma_start3A_94 : memref<1x1x128xi32, #tpu.memory_space<vmem>> -> memref<128xi32, #tpu.memory_space<vmem>>
      %dma_start3A_96 = arith.constant 0 : i32
      %dma_start3A_97 = arith.constant 0 : i32
      %dma_start3A_98 = tpu.memref_slice %arg2[%dma_start3A_96, %dma_start3A_97] : memref<100000x16xf32, #tpu.memory_space<hbm>> -> memref<100000x16xf32, #tpu.memory_space<hbm>>
      tpu.enqueue_indirect_dma source(%dma_start3A_98 : memref<100000x16xf32, #tpu.memory_space<hbm>>) target(%dma_start3A_92 : memref<128x16xf32, #tpu.memory_space<vmem>>) offsets(%dma_start3A_95 : memref<128xi32, #tpu.memory_space<vmem>>) semaphore(%arg12 : memref<!tpu.dma_semaphore, #tpu.memory_space<semaphore_mem>>)
      %dma_start3A_99 = arith.constant 2 : i32
      %dma_start3A_100 = arith.constant 256 : i32
      %dma_start3A_101 = arith.constant 0 : i32
      %dma_start3A_102 = tpu.memref_slice %arg9[%dma_start3A_100, %dma_start3A_101] : memref<1024x16xf32, #tpu.memory_space<vmem>> -> memref<128x16xf32, #tpu.memory_space<vmem>>
      %dma_start3A_103 = arith.constant 0 : i32
      %dma_start3A_104 = tpu.memref_slice %arg7[%rem3A_47, %dma_start3A_99, %dma_start3A_103] : memref<2x8x128xi32, #tpu.memory_space<vmem>> -> memref<1x1x128xi32, #tpu.memory_space<vmem>>
      %dma_start3A_105 = tpu.memref_squeeze %dma_start3A_104 : memref<1x1x128xi32, #tpu.memory_space<vmem>> -> memref<128xi32, #tpu.memory_space<vmem>>
      %dma_start3A_106 = arith.constant 0 : i32
      %dma_start3A_107 = arith.constant 0 : i32
      %dma_start3A_108 = tpu.memref_slice %arg2[%dma_start3A_106, %dma_start3A_107] : memref<100000x16xf32, #tpu.memory_space<hbm>> -> memref<100000x16xf32, #tpu.memory_space<hbm>>
      tpu.enqueue_indirect_dma source(%dma_start3A_108 : memref<100000x16xf32, #tpu.memory_space<hbm>>) target(%dma_start3A_102 : memref<128x16xf32, #tpu.memory_space<vmem>>) offsets(%dma_start3A_105 : memref<128xi32, #tpu.memory_space<vmem>>) semaphore(%arg12 : memref<!tpu.dma_semaphore, #tpu.memory_space<semaphore_mem>>)
      %dma_start3A_109 = arith.constant 3 : i32
      %dma_start3A_110 = arith.constant 384 : i32
      %dma_start3A_111 = arith.constant 0 : i32
      %dma_start3A_112 = tpu.memref_slice %arg9[%dma_start3A_110, %dma_start3A_111] : memref<1024x16xf32, #tpu.memory_space<vmem>> -> memref<128x16xf32, #tpu.memory_space<vmem>>
      %dma_start3A_113 = arith.constant 0 : i32
      %dma_start3A_114 = tpu.memref_slice %arg7[%rem3A_47, %dma_start3A_109, %dma_start3A_113] : memref<2x8x128xi32, #tpu.memory_space<vmem>> -> memref<1x1x128xi32, #tpu.memory_space<vmem>>
      %dma_start3A_115 = tpu.memref_squeeze %dma_start3A_114 : memref<1x1x128xi32, #tpu.memory_space<vmem>> -> memref<128xi32, #tpu.memory_space<vmem>>
      %dma_start3A_116 = arith.constant 0 : i32
      %dma_start3A_117 = arith.constant 0 : i32
      %dma_start3A_118 = tpu.memref_slice %arg2[%dma_start3A_116, %dma_start3A_117] : memref<100000x16xf32, #tpu.memory_space<hbm>> -> memref<100000x16xf32, #tpu.memory_space<hbm>>
      tpu.enqueue_indirect_dma source(%dma_start3A_118 : memref<100000x16xf32, #tpu.memory_space<hbm>>) target(%dma_start3A_112 : memref<128x16xf32, #tpu.memory_space<vmem>>) offsets(%dma_start3A_115 : memref<128xi32, #tpu.memory_space<vmem>>) semaphore(%arg12 : memref<!tpu.dma_semaphore, #tpu.memory_space<semaphore_mem>>)
      %dma_start3A_119 = arith.constant 4 : i32
      %dma_start3A_120 = arith.constant 512 : i32
      %dma_start3A_121 = arith.constant 0 : i32
      %dma_start3A_122 = tpu.memref_slice %arg9[%dma_start3A_120, %dma_start3A_121] : memref<1024x16xf32, #tpu.memory_space<vmem>> -> memref<128x16xf32, #tpu.memory_space<vmem>>
      %dma_start3A_123 = arith.constant 0 : i32
      %dma_start3A_124 = tpu.memref_slice %arg7[%rem3A_47, %dma_start3A_119, %dma_start3A_123] : memref<2x8x128xi32, #tpu.memory_space<vmem>> -> memref<1x1x128xi32, #tpu.memory_space<vmem>>
      %dma_start3A_125 = tpu.memref_squeeze %dma_start3A_124 : memref<1x1x128xi32, #tpu.memory_space<vmem>> -> memref<128xi32, #tpu.memory_space<vmem>>
      %dma_start3A_126 = arith.constant 0 : i32
      %dma_start3A_127 = arith.constant 0 : i32
      %dma_start3A_128 = tpu.memref_slice %arg2[%dma_start3A_126, %dma_start3A_127] : memref<100000x16xf32, #tpu.memory_space<hbm>> -> memref<100000x16xf32, #tpu.memory_space<hbm>>
      tpu.enqueue_indirect_dma source(%dma_start3A_128 : memref<100000x16xf32, #tpu.memory_space<hbm>>) target(%dma_start3A_122 : memref<128x16xf32, #tpu.memory_space<vmem>>) offsets(%dma_start3A_125 : memref<128xi32, #tpu.memory_space<vmem>>) semaphore(%arg12 : memref<!tpu.dma_semaphore, #tpu.memory_space<semaphore_mem>>)
      %dma_start3A_129 = arith.constant 5 : i32
      %dma_start3A_130 = arith.constant 640 : i32
      %dma_start3A_131 = arith.constant 0 : i32
      %dma_start3A_132 = tpu.memref_slice %arg9[%dma_start3A_130, %dma_start3A_131] : memref<1024x16xf32, #tpu.memory_space<vmem>> -> memref<128x16xf32, #tpu.memory_space<vmem>>
      %dma_start3A_133 = arith.constant 0 : i32
      %dma_start3A_134 = tpu.memref_slice %arg7[%rem3A_47, %dma_start3A_129, %dma_start3A_133] : memref<2x8x128xi32, #tpu.memory_space<vmem>> -> memref<1x1x128xi32, #tpu.memory_space<vmem>>
      %dma_start3A_135 = tpu.memref_squeeze %dma_start3A_134 : memref<1x1x128xi32, #tpu.memory_space<vmem>> -> memref<128xi32, #tpu.memory_space<vmem>>
      %dma_start3A_136 = arith.constant 0 : i32
      %dma_start3A_137 = arith.constant 0 : i32
      %dma_start3A_138 = tpu.memref_slice %arg2[%dma_start3A_136, %dma_start3A_137] : memref<100000x16xf32, #tpu.memory_space<hbm>> -> memref<100000x16xf32, #tpu.memory_space<hbm>>
      tpu.enqueue_indirect_dma source(%dma_start3A_138 : memref<100000x16xf32, #tpu.memory_space<hbm>>) target(%dma_start3A_132 : memref<128x16xf32, #tpu.memory_space<vmem>>) offsets(%dma_start3A_135 : memref<128xi32, #tpu.memory_space<vmem>>) semaphore(%arg12 : memref<!tpu.dma_semaphore, #tpu.memory_space<semaphore_mem>>)
      %dma_start3A_139 = arith.constant 6 : i32
      %dma_start3A_140 = arith.constant 768 : i32
      %dma_start3A_141 = arith.constant 0 : i32
      %dma_start3A_142 = tpu.memref_slice %arg9[%dma_start3A_140, %dma_start3A_141] : memref<1024x16xf32, #tpu.memory_space<vmem>> -> memref<128x16xf32, #tpu.memory_space<vmem>>
      %dma_start3A_143 = arith.constant 0 : i32
      %dma_start3A_144 = tpu.memref_slice %arg7[%rem3A_47, %dma_start3A_139, %dma_start3A_143] : memref<2x8x128xi32, #tpu.memory_space<vmem>> -> memref<1x1x128xi32, #tpu.memory_space<vmem>>
      %dma_start3A_145 = tpu.memref_squeeze %dma_start3A_144 : memref<1x1x128xi32, #tpu.memory_space<vmem>> -> memref<128xi32, #tpu.memory_space<vmem>>
      %dma_start3A_146 = arith.constant 0 : i32
      %dma_start3A_147 = arith.constant 0 : i32
      %dma_start3A_148 = tpu.memref_slice %arg2[%dma_start3A_146, %dma_start3A_147] : memref<100000x16xf32, #tpu.memory_space<hbm>> -> memref<100000x16xf32, #tpu.memory_space<hbm>>
      tpu.enqueue_indirect_dma source(%dma_start3A_148 : memref<100000x16xf32, #tpu.memory_space<hbm>>) target(%dma_start3A_142 : memref<128x16xf32, #tpu.memory_space<vmem>>) offsets(%dma_start3A_145 : memref<128xi32, #tpu.memory_space<vmem>>) semaphore(%arg12 : memref<!tpu.dma_semaphore, #tpu.memory_space<semaphore_mem>>)
      %dma_start3A_149 = arith.constant 7 : i32
      %dma_start3A_150 = arith.constant 896 : i32
      %dma_start3A_151 = arith.constant 0 : i32
      %dma_start3A_152 = tpu.memref_slice %arg9[%dma_start3A_150, %dma_start3A_151] : memref<1024x16xf32, #tpu.memory_space<vmem>> -> memref<128x16xf32, #tpu.memory_space<vmem>>
      %dma_start3A_153 = arith.constant 0 : i32
      %dma_start3A_154 = tpu.memref_slice %arg7[%rem3A_47, %dma_start3A_149, %dma_start3A_153] : memref<2x8x128xi32, #tpu.memory_space<vmem>> -> memref<1x1x128xi32, #tpu.memory_space<vmem>>
      %dma_start3A_155 = tpu.memref_squeeze %dma_start3A_154 : memref<1x1x128xi32, #tpu.memory_space<vmem>> -> memref<128xi32, #tpu.memory_space<vmem>>
      %dma_start3A_156 = arith.constant 0 : i32
      %dma_start3A_157 = arith.constant 0 : i32
      %dma_start3A_158 = tpu.memref_slice %arg2[%dma_start3A_156, %dma_start3A_157] : memref<100000x16xf32, #tpu.memory_space<hbm>> -> memref<100000x16xf32, #tpu.memory_space<hbm>>
      tpu.enqueue_indirect_dma source(%dma_start3A_158 : memref<100000x16xf32, #tpu.memory_space<hbm>>) target(%dma_start3A_152 : memref<128x16xf32, #tpu.memory_space<vmem>>) offsets(%dma_start3A_155 : memref<128xi32, #tpu.memory_space<vmem>>) semaphore(%arg12 : memref<!tpu.dma_semaphore, #tpu.memory_space<semaphore_mem>>)
      %dma_wait3A_159 = arith.constant 0 : i32
      %dma_wait3A_160 = arith.constant 0 : i32
      %dma_wait3A_161 = arith.constant 0 : i32
      %dma_wait3A_162 = tpu.memref_slice %arg9[%dma_wait3A_160, %dma_wait3A_161] : memref<1024x16xf32, #tpu.memory_space<vmem>> -> memref<128x16xf32, #tpu.memory_space<vmem>>
      %dma_wait3A_163 = arith.constant 0 : i32
      %dma_wait3A_164 = tpu.memref_slice %arg7[%rem3A_47, %dma_wait3A_159, %dma_wait3A_163] : memref<2x8x128xi32, #tpu.memory_space<vmem>> -> memref<1x1x128xi32, #tpu.memory_space<vmem>>
      %dma_wait3A_165 = tpu.memref_squeeze %dma_wait3A_164 : memref<1x1x128xi32, #tpu.memory_space<vmem>> -> memref<128xi32, #tpu.memory_space<vmem>>
      %dma_wait3A_166 = arith.constant 0 : i32
      %dma_wait3A_167 = arith.constant 0 : i32
      %dma_wait3A_168 = tpu.memref_slice %arg2[%dma_wait3A_166, %dma_wait3A_167] : memref<100000x16xf32, #tpu.memory_space<hbm>> -> memref<100000x16xf32, #tpu.memory_space<hbm>>
      tpu.wait_indirect_dma semaphore(%arg12 : memref<!tpu.dma_semaphore, #tpu.memory_space<semaphore_mem>>) src(%dma_wait3A_168 : memref<100000x16xf32, #tpu.memory_space<hbm>>) dst(%dma_wait3A_162 : memref<128x16xf32, #tpu.memory_space<vmem>>)
      %dma_start3A_169 = arith.constant 0 : i32
      %dma_start3A_170 = arith.constant 0 : i32
      %dma_start3A_171 = arith.constant 0 : i32
      %dma_start3A_172 = tpu.memref_slice %arg9[%dma_start3A_170, %dma_start3A_171] : memref<1024x16xf32, #tpu.memory_space<vmem>> -> memref<128x16xf32, #tpu.memory_space<vmem>>
      %dma_start3A_173 = arith.constant 0 : i32
      %dma_start3A_174 = tpu.memref_slice %arg8[%rem3A_47, %dma_start3A_169, %dma_start3A_173] : memref<2x8x128xi32, #tpu.memory_space<vmem>> -> memref<1x1x128xi32, #tpu.memory_space<vmem>>
      %dma_start3A_175 = tpu.memref_squeeze %dma_start3A_174 : memref<1x1x128xi32, #tpu.memory_space<vmem>> -> memref<128xi32, #tpu.memory_space<vmem>>
      %dma_start3A_176 = arith.constant 0 : i32
      %dma_start3A_177 = arith.constant 0 : i32
      %dma_start3A_178 = tpu.memref_slice %arg10[%dma_start3A_176, %dma_start3A_177] : memref<100008x16xf32, #tpu.memory_space<vmem_shared>> -> memref<100008x16xf32, #tpu.memory_space<vmem_shared>>
      tpu.enqueue_indirect_dma source(%dma_start3A_172 : memref<128x16xf32, #tpu.memory_space<vmem>>) target(%dma_start3A_178 : memref<100008x16xf32, #tpu.memory_space<vmem_shared>>) offsets(%dma_start3A_175 : memref<128xi32, #tpu.memory_space<vmem>>) semaphore(%arg13 : memref<!tpu.dma_semaphore, #tpu.memory_space<semaphore_mem>>) {add = true}
      %dma_wait3A_179 = arith.constant 1 : i32
      %dma_wait3A_180 = arith.constant 128 : i32
      %dma_wait3A_181 = arith.constant 0 : i32
      %dma_wait3A_182 = tpu.memref_slice %arg9[%dma_wait3A_180, %dma_wait3A_181] : memref<1024x16xf32, #tpu.memory_space<vmem>> -> memref<128x16xf32, #tpu.memory_space<vmem>>
      %dma_wait3A_183 = arith.constant 0 : i32
      %dma_wait3A_184 = tpu.memref_slice %arg7[%rem3A_47, %dma_wait3A_179, %dma_wait3A_183] : memref<2x8x128xi32, #tpu.memory_space<vmem>> -> memref<1x1x128xi32, #tpu.memory_space<vmem>>
      %dma_wait3A_185 = tpu.memref_squeeze %dma_wait3A_184 : memref<1x1x128xi32, #tpu.memory_space<vmem>> -> memref<128xi32, #tpu.memory_space<vmem>>
      %dma_wait3A_186 = arith.constant 0 : i32
      %dma_wait3A_187 = arith.constant 0 : i32
      %dma_wait3A_188 = tpu.memref_slice %arg2[%dma_wait3A_186, %dma_wait3A_187] : memref<100000x16xf32, #tpu.memory_space<hbm>> -> memref<100000x16xf32, #tpu.memory_space<hbm>>
      tpu.wait_indirect_dma semaphore(%arg12 : memref<!tpu.dma_semaphore, #tpu.memory_space<semaphore_mem>>) src(%dma_wait3A_188 : memref<100000x16xf32, #tpu.memory_space<hbm>>) dst(%dma_wait3A_182 : memref<128x16xf32, #tpu.memory_space<vmem>>)
      %dma_start3A_189 = arith.constant 1 : i32
      %dma_start3A_190 = arith.constant 128 : i32
      %dma_start3A_191 = arith.constant 0 : i32
      %dma_start3A_192 = tpu.memref_slice %arg9[%dma_start3A_190, %dma_start3A_191] : memref<1024x16xf32, #tpu.memory_space<vmem>> -> memref<128x16xf32, #tpu.memory_space<vmem>>
      %dma_start3A_193 = arith.constant 0 : i32
      %dma_start3A_194 = tpu.memref_slice %arg8[%rem3A_47, %dma_start3A_189, %dma_start3A_193] : memref<2x8x128xi32, #tpu.memory_space<vmem>> -> memref<1x1x128xi32, #tpu.memory_space<vmem>>
      %dma_start3A_195 = tpu.memref_squeeze %dma_start3A_194 : memref<1x1x128xi32, #tpu.memory_space<vmem>> -> memref<128xi32, #tpu.memory_space<vmem>>
      %dma_start3A_196 = arith.constant 0 : i32
      %dma_start3A_197 = arith.constant 0 : i32
      %dma_start3A_198 = tpu.memref_slice %arg10[%dma_start3A_196, %dma_start3A_197] : memref<100008x16xf32, #tpu.memory_space<vmem_shared>> -> memref<100008x16xf32, #tpu.memory_space<vmem_shared>>
      tpu.enqueue_indirect_dma source(%dma_start3A_192 : memref<128x16xf32, #tpu.memory_space<vmem>>) target(%dma_start3A_198 : memref<100008x16xf32, #tpu.memory_space<vmem_shared>>) offsets(%dma_start3A_195 : memref<128xi32, #tpu.memory_space<vmem>>) semaphore(%arg13 : memref<!tpu.dma_semaphore, #tpu.memory_space<semaphore_mem>>) {add = true}
      %dma_wait3A_199 = arith.constant 2 : i32
      %dma_wait3A_200 = arith.constant 256 : i32
      %dma_wait3A_201 = arith.constant 0 : i32
      %dma_wait3A_202 = tpu.memref_slice %arg9[%dma_wait3A_200, %dma_wait3A_201] : memref<1024x16xf32, #tpu.memory_space<vmem>> -> memref<128x16xf32, #tpu.memory_space<vmem>>
      %dma_wait3A_203 = arith.constant 0 : i32
      %dma_wait3A_204 = tpu.memref_slice %arg7[%rem3A_47, %dma_wait3A_199, %dma_wait3A_203] : memref<2x8x128xi32, #tpu.memory_space<vmem>> -> memref<1x1x128xi32, #tpu.memory_space<vmem>>
      %dma_wait3A_205 = tpu.memref_squeeze %dma_wait3A_204 : memref<1x1x128xi32, #tpu.memory_space<vmem>> -> memref<128xi32, #tpu.memory_space<vmem>>
      %dma_wait3A_206 = arith.constant 0 : i32
      %dma_wait3A_207 = arith.constant 0 : i32
      %dma_wait3A_208 = tpu.memref_slice %arg2[%dma_wait3A_206, %dma_wait3A_207] : memref<100000x16xf32, #tpu.memory_space<hbm>> -> memref<100000x16xf32, #tpu.memory_space<hbm>>
      tpu.wait_indirect_dma semaphore(%arg12 : memref<!tpu.dma_semaphore, #tpu.memory_space<semaphore_mem>>) src(%dma_wait3A_208 : memref<100000x16xf32, #tpu.memory_space<hbm>>) dst(%dma_wait3A_202 : memref<128x16xf32, #tpu.memory_space<vmem>>)
      %dma_start3A_209 = arith.constant 2 : i32
      %dma_start3A_210 = arith.constant 256 : i32
      %dma_start3A_211 = arith.constant 0 : i32
      %dma_start3A_212 = tpu.memref_slice %arg9[%dma_start3A_210, %dma_start3A_211] : memref<1024x16xf32, #tpu.memory_space<vmem>> -> memref<128x16xf32, #tpu.memory_space<vmem>>
      %dma_start3A_213 = arith.constant 0 : i32
      %dma_start3A_214 = tpu.memref_slice %arg8[%rem3A_47, %dma_start3A_209, %dma_start3A_213] : memref<2x8x128xi32, #tpu.memory_space<vmem>> -> memref<1x1x128xi32, #tpu.memory_space<vmem>>
      %dma_start3A_215 = tpu.memref_squeeze %dma_start3A_214 : memref<1x1x128xi32, #tpu.memory_space<vmem>> -> memref<128xi32, #tpu.memory_space<vmem>>
      %dma_start3A_216 = arith.constant 0 : i32
      %dma_start3A_217 = arith.constant 0 : i32
      %dma_start3A_218 = tpu.memref_slice %arg10[%dma_start3A_216, %dma_start3A_217] : memref<100008x16xf32, #tpu.memory_space<vmem_shared>> -> memref<100008x16xf32, #tpu.memory_space<vmem_shared>>
      tpu.enqueue_indirect_dma source(%dma_start3A_212 : memref<128x16xf32, #tpu.memory_space<vmem>>) target(%dma_start3A_218 : memref<100008x16xf32, #tpu.memory_space<vmem_shared>>) offsets(%dma_start3A_215 : memref<128xi32, #tpu.memory_space<vmem>>) semaphore(%arg13 : memref<!tpu.dma_semaphore, #tpu.memory_space<semaphore_mem>>) {add = true}
      %dma_wait3A_219 = arith.constant 3 : i32
      %dma_wait3A_220 = arith.constant 384 : i32
      %dma_wait3A_221 = arith.constant 0 : i32
      %dma_wait3A_222 = tpu.memref_slice %arg9[%dma_wait3A_220, %dma_wait3A_221] : memref<1024x16xf32, #tpu.memory_space<vmem>> -> memref<128x16xf32, #tpu.memory_space<vmem>>
      %dma_wait3A_223 = arith.constant 0 : i32
      %dma_wait3A_224 = tpu.memref_slice %arg7[%rem3A_47, %dma_wait3A_219, %dma_wait3A_223] : memref<2x8x128xi32, #tpu.memory_space<vmem>> -> memref<1x1x128xi32, #tpu.memory_space<vmem>>
      %dma_wait3A_225 = tpu.memref_squeeze %dma_wait3A_224 : memref<1x1x128xi32, #tpu.memory_space<vmem>> -> memref<128xi32, #tpu.memory_space<vmem>>
      %dma_wait3A_226 = arith.constant 0 : i32
      %dma_wait3A_227 = arith.constant 0 : i32
      %dma_wait3A_228 = tpu.memref_slice %arg2[%dma_wait3A_226, %dma_wait3A_227] : memref<100000x16xf32, #tpu.memory_space<hbm>> -> memref<100000x16xf32, #tpu.memory_space<hbm>>
      tpu.wait_indirect_dma semaphore(%arg12 : memref<!tpu.dma_semaphore, #tpu.memory_space<semaphore_mem>>) src(%dma_wait3A_228 : memref<100000x16xf32, #tpu.memory_space<hbm>>) dst(%dma_wait3A_222 : memref<128x16xf32, #tpu.memory_space<vmem>>)
      %dma_start3A_229 = arith.constant 3 : i32
      %dma_start3A_230 = arith.constant 384 : i32
      %dma_start3A_231 = arith.constant 0 : i32
      %dma_start3A_232 = tpu.memref_slice %arg9[%dma_start3A_230, %dma_start3A_231] : memref<1024x16xf32, #tpu.memory_space<vmem>> -> memref<128x16xf32, #tpu.memory_space<vmem>>
      %dma_start3A_233 = arith.constant 0 : i32
      %dma_start3A_234 = tpu.memref_slice %arg8[%rem3A_47, %dma_start3A_229, %dma_start3A_233] : memref<2x8x128xi32, #tpu.memory_space<vmem>> -> memref<1x1x128xi32, #tpu.memory_space<vmem>>
      %dma_start3A_235 = tpu.memref_squeeze %dma_start3A_234 : memref<1x1x128xi32, #tpu.memory_space<vmem>> -> memref<128xi32, #tpu.memory_space<vmem>>
      %dma_start3A_236 = arith.constant 0 : i32
      %dma_start3A_237 = arith.constant 0 : i32
      %dma_start3A_238 = tpu.memref_slice %arg10[%dma_start3A_236, %dma_start3A_237] : memref<100008x16xf32, #tpu.memory_space<vmem_shared>> -> memref<100008x16xf32, #tpu.memory_space<vmem_shared>>
      tpu.enqueue_indirect_dma source(%dma_start3A_232 : memref<128x16xf32, #tpu.memory_space<vmem>>) target(%dma_start3A_238 : memref<100008x16xf32, #tpu.memory_space<vmem_shared>>) offsets(%dma_start3A_235 : memref<128xi32, #tpu.memory_space<vmem>>) semaphore(%arg13 : memref<!tpu.dma_semaphore, #tpu.memory_space<semaphore_mem>>) {add = true}
      %dma_wait3A_239 = arith.constant 4 : i32
      %dma_wait3A_240 = arith.constant 512 : i32
      %dma_wait3A_241 = arith.constant 0 : i32
      %dma_wait3A_242 = tpu.memref_slice %arg9[%dma_wait3A_240, %dma_wait3A_241] : memref<1024x16xf32, #tpu.memory_space<vmem>> -> memref<128x16xf32, #tpu.memory_space<vmem>>
      %dma_wait3A_243 = arith.constant 0 : i32
      %dma_wait3A_244 = tpu.memref_slice %arg7[%rem3A_47, %dma_wait3A_239, %dma_wait3A_243] : memref<2x8x128xi32, #tpu.memory_space<vmem>> -> memref<1x1x128xi32, #tpu.memory_space<vmem>>
      %dma_wait3A_245 = tpu.memref_squeeze %dma_wait3A_244 : memref<1x1x128xi32, #tpu.memory_space<vmem>> -> memref<128xi32, #tpu.memory_space<vmem>>
      %dma_wait3A_246 = arith.constant 0 : i32
      %dma_wait3A_247 = arith.constant 0 : i32
      %dma_wait3A_248 = tpu.memref_slice %arg2[%dma_wait3A_246, %dma_wait3A_247] : memref<100000x16xf32, #tpu.memory_space<hbm>> -> memref<100000x16xf32, #tpu.memory_space<hbm>>
      tpu.wait_indirect_dma semaphore(%arg12 : memref<!tpu.dma_semaphore, #tpu.memory_space<semaphore_mem>>) src(%dma_wait3A_248 : memref<100000x16xf32, #tpu.memory_space<hbm>>) dst(%dma_wait3A_242 : memref<128x16xf32, #tpu.memory_space<vmem>>)
      %dma_start3A_249 = arith.constant 4 : i32
      %dma_start3A_250 = arith.constant 512 : i32
      %dma_start3A_251 = arith.constant 0 : i32
      %dma_start3A_252 = tpu.memref_slice %arg9[%dma_start3A_250, %dma_start3A_251] : memref<1024x16xf32, #tpu.memory_space<vmem>> -> memref<128x16xf32, #tpu.memory_space<vmem>>
      %dma_start3A_253 = arith.constant 0 : i32
      %dma_start3A_254 = tpu.memref_slice %arg8[%rem3A_47, %dma_start3A_249, %dma_start3A_253] : memref<2x8x128xi32, #tpu.memory_space<vmem>> -> memref<1x1x128xi32, #tpu.memory_space<vmem>>
      %dma_start3A_255 = tpu.memref_squeeze %dma_start3A_254 : memref<1x1x128xi32, #tpu.memory_space<vmem>> -> memref<128xi32, #tpu.memory_space<vmem>>
      %dma_start3A_256 = arith.constant 0 : i32
      %dma_start3A_257 = arith.constant 0 : i32
      %dma_start3A_258 = tpu.memref_slice %arg10[%dma_start3A_256, %dma_start3A_257] : memref<100008x16xf32, #tpu.memory_space<vmem_shared>> -> memref<100008x16xf32, #tpu.memory_space<vmem_shared>>
      tpu.enqueue_indirect_dma source(%dma_start3A_252 : memref<128x16xf32, #tpu.memory_space<vmem>>) target(%dma_start3A_258 : memref<100008x16xf32, #tpu.memory_space<vmem_shared>>) offsets(%dma_start3A_255 : memref<128xi32, #tpu.memory_space<vmem>>) semaphore(%arg13 : memref<!tpu.dma_semaphore, #tpu.memory_space<semaphore_mem>>) {add = true}
      %dma_wait3A_259 = arith.constant 5 : i32
      %dma_wait3A_260 = arith.constant 640 : i32
      %dma_wait3A_261 = arith.constant 0 : i32
      %dma_wait3A_262 = tpu.memref_slice %arg9[%dma_wait3A_260, %dma_wait3A_261] : memref<1024x16xf32, #tpu.memory_space<vmem>> -> memref<128x16xf32, #tpu.memory_space<vmem>>
      %dma_wait3A_263 = arith.constant 0 : i32
      %dma_wait3A_264 = tpu.memref_slice %arg7[%rem3A_47, %dma_wait3A_259, %dma_wait3A_263] : memref<2x8x128xi32, #tpu.memory_space<vmem>> -> memref<1x1x128xi32, #tpu.memory_space<vmem>>
      %dma_wait3A_265 = tpu.memref_squeeze %dma_wait3A_264 : memref<1x1x128xi32, #tpu.memory_space<vmem>> -> memref<128xi32, #tpu.memory_space<vmem>>
      %dma_wait3A_266 = arith.constant 0 : i32
      %dma_wait3A_267 = arith.constant 0 : i32
      %dma_wait3A_268 = tpu.memref_slice %arg2[%dma_wait3A_266, %dma_wait3A_267] : memref<100000x16xf32, #tpu.memory_space<hbm>> -> memref<100000x16xf32, #tpu.memory_space<hbm>>
      tpu.wait_indirect_dma semaphore(%arg12 : memref<!tpu.dma_semaphore, #tpu.memory_space<semaphore_mem>>) src(%dma_wait3A_268 : memref<100000x16xf32, #tpu.memory_space<hbm>>) dst(%dma_wait3A_262 : memref<128x16xf32, #tpu.memory_space<vmem>>)
      %dma_start3A_269 = arith.constant 5 : i32
      %dma_start3A_270 = arith.constant 640 : i32
      %dma_start3A_271 = arith.constant 0 : i32
      %dma_start3A_272 = tpu.memref_slice %arg9[%dma_start3A_270, %dma_start3A_271] : memref<1024x16xf32, #tpu.memory_space<vmem>> -> memref<128x16xf32, #tpu.memory_space<vmem>>
      %dma_start3A_273 = arith.constant 0 : i32
      %dma_start3A_274 = tpu.memref_slice %arg8[%rem3A_47, %dma_start3A_269, %dma_start3A_273] : memref<2x8x128xi32, #tpu.memory_space<vmem>> -> memref<1x1x128xi32, #tpu.memory_space<vmem>>
      %dma_start3A_275 = tpu.memref_squeeze %dma_start3A_274 : memref<1x1x128xi32, #tpu.memory_space<vmem>> -> memref<128xi32, #tpu.memory_space<vmem>>
      %dma_start3A_276 = arith.constant 0 : i32
      %dma_start3A_277 = arith.constant 0 : i32
      %dma_start3A_278 = tpu.memref_slice %arg10[%dma_start3A_276, %dma_start3A_277] : memref<100008x16xf32, #tpu.memory_space<vmem_shared>> -> memref<100008x16xf32, #tpu.memory_space<vmem_shared>>
      tpu.enqueue_indirect_dma source(%dma_start3A_272 : memref<128x16xf32, #tpu.memory_space<vmem>>) target(%dma_start3A_278 : memref<100008x16xf32, #tpu.memory_space<vmem_shared>>) offsets(%dma_start3A_275 : memref<128xi32, #tpu.memory_space<vmem>>) semaphore(%arg13 : memref<!tpu.dma_semaphore, #tpu.memory_space<semaphore_mem>>) {add = true}
      %dma_wait3A_279 = arith.constant 6 : i32
      %dma_wait3A_280 = arith.constant 768 : i32
      %dma_wait3A_281 = arith.constant 0 : i32
      %dma_wait3A_282 = tpu.memref_slice %arg9[%dma_wait3A_280, %dma_wait3A_281] : memref<1024x16xf32, #tpu.memory_space<vmem>> -> memref<128x16xf32, #tpu.memory_space<vmem>>
      %dma_wait3A_283 = arith.constant 0 : i32
      %dma_wait3A_284 = tpu.memref_slice %arg7[%rem3A_47, %dma_wait3A_279, %dma_wait3A_283] : memref<2x8x128xi32, #tpu.memory_space<vmem>> -> memref<1x1x128xi32, #tpu.memory_space<vmem>>
      %dma_wait3A_285 = tpu.memref_squeeze %dma_wait3A_284 : memref<1x1x128xi32, #tpu.memory_space<vmem>> -> memref<128xi32, #tpu.memory_space<vmem>>
      %dma_wait3A_286 = arith.constant 0 : i32
      %dma_wait3A_287 = arith.constant 0 : i32
      %dma_wait3A_288 = tpu.memref_slice %arg2[%dma_wait3A_286, %dma_wait3A_287] : memref<100000x16xf32, #tpu.memory_space<hbm>> -> memref<100000x16xf32, #tpu.memory_space<hbm>>
      tpu.wait_indirect_dma semaphore(%arg12 : memref<!tpu.dma_semaphore, #tpu.memory_space<semaphore_mem>>) src(%dma_wait3A_288 : memref<100000x16xf32, #tpu.memory_space<hbm>>) dst(%dma_wait3A_282 : memref<128x16xf32, #tpu.memory_space<vmem>>)
      %dma_start3A_289 = arith.constant 6 : i32
      %dma_start3A_290 = arith.constant 768 : i32
      %dma_start3A_291 = arith.constant 0 : i32
      %dma_start3A_292 = tpu.memref_slice %arg9[%dma_start3A_290, %dma_start3A_291] : memref<1024x16xf32, #tpu.memory_space<vmem>> -> memref<128x16xf32, #tpu.memory_space<vmem>>
      %dma_start3A_293 = arith.constant 0 : i32
      %dma_start3A_294 = tpu.memref_slice %arg8[%rem3A_47, %dma_start3A_289, %dma_start3A_293] : memref<2x8x128xi32, #tpu.memory_space<vmem>> -> memref<1x1x128xi32, #tpu.memory_space<vmem>>
      %dma_start3A_295 = tpu.memref_squeeze %dma_start3A_294 : memref<1x1x128xi32, #tpu.memory_space<vmem>> -> memref<128xi32, #tpu.memory_space<vmem>>
      %dma_start3A_296 = arith.constant 0 : i32
      %dma_start3A_297 = arith.constant 0 : i32
      %dma_start3A_298 = tpu.memref_slice %arg10[%dma_start3A_296, %dma_start3A_297] : memref<100008x16xf32, #tpu.memory_space<vmem_shared>> -> memref<100008x16xf32, #tpu.memory_space<vmem_shared>>
      tpu.enqueue_indirect_dma source(%dma_start3A_292 : memref<128x16xf32, #tpu.memory_space<vmem>>) target(%dma_start3A_298 : memref<100008x16xf32, #tpu.memory_space<vmem_shared>>) offsets(%dma_start3A_295 : memref<128xi32, #tpu.memory_space<vmem>>) semaphore(%arg13 : memref<!tpu.dma_semaphore, #tpu.memory_space<semaphore_mem>>) {add = true}
      %dma_wait3A_299 = arith.constant 7 : i32
      %dma_wait3A_300 = arith.constant 896 : i32
      %dma_wait3A_301 = arith.constant 0 : i32
      %dma_wait3A_302 = tpu.memref_slice %arg9[%dma_wait3A_300, %dma_wait3A_301] : memref<1024x16xf32, #tpu.memory_space<vmem>> -> memref<128x16xf32, #tpu.memory_space<vmem>>
      %dma_wait3A_303 = arith.constant 0 : i32
      %dma_wait3A_304 = tpu.memref_slice %arg7[%rem3A_47, %dma_wait3A_299, %dma_wait3A_303] : memref<2x8x128xi32, #tpu.memory_space<vmem>> -> memref<1x1x128xi32, #tpu.memory_space<vmem>>
      %dma_wait3A_305 = tpu.memref_squeeze %dma_wait3A_304 : memref<1x1x128xi32, #tpu.memory_space<vmem>> -> memref<128xi32, #tpu.memory_space<vmem>>
      %dma_wait3A_306 = arith.constant 0 : i32
      %dma_wait3A_307 = arith.constant 0 : i32
      %dma_wait3A_308 = tpu.memref_slice %arg2[%dma_wait3A_306, %dma_wait3A_307] : memref<100000x16xf32, #tpu.memory_space<hbm>> -> memref<100000x16xf32, #tpu.memory_space<hbm>>
      tpu.wait_indirect_dma semaphore(%arg12 : memref<!tpu.dma_semaphore, #tpu.memory_space<semaphore_mem>>) src(%dma_wait3A_308 : memref<100000x16xf32, #tpu.memory_space<hbm>>) dst(%dma_wait3A_302 : memref<128x16xf32, #tpu.memory_space<vmem>>)
      %dma_start3A_309 = arith.constant 7 : i32
      %dma_start3A_310 = arith.constant 896 : i32
      %dma_start3A_311 = arith.constant 0 : i32
      %dma_start3A_312 = tpu.memref_slice %arg9[%dma_start3A_310, %dma_start3A_311] : memref<1024x16xf32, #tpu.memory_space<vmem>> -> memref<128x16xf32, #tpu.memory_space<vmem>>
      %dma_start3A_313 = arith.constant 0 : i32
      %dma_start3A_314 = tpu.memref_slice %arg8[%rem3A_47, %dma_start3A_309, %dma_start3A_313] : memref<2x8x128xi32, #tpu.memory_space<vmem>> -> memref<1x1x128xi32, #tpu.memory_space<vmem>>
      %dma_start3A_315 = tpu.memref_squeeze %dma_start3A_314 : memref<1x1x128xi32, #tpu.memory_space<vmem>> -> memref<128xi32, #tpu.memory_space<vmem>>
      %dma_start3A_316 = arith.constant 0 : i32
      %dma_start3A_317 = arith.constant 0 : i32
      %dma_start3A_318 = tpu.memref_slice %arg10[%dma_start3A_316, %dma_start3A_317] : memref<100008x16xf32, #tpu.memory_space<vmem_shared>> -> memref<100008x16xf32, #tpu.memory_space<vmem_shared>>
      tpu.enqueue_indirect_dma source(%dma_start3A_312 : memref<128x16xf32, #tpu.memory_space<vmem>>) target(%dma_start3A_318 : memref<100008x16xf32, #tpu.memory_space<vmem_shared>>) offsets(%dma_start3A_315 : memref<128xi32, #tpu.memory_space<vmem>>) semaphore(%arg13 : memref<!tpu.dma_semaphore, #tpu.memory_space<semaphore_mem>>) {add = true}
      %dma_wait3A_319 = arith.constant 0 : i32
      %dma_wait3A_320 = arith.constant 0 : i32
      %dma_wait3A_321 = arith.constant 0 : i32
      %dma_wait3A_322 = tpu.memref_slice %arg9[%dma_wait3A_320, %dma_wait3A_321] : memref<1024x16xf32, #tpu.memory_space<vmem>> -> memref<128x16xf32, #tpu.memory_space<vmem>>
      %dma_wait3A_323 = arith.constant 0 : i32
      %dma_wait3A_324 = tpu.memref_slice %arg8[%rem3A_47, %dma_wait3A_319, %dma_wait3A_323] : memref<2x8x128xi32, #tpu.memory_space<vmem>> -> memref<1x1x128xi32, #tpu.memory_space<vmem>>
      %dma_wait3A_325 = tpu.memref_squeeze %dma_wait3A_324 : memref<1x1x128xi32, #tpu.memory_space<vmem>> -> memref<128xi32, #tpu.memory_space<vmem>>
      %dma_wait3A_326 = arith.constant 0 : i32
      %dma_wait3A_327 = arith.constant 0 : i32
      %dma_wait3A_328 = tpu.memref_slice %arg10[%dma_wait3A_326, %dma_wait3A_327] : memref<100008x16xf32, #tpu.memory_space<vmem_shared>> -> memref<100008x16xf32, #tpu.memory_space<vmem_shared>>
      tpu.wait_indirect_dma semaphore(%arg13 : memref<!tpu.dma_semaphore, #tpu.memory_space<semaphore_mem>>) src(%dma_wait3A_322 : memref<128x16xf32, #tpu.memory_space<vmem>>) dst(%dma_wait3A_328 : memref<100008x16xf32, #tpu.memory_space<vmem_shared>>)
      %dma_wait3A_329 = arith.constant 1 : i32
      %dma_wait3A_330 = arith.constant 128 : i32
      %dma_wait3A_331 = arith.constant 0 : i32
      %dma_wait3A_332 = tpu.memref_slice %arg9[%dma_wait3A_330, %dma_wait3A_331] : memref<1024x16xf32, #tpu.memory_space<vmem>> -> memref<128x16xf32, #tpu.memory_space<vmem>>
      %dma_wait3A_333 = arith.constant 0 : i32
      %dma_wait3A_334 = tpu.memref_slice %arg8[%rem3A_47, %dma_wait3A_329, %dma_wait3A_333] : memref<2x8x128xi32, #tpu.memory_space<vmem>> -> memref<1x1x128xi32, #tpu.memory_space<vmem>>
      %dma_wait3A_335 = tpu.memref_squeeze %dma_wait3A_334 : memref<1x1x128xi32, #tpu.memory_space<vmem>> -> memref<128xi32, #tpu.memory_space<vmem>>
      %dma_wait3A_336 = arith.constant 0 : i32
      %dma_wait3A_337 = arith.constant 0 : i32
      %dma_wait3A_338 = tpu.memref_slice %arg10[%dma_wait3A_336, %dma_wait3A_337] : memref<100008x16xf32, #tpu.memory_space<vmem_shared>> -> memref<100008x16xf32, #tpu.memory_space<vmem_shared>>
      tpu.wait_indirect_dma semaphore(%arg13 : memref<!tpu.dma_semaphore, #tpu.memory_space<semaphore_mem>>) src(%dma_wait3A_332 : memref<128x16xf32, #tpu.memory_space<vmem>>) dst(%dma_wait3A_338 : memref<100008x16xf32, #tpu.memory_space<vmem_shared>>)
      %dma_wait3A_339 = arith.constant 2 : i32
      %dma_wait3A_340 = arith.constant 256 : i32
      %dma_wait3A_341 = arith.constant 0 : i32
      %dma_wait3A_342 = tpu.memref_slice %arg9[%dma_wait3A_340, %dma_wait3A_341] : memref<1024x16xf32, #tpu.memory_space<vmem>> -> memref<128x16xf32, #tpu.memory_space<vmem>>
      %dma_wait3A_343 = arith.constant 0 : i32
      %dma_wait3A_344 = tpu.memref_slice %arg8[%rem3A_47, %dma_wait3A_339, %dma_wait3A_343] : memref<2x8x128xi32, #tpu.memory_space<vmem>> -> memref<1x1x128xi32, #tpu.memory_space<vmem>>
      %dma_wait3A_345 = tpu.memref_squeeze %dma_wait3A_344 : memref<1x1x128xi32, #tpu.memory_space<vmem>> -> memref<128xi32, #tpu.memory_space<vmem>>
      %dma_wait3A_346 = arith.constant 0 : i32
      %dma_wait3A_347 = arith.constant 0 : i32
      %dma_wait3A_348 = tpu.memref_slice %arg10[%dma_wait3A_346, %dma_wait3A_347] : memref<100008x16xf32, #tpu.memory_space<vmem_shared>> -> memref<100008x16xf32, #tpu.memory_space<vmem_shared>>
      tpu.wait_indirect_dma semaphore(%arg13 : memref<!tpu.dma_semaphore, #tpu.memory_space<semaphore_mem>>) src(%dma_wait3A_342 : memref<128x16xf32, #tpu.memory_space<vmem>>) dst(%dma_wait3A_348 : memref<100008x16xf32, #tpu.memory_space<vmem_shared>>)
      %dma_wait3A_349 = arith.constant 3 : i32
      %dma_wait3A_350 = arith.constant 384 : i32
      %dma_wait3A_351 = arith.constant 0 : i32
      %dma_wait3A_352 = tpu.memref_slice %arg9[%dma_wait3A_350, %dma_wait3A_351] : memref<1024x16xf32, #tpu.memory_space<vmem>> -> memref<128x16xf32, #tpu.memory_space<vmem>>
      %dma_wait3A_353 = arith.constant 0 : i32
      %dma_wait3A_354 = tpu.memref_slice %arg8[%rem3A_47, %dma_wait3A_349, %dma_wait3A_353] : memref<2x8x128xi32, #tpu.memory_space<vmem>> -> memref<1x1x128xi32, #tpu.memory_space<vmem>>
      %dma_wait3A_355 = tpu.memref_squeeze %dma_wait3A_354 : memref<1x1x128xi32, #tpu.memory_space<vmem>> -> memref<128xi32, #tpu.memory_space<vmem>>
      %dma_wait3A_356 = arith.constant 0 : i32
      %dma_wait3A_357 = arith.constant 0 : i32
      %dma_wait3A_358 = tpu.memref_slice %arg10[%dma_wait3A_356, %dma_wait3A_357] : memref<100008x16xf32, #tpu.memory_space<vmem_shared>> -> memref<100008x16xf32, #tpu.memory_space<vmem_shared>>
      tpu.wait_indirect_dma semaphore(%arg13 : memref<!tpu.dma_semaphore, #tpu.memory_space<semaphore_mem>>) src(%dma_wait3A_352 : memref<128x16xf32, #tpu.memory_space<vmem>>) dst(%dma_wait3A_358 : memref<100008x16xf32, #tpu.memory_space<vmem_shared>>)
      %dma_wait3A_359 = arith.constant 4 : i32
      %dma_wait3A_360 = arith.constant 512 : i32
      %dma_wait3A_361 = arith.constant 0 : i32
      %dma_wait3A_362 = tpu.memref_slice %arg9[%dma_wait3A_360, %dma_wait3A_361] : memref<1024x16xf32, #tpu.memory_space<vmem>> -> memref<128x16xf32, #tpu.memory_space<vmem>>
      %dma_wait3A_363 = arith.constant 0 : i32
      %dma_wait3A_364 = tpu.memref_slice %arg8[%rem3A_47, %dma_wait3A_359, %dma_wait3A_363] : memref<2x8x128xi32, #tpu.memory_space<vmem>> -> memref<1x1x128xi32, #tpu.memory_space<vmem>>
      %dma_wait3A_365 = tpu.memref_squeeze %dma_wait3A_364 : memref<1x1x128xi32, #tpu.memory_space<vmem>> -> memref<128xi32, #tpu.memory_space<vmem>>
      %dma_wait3A_366 = arith.constant 0 : i32
      %dma_wait3A_367 = arith.constant 0 : i32
      %dma_wait3A_368 = tpu.memref_slice %arg10[%dma_wait3A_366, %dma_wait3A_367] : memref<100008x16xf32, #tpu.memory_space<vmem_shared>> -> memref<100008x16xf32, #tpu.memory_space<vmem_shared>>
      tpu.wait_indirect_dma semaphore(%arg13 : memref<!tpu.dma_semaphore, #tpu.memory_space<semaphore_mem>>) src(%dma_wait3A_362 : memref<128x16xf32, #tpu.memory_space<vmem>>) dst(%dma_wait3A_368 : memref<100008x16xf32, #tpu.memory_space<vmem_shared>>)
      %dma_wait3A_369 = arith.constant 5 : i32
      %dma_wait3A_370 = arith.constant 640 : i32
      %dma_wait3A_371 = arith.constant 0 : i32
      %dma_wait3A_372 = tpu.memref_slice %arg9[%dma_wait3A_370, %dma_wait3A_371] : memref<1024x16xf32, #tpu.memory_space<vmem>> -> memref<128x16xf32, #tpu.memory_space<vmem>>
      %dma_wait3A_373 = arith.constant 0 : i32
      %dma_wait3A_374 = tpu.memref_slice %arg8[%rem3A_47, %dma_wait3A_369, %dma_wait3A_373] : memref<2x8x128xi32, #tpu.memory_space<vmem>> -> memref<1x1x128xi32, #tpu.memory_space<vmem>>
      %dma_wait3A_375 = tpu.memref_squeeze %dma_wait3A_374 : memref<1x1x128xi32, #tpu.memory_space<vmem>> -> memref<128xi32, #tpu.memory_space<vmem>>
      %dma_wait3A_376 = arith.constant 0 : i32
      %dma_wait3A_377 = arith.constant 0 : i32
      %dma_wait3A_378 = tpu.memref_slice %arg10[%dma_wait3A_376, %dma_wait3A_377] : memref<100008x16xf32, #tpu.memory_space<vmem_shared>> -> memref<100008x16xf32, #tpu.memory_space<vmem_shared>>
      tpu.wait_indirect_dma semaphore(%arg13 : memref<!tpu.dma_semaphore, #tpu.memory_space<semaphore_mem>>) src(%dma_wait3A_372 : memref<128x16xf32, #tpu.memory_space<vmem>>) dst(%dma_wait3A_378 : memref<100008x16xf32, #tpu.memory_space<vmem_shared>>)
      %dma_wait3A_379 = arith.constant 6 : i32
      %dma_wait3A_380 = arith.constant 768 : i32
      %dma_wait3A_381 = arith.constant 0 : i32
      %dma_wait3A_382 = tpu.memref_slice %arg9[%dma_wait3A_380, %dma_wait3A_381] : memref<1024x16xf32, #tpu.memory_space<vmem>> -> memref<128x16xf32, #tpu.memory_space<vmem>>
      %dma_wait3A_383 = arith.constant 0 : i32
      %dma_wait3A_384 = tpu.memref_slice %arg8[%rem3A_47, %dma_wait3A_379, %dma_wait3A_383] : memref<2x8x128xi32, #tpu.memory_space<vmem>> -> memref<1x1x128xi32, #tpu.memory_space<vmem>>
      %dma_wait3A_385 = tpu.memref_squeeze %dma_wait3A_384 : memref<1x1x128xi32, #tpu.memory_space<vmem>> -> memref<128xi32, #tpu.memory_space<vmem>>
      %dma_wait3A_386 = arith.constant 0 : i32
      %dma_wait3A_387 = arith.constant 0 : i32
      %dma_wait3A_388 = tpu.memref_slice %arg10[%dma_wait3A_386, %dma_wait3A_387] : memref<100008x16xf32, #tpu.memory_space<vmem_shared>> -> memref<100008x16xf32, #tpu.memory_space<vmem_shared>>
      tpu.wait_indirect_dma semaphore(%arg13 : memref<!tpu.dma_semaphore, #tpu.memory_space<semaphore_mem>>) src(%dma_wait3A_382 : memref<128x16xf32, #tpu.memory_space<vmem>>) dst(%dma_wait3A_388 : memref<100008x16xf32, #tpu.memory_space<vmem_shared>>)
      %dma_wait3A_389 = arith.constant 7 : i32
      %dma_wait3A_390 = arith.constant 896 : i32
      %dma_wait3A_391 = arith.constant 0 : i32
      %dma_wait3A_392 = tpu.memref_slice %arg9[%dma_wait3A_390, %dma_wait3A_391] : memref<1024x16xf32, #tpu.memory_space<vmem>> -> memref<128x16xf32, #tpu.memory_space<vmem>>
      %dma_wait3A_393 = arith.constant 0 : i32
      %dma_wait3A_394 = tpu.memref_slice %arg8[%rem3A_47, %dma_wait3A_389, %dma_wait3A_393] : memref<2x8x128xi32, #tpu.memory_space<vmem>> -> memref<1x1x128xi32, #tpu.memory_space<vmem>>
      %dma_wait3A_395 = tpu.memref_squeeze %dma_wait3A_394 : memref<1x1x128xi32, #tpu.memory_space<vmem>> -> memref<128xi32, #tpu.memory_space<vmem>>
      %dma_wait3A_396 = arith.constant 0 : i32
      %dma_wait3A_397 = arith.constant 0 : i32
      %dma_wait3A_398 = tpu.memref_slice %arg10[%dma_wait3A_396, %dma_wait3A_397] : memref<100008x16xf32, #tpu.memory_space<vmem_shared>> -> memref<100008x16xf32, #tpu.memory_space<vmem_shared>>
      tpu.wait_indirect_dma semaphore(%arg13 : memref<!tpu.dma_semaphore, #tpu.memory_space<semaphore_mem>>) src(%dma_wait3A_392 : memref<128x16xf32, #tpu.memory_space<vmem>>) dst(%dma_wait3A_398 : memref<100008x16xf32, #tpu.memory_space<vmem_shared>>)
    }
    %scan3A_37 = arith.constant 98 : i32
    %barrier3A_38 = arith.constant 0 : index
    tpu.barrier barrier_id(%barrier3A_38)
    %mul3A_39 = arith.constant 16 : i32
    %mul3A_40 = arith.muli %arg0, %mul3A_39 : i32
    %add3A_41 = arith.addi %mul3A_40, %arg1 : i32
    "tpu.region"() ({
      %run_scoped3A = tpu.sem_alloc : memref<!tpu.dma_semaphore, #tpu.memory_space<semaphore_mem>>
      %dma_start3A_42 = arith.constant 0 : i32
      %dma_start3A_43 = arith.constant 0 : i32
      %dma_start3A_44 = tpu.memref_slice %arg6[%add3A_41, %dma_start3A_42, %dma_start3A_43] : memref<32x6250x16xf32, #tpu.memory_space<hbm>> -> memref<1x6250x16xf32, #tpu.memory_space<hbm>>
      %dma_start3A_45 = tpu.memref_squeeze %dma_start3A_44 : memref<1x6250x16xf32, #tpu.memory_space<hbm>> -> memref<6250x16xf32, #tpu.memory_space<hbm>>
      %dma_start3A_46 = arith.constant 0 : i32
      %dma_start3A_47 = tpu.memref_slice %arg10[%mul3A_2, %dma_start3A_46] : memref<100008x16xf32, #tpu.memory_space<vmem_shared>> -> memref<6250x16xf32, #tpu.memory_space<vmem_shared>>
      tpu.enqueue_dma source(%dma_start3A_47 : memref<6250x16xf32, #tpu.memory_space<vmem_shared>>) target(%dma_start3A_45 : memref<6250x16xf32, #tpu.memory_space<hbm>>) target_semaphore(%run_scoped3A : memref<!tpu.dma_semaphore, #tpu.memory_space<semaphore_mem>>)
      %dma_wait3A = arith.constant 0 : i32
      %dma_wait3A_48 = arith.constant 0 : i32
      %dma_wait3A_49 = tpu.memref_slice %arg6[%add3A_41, %dma_wait3A, %dma_wait3A_48] : memref<32x6250x16xf32, #tpu.memory_space<hbm>> -> memref<1x6250x16xf32, #tpu.memory_space<hbm>>
      %dma_wait3A_50 = tpu.memref_squeeze %dma_wait3A_49 : memref<1x6250x16xf32, #tpu.memory_space<hbm>> -> memref<6250x16xf32, #tpu.memory_space<hbm>>
      %dma_wait3A_51 = arith.constant 0 : i32
      %dma_wait3A_52 = tpu.memref_slice %arg10[%mul3A_2, %dma_wait3A_51] : memref<100008x16xf32, #tpu.memory_space<vmem_shared>> -> memref<6250x16xf32, #tpu.memory_space<vmem_shared>>
      tpu.wait_dma2 semaphore(%run_scoped3A : memref<!tpu.dma_semaphore, #tpu.memory_space<semaphore_mem>>) src(%dma_wait3A_52 : memref<6250x16xf32, #tpu.memory_space<vmem_shared>>) dst(%dma_wait3A_50 : memref<6250x16xf32, #tpu.memory_space<hbm>>)
      tpu.yield
    }) : () -> ()
    return
  }
}

#map = affine_map<(d0, d1) -> (0, 0)>
#map1 = affine_map<(d0, d1) -> (0, 0, 0)>
module attributes {stable_mosaic.version = 14 : i64} {
  func.func @seg_kernel(%arg0: i32, %arg1: i32, %arg2: memref<100000x16xf32, #tpu.memory_space<hbm>>, %arg3: memref<25088x128xi32, #tpu.memory_space<hbm>>, %arg4: memref<25088x128xi32, #tpu.memory_space<hbm>>, %arg5: memref<6250x16xf32, #tpu.memory_space<hbm>>, %arg6: memref<32x6250x16xf32, #tpu.memory_space<hbm>>, %arg7: memref<2x8x128xi32, #tpu.memory_space<vmem>>, %arg8: memref<2x8x128xi32, #tpu.memory_space<vmem>>, %arg9: memref<1024x16xf32, #tpu.memory_space<vmem>>, %arg10: memref<100008x16xf32, #tpu.memory_space<vmem_shared>>, %arg11: memref<!tpu.dma_semaphore, #tpu.memory_space<semaphore_mem>>, %arg12: memref<!tpu.dma_semaphore, #tpu.memory_space<semaphore_mem>>, %arg13: memref<!tpu.dma_semaphore, #tpu.memory_space<semaphore_mem>>) attributes {dimension_semantics = [#tpu.dimension_semantics<core_parallel>, #tpu.dimension_semantics<subcore_parallel>], iteration_bounds = array<i64: 2, 16>, scalar_prefetch = 0 : i64, scratch_operands = 7 : i64, tpu.core_type = #tpu.core_type<sc_vector_subcore>, window_params = [{transform_indices = #map}, {transform_indices = #map}, {transform_indices = #map}, {transform_indices = #map}, {transform_indices = #map1}]} {
    %mul3A = arith.constant 2 : i32
    %mul3A_0 = arith.muli %arg1, %mul3A : i32
    %add3A = arith.addi %mul3A_0, %arg0 : i32
    %mul3A_1 = arith.constant 6250 : i32
    %mul3A_2 = arith.muli %arg1, %mul3A_1 : i32
    "tpu.region"() ({
      %run_scoped3A = tpu.sem_alloc : memref<!tpu.dma_semaphore, #tpu.memory_space<semaphore_mem>>
      %dma_start3A_42 = arith.constant 0 : i32
      %dma_start3A_43 = tpu.memref_slice %arg10[%mul3A_2, %dma_start3A_42] : memref<100008x16xf32, #tpu.memory_space<vmem_shared>> -> memref<6250x16xf32, #tpu.memory_space<vmem_shared>>
      tpu.enqueue_dma source(%arg5 : memref<6250x16xf32, #tpu.memory_space<hbm>>) target(%dma_start3A_43 : memref<6250x16xf32, #tpu.memory_space<vmem_shared>>) target_semaphore(%run_scoped3A : memref<!tpu.dma_semaphore, #tpu.memory_space<semaphore_mem>>)
      %dma_wait3A = arith.constant 0 : i32
      %dma_wait3A_44 = tpu.memref_slice %arg10[%mul3A_2, %dma_wait3A] : memref<100008x16xf32, #tpu.memory_space<vmem_shared>> -> memref<6250x16xf32, #tpu.memory_space<vmem_shared>>
      tpu.wait_dma2 semaphore(%run_scoped3A : memref<!tpu.dma_semaphore, #tpu.memory_space<semaphore_mem>>) src(%arg5 : memref<6250x16xf32, #tpu.memory_space<hbm>>) dst(%dma_wait3A_44 : memref<6250x16xf32, #tpu.memory_space<vmem_shared>>)
      tpu.yield
    }) : () -> ()
    %barrier3A = arith.constant 0 : index
    tpu.barrier barrier_id(%barrier3A)
    %add3A_3 = arith.constant 0 : i32
    %add3A_4 = arith.addi %add3A, %add3A_3 : i32
    %mul3A_5 = arith.constant 8 : i32
    %mul3A_6 = arith.muli %add3A_4, %mul3A_5 : i32
    %dma_start3A = arith.constant 0 : i32
    %dma_start3A_7 = arith.constant 0 : i32
    %dma_start3A_8 = arith.constant 0 : i32
    %dma_start3A_9 = tpu.memref_slice %arg7[%dma_start3A, %dma_start3A_7, %dma_start3A_8] : memref<2x8x128xi32, #tpu.memory_space<vmem>> -> memref<1x8x128xi32, #tpu.memory_space<vmem>>
    %dma_start3A_10 = tpu.memref_squeeze %dma_start3A_9 : memref<1x8x128xi32, #tpu.memory_space<vmem>> -> memref<8x128xi32, #tpu.memory_space<vmem>>
    %dma_start3A_11 = arith.constant 0 : i32
    %dma_start3A_12 = tpu.memref_slice %arg3[%mul3A_6, %dma_start3A_11] : memref<25088x128xi32, #tpu.memory_space<hbm>> -> memref<8x128xi32, #tpu.memory_space<hbm>>
    %dma_start3A_13 = arith.constant 0 : i32
    %dma_start3A_14 = arith.constant 0 : i32
    %dma_start3A_15 = tpu.memref_slice %arg7[%dma_start3A, %dma_start3A_13, %dma_start3A_14] : memref<2x8x128xi32, #tpu.memory_space<vmem>> -> memref<1x8x128xi32, #tpu.memory_space<vmem>>
    %dma_start3A_16 = tpu.memref_squeeze %dma_start3A_15 : memref<1x8x128xi32, #tpu.memory_space<vmem>> -> memref<8x128xi32, #tpu.memory_space<vmem>>
    %dma_start3A_17 = arith.constant 0 : i32
    %dma_start3A_18 = tpu.memref_slice %arg3[%mul3A_6, %dma_start3A_17] : memref<25088x128xi32, #tpu.memory_space<hbm>> -> memref<8x128xi32, #tpu.memory_space<hbm>>
    tpu.enqueue_dma source(%dma_start3A_18 : memref<8x128xi32, #tpu.memory_space<hbm>>) target(%dma_start3A_16 : memref<8x128xi32, #tpu.memory_space<vmem>>) target_semaphore(%arg11 : memref<!tpu.dma_semaphore, #tpu.memory_space<semaphore_mem>>)
    %mul3A_19 = arith.constant 8 : i32
    %mul3A_20 = arith.muli %add3A_4, %mul3A_19 : i32
    %dma_start3A_21 = arith.constant 0 : i32
    %dma_start3A_22 = arith.constant 0 : i32
    %dma_start3A_23 = arith.constant 0 : i32
    %dma_start3A_24 = tpu.memref_slice %arg8[%dma_start3A_21, %dma_start3A_22, %dma_start3A_23] : memref<2x8x128xi32, #tpu.memory_space<vmem>> -> memref<1x8x128xi32, #tpu.memory_space<vmem>>
    %dma_start3A_25 = tpu.memref_squeeze %dma_start3A_24 : memref<1x8x128xi32, #tpu.memory_space<vmem>> -> memref<8x128xi32, #tpu.memory_space<vmem>>
    %dma_start3A_26 = arith.constant 0 : i32
    %dma_start3A_27 = tpu.memref_slice %arg4[%mul3A_20, %dma_start3A_26] : memref<25088x128xi32, #tpu.memory_space<hbm>> -> memref<8x128xi32, #tpu.memory_space<hbm>>
    %dma_start3A_28 = arith.constant 0 : i32
    %dma_start3A_29 = arith.constant 0 : i32
    %dma_start3A_30 = tpu.memref_slice %arg8[%dma_start3A_21, %dma_start3A_28, %dma_start3A_29] : memref<2x8x128xi32, #tpu.memory_space<vmem>> -> memref<1x8x128xi32, #tpu.memory_space<vmem>>
    %dma_start3A_31 = tpu.memref_squeeze %dma_start3A_30 : memref<1x8x128xi32, #tpu.memory_space<vmem>> -> memref<8x128xi32, #tpu.memory_space<vmem>>
    %dma_start3A_32 = arith.constant 0 : i32
    %dma_start3A_33 = tpu.memref_slice %arg4[%mul3A_20, %dma_start3A_32] : memref<25088x128xi32, #tpu.memory_space<hbm>> -> memref<8x128xi32, #tpu.memory_space<hbm>>
    tpu.enqueue_dma source(%dma_start3A_33 : memref<8x128xi32, #tpu.memory_space<hbm>>) target(%dma_start3A_31 : memref<8x128xi32, #tpu.memory_space<vmem>>) target_semaphore(%arg11 : memref<!tpu.dma_semaphore, #tpu.memory_space<semaphore_mem>>)
    %scan3A = arith.constant 0 : i32
    %scan3A_34 = arith.constant 98 : i32
    %scan3A_35 = arith.addi %scan3A, %scan3A_34 : i32
    %scan3A_36 = arith.constant 1 : i32
    scf.for %scan3A_42 = %scan3A to %scan3A_35 step %scan3A_36  : i32 {
      %mul3A_43 = arith.constant 1 : i32
      %mul3A_44 = arith.muli %scan3A_42, %mul3A_43 : i32
      %add3A_45 = arith.constant 0 : i32
      %add3A_46 = arith.addi %add3A_45, %mul3A_44 : i32
      %rem3A = arith.constant 2 : i32
      %rem3A_47 = arith.remsi %add3A_46, %rem3A : i32
      %dma_wait3A = arith.constant 0 : i32
      %dma_wait3A_48 = arith.constant 0 : i32
      %dma_wait3A_49 = tpu.memref_slice %arg7[%rem3A_47, %dma_wait3A, %dma_wait3A_48] : memref<2x8x128xi32, #tpu.memory_space<vmem>> -> memref<1x8x128xi32, #tpu.memory_space<vmem>>
      %dma_wait3A_50 = tpu.memref_squeeze %dma_wait3A_49 : memref<1x8x128xi32, #tpu.memory_space<vmem>> -> memref<8x128xi32, #tpu.memory_space<vmem>>
      %dma_wait3A_51 = arith.constant 0 : i32
      %dma_wait3A_52 = arith.constant 0 : i32
      %dma_wait3A_53 = tpu.memref_slice %arg3[%dma_wait3A_51, %dma_wait3A_52] : memref<25088x128xi32, #tpu.memory_space<hbm>> -> memref<8x128xi32, #tpu.memory_space<hbm>>
      %dma_wait3A_54 = arith.constant 0 : i32
      %dma_wait3A_55 = arith.constant 0 : i32
      %dma_wait3A_56 = tpu.memref_slice %arg7[%rem3A_47, %dma_wait3A_54, %dma_wait3A_55] : memref<2x8x128xi32, #tpu.memory_space<vmem>> -> memref<1x8x128xi32, #tpu.memory_space<vmem>>
      %dma_wait3A_57 = tpu.memref_squeeze %dma_wait3A_56 : memref<1x8x128xi32, #tpu.memory_space<vmem>> -> memref<8x128xi32, #tpu.memory_space<vmem>>
      %dma_wait3A_58 = arith.constant 0 : i32
      %dma_wait3A_59 = arith.constant 0 : i32
      %dma_wait3A_60 = tpu.memref_slice %arg3[%dma_wait3A_58, %dma_wait3A_59] : memref<25088x128xi32, #tpu.memory_space<hbm>> -> memref<8x128xi32, #tpu.memory_space<hbm>>
      tpu.wait_dma2 semaphore(%arg11 : memref<!tpu.dma_semaphore, #tpu.memory_space<semaphore_mem>>) src(%dma_wait3A_60 : memref<8x128xi32, #tpu.memory_space<hbm>>) dst(%dma_wait3A_57 : memref<8x128xi32, #tpu.memory_space<vmem>>)
      %dma_wait3A_61 = arith.constant 0 : i32
      %dma_wait3A_62 = arith.constant 0 : i32
      %dma_wait3A_63 = tpu.memref_slice %arg8[%rem3A_47, %dma_wait3A_61, %dma_wait3A_62] : memref<2x8x128xi32, #tpu.memory_space<vmem>> -> memref<1x8x128xi32, #tpu.memory_space<vmem>>
      %dma_wait3A_64 = tpu.memref_squeeze %dma_wait3A_63 : memref<1x8x128xi32, #tpu.memory_space<vmem>> -> memref<8x128xi32, #tpu.memory_space<vmem>>
      %dma_wait3A_65 = arith.constant 0 : i32
      %dma_wait3A_66 = arith.constant 0 : i32
      %dma_wait3A_67 = tpu.memref_slice %arg4[%dma_wait3A_65, %dma_wait3A_66] : memref<25088x128xi32, #tpu.memory_space<hbm>> -> memref<8x128xi32, #tpu.memory_space<hbm>>
      %dma_wait3A_68 = arith.constant 0 : i32
      %dma_wait3A_69 = arith.constant 0 : i32
      %dma_wait3A_70 = tpu.memref_slice %arg8[%rem3A_47, %dma_wait3A_68, %dma_wait3A_69] : memref<2x8x128xi32, #tpu.memory_space<vmem>> -> memref<1x8x128xi32, #tpu.memory_space<vmem>>
      %dma_wait3A_71 = tpu.memref_squeeze %dma_wait3A_70 : memref<1x8x128xi32, #tpu.memory_space<vmem>> -> memref<8x128xi32, #tpu.memory_space<vmem>>
      %dma_wait3A_72 = arith.constant 0 : i32
      %dma_wait3A_73 = arith.constant 0 : i32
      %dma_wait3A_74 = tpu.memref_slice %arg4[%dma_wait3A_72, %dma_wait3A_73] : memref<25088x128xi32, #tpu.memory_space<hbm>> -> memref<8x128xi32, #tpu.memory_space<hbm>>
      tpu.wait_dma2 semaphore(%arg11 : memref<!tpu.dma_semaphore, #tpu.memory_space<semaphore_mem>>) src(%dma_wait3A_74 : memref<8x128xi32, #tpu.memory_space<hbm>>) dst(%dma_wait3A_71 : memref<8x128xi32, #tpu.memory_space<vmem>>)
      %add3A_75 = arith.constant 1 : i32
      %add3A_76 = arith.addi %add3A_46, %add3A_75 : i32
      %lt3A = arith.constant 98 : i32
      %lt3A_77 = arith.cmpi slt, %add3A_76, %lt3A : i32
      %convert_element_type3A = arith.extui %lt3A_77 : i1 to i32
      %cond3A = arith.constant 0 : i32
      %cond3A_78 = arith.cmpi ne, %convert_element_type3A, %cond3A : i32
      scf.if %cond3A_78 {
        %add3A_399 = arith.constant 1 : i32
        %add3A_400 = arith.addi %add3A_46, %add3A_399 : i32
        %sub3A = arith.constant 1 : i32
        %sub3A_401 = arith.subi %sub3A, %rem3A_47 : i32
        %mul3A_402 = arith.constant 32 : i32
        %mul3A_403 = arith.muli %add3A_400, %mul3A_402 : i32
        %add3A_404 = arith.addi %add3A, %mul3A_403 : i32
        %mul3A_405 = arith.constant 8 : i32
        %mul3A_406 = arith.muli %add3A_404, %mul3A_405 : i32
        %dma_start3A_407 = arith.constant 0 : i32
        %dma_start3A_408 = arith.constant 0 : i32
        %dma_start3A_409 = tpu.memref_slice %arg7[%sub3A_401, %dma_start3A_407, %dma_start3A_408] : memref<2x8x128xi32, #tpu.memory_space<vmem>> -> memref<1x8x128xi32, #tpu.memory_space<vmem>>
        %dma_start3A_410 = tpu.memref_squeeze %dma_start3A_409 : memref<1x8x128xi32, #tpu.memory_space<vmem>> -> memref<8x128xi32, #tpu.memory_space<vmem>>
        %dma_start3A_411 = arith.constant 0 : i32
        %dma_start3A_412 = tpu.memref_slice %arg3[%mul3A_406, %dma_start3A_411] : memref<25088x128xi32, #tpu.memory_space<hbm>> -> memref<8x128xi32, #tpu.memory_space<hbm>>
        %dma_start3A_413 = arith.constant 0 : i32
        %dma_start3A_414 = arith.constant 0 : i32
        %dma_start3A_415 = tpu.memref_slice %arg7[%sub3A_401, %dma_start3A_413, %dma_start3A_414] : memref<2x8x128xi32, #tpu.memory_space<vmem>> -> memref<1x8x128xi32, #tpu.memory_space<vmem>>
        %dma_start3A_416 = tpu.memref_squeeze %dma_start3A_415 : memref<1x8x128xi32, #tpu.memory_space<vmem>> -> memref<8x128xi32, #tpu.memory_space<vmem>>
        %dma_start3A_417 = arith.constant 0 : i32
        %dma_start3A_418 = tpu.memref_slice %arg3[%mul3A_406, %dma_start3A_417] : memref<25088x128xi32, #tpu.memory_space<hbm>> -> memref<8x128xi32, #tpu.memory_space<hbm>>
        tpu.enqueue_dma source(%dma_start3A_418 : memref<8x128xi32, #tpu.memory_space<hbm>>) target(%dma_start3A_416 : memref<8x128xi32, #tpu.memory_space<vmem>>) target_semaphore(%arg11 : memref<!tpu.dma_semaphore, #tpu.memory_space<semaphore_mem>>)
        %mul3A_419 = arith.constant 8 : i32
        %mul3A_420 = arith.muli %add3A_404, %mul3A_419 : i32
        %dma_start3A_421 = arith.constant 0 : i32
        %dma_start3A_422 = arith.constant 0 : i32
        %dma_start3A_423 = tpu.memref_slice %arg8[%sub3A_401, %dma_start3A_421, %dma_start3A_422] : memref<2x8x128xi32, #tpu.memory_space<vmem>> -> memref<1x8x128xi32, #tpu.memory_space<vmem>>
        %dma_start3A_424 = tpu.memref_squeeze %dma_start3A_423 : memref<1x8x128xi32, #tpu.memory_space<vmem>> -> memref<8x128xi32, #tpu.memory_space<vmem>>
        %dma_start3A_425 = arith.constant 0 : i32
        %dma_start3A_426 = tpu.memref_slice %arg4[%mul3A_420, %dma_start3A_425] : memref<25088x128xi32, #tpu.memory_space<hbm>> -> memref<8x128xi32, #tpu.memory_space<hbm>>
        %dma_start3A_427 = arith.constant 0 : i32
        %dma_start3A_428 = arith.constant 0 : i32
        %dma_start3A_429 = tpu.memref_slice %arg8[%sub3A_401, %dma_start3A_427, %dma_start3A_428] : memref<2x8x128xi32, #tpu.memory_space<vmem>> -> memref<1x8x128xi32, #tpu.memory_space<vmem>>
        %dma_start3A_430 = tpu.memref_squeeze %dma_start3A_429 : memref<1x8x128xi32, #tpu.memory_space<vmem>> -> memref<8x128xi32, #tpu.memory_space<vmem>>
        %dma_start3A_431 = arith.constant 0 : i32
        %dma_start3A_432 = tpu.memref_slice %arg4[%mul3A_420, %dma_start3A_431] : memref<25088x128xi32, #tpu.memory_space<hbm>> -> memref<8x128xi32, #tpu.memory_space<hbm>>
        tpu.enqueue_dma source(%dma_start3A_432 : memref<8x128xi32, #tpu.memory_space<hbm>>) target(%dma_start3A_430 : memref<8x128xi32, #tpu.memory_space<vmem>>) target_semaphore(%arg11 : memref<!tpu.dma_semaphore, #tpu.memory_space<semaphore_mem>>)
      } else {
      }
      %dma_start3A_79 = arith.constant 0 : i32
      %dma_start3A_80 = arith.constant 0 : i32
      %dma_start3A_81 = arith.constant 0 : i32
      %dma_start3A_82 = tpu.memref_slice %arg9[%dma_start3A_80, %dma_start3A_81] : memref<1024x16xf32, #tpu.memory_space<vmem>> -> memref<128x16xf32, #tpu.memory_space<vmem>>
      %dma_start3A_83 = arith.constant 0 : i32
      %dma_start3A_84 = tpu.memref_slice %arg7[%rem3A_47, %dma_start3A_79, %dma_start3A_83] : memref<2x8x128xi32, #tpu.memory_space<vmem>> -> memref<1x1x128xi32, #tpu.memory_space<vmem>>
      %dma_start3A_85 = tpu.memref_squeeze %dma_start3A_84 : memref<1x1x128xi32, #tpu.memory_space<vmem>> -> memref<128xi32, #tpu.memory_space<vmem>>
      %dma_start3A_86 = arith.constant 0 : i32
      %dma_start3A_87 = arith.constant 0 : i32
      %dma_start3A_88 = tpu.memref_slice %arg2[%dma_start3A_86, %dma_start3A_87] : memref<100000x16xf32, #tpu.memory_space<hbm>> -> memref<100000x16xf32, #tpu.memory_space<hbm>>
      tpu.enqueue_indirect_dma source(%dma_start3A_88 : memref<100000x16xf32, #tpu.memory_space<hbm>>) target(%dma_start3A_82 : memref<128x16xf32, #tpu.memory_space<vmem>>) offsets(%dma_start3A_85 : memref<128xi32, #tpu.memory_space<vmem>>) semaphore(%arg12 : memref<!tpu.dma_semaphore, #tpu.memory_space<semaphore_mem>>)
      %dma_start3A_89 = arith.constant 1 : i32
      %dma_start3A_90 = arith.constant 128 : i32
      %dma_start3A_91 = arith.constant 0 : i32
      %dma_start3A_92 = tpu.memref_slice %arg9[%dma_start3A_90, %dma_start3A_91] : memref<1024x16xf32, #tpu.memory_space<vmem>> -> memref<128x16xf32, #tpu.memory_space<vmem>>
      %dma_start3A_93 = arith.constant 0 : i32
      %dma_start3A_94 = tpu.memref_slice %arg7[%rem3A_47, %dma_start3A_89, %dma_start3A_93] : memref<2x8x128xi32, #tpu.memory_space<vmem>> -> memref<1x1x128xi32, #tpu.memory_space<vmem>>
      %dma_start3A_95 = tpu.memref_squeeze %dma_start3A_94 : memref<1x1x128xi32, #tpu.memory_space<vmem>> -> memref<128xi32, #tpu.memory_space<vmem>>
      %dma_start3A_96 = arith.constant 0 : i32
      %dma_start3A_97 = arith.constant 0 : i32
      %dma_start3A_98 = tpu.memref_slice %arg2[%dma_start3A_96, %dma_start3A_97] : memref<100000x16xf32, #tpu.memory_space<hbm>> -> memref<100000x16xf32, #tpu.memory_space<hbm>>
      tpu.enqueue_indirect_dma source(%dma_start3A_98 : memref<100000x16xf32, #tpu.memory_space<hbm>>) target(%dma_start3A_92 : memref<128x16xf32, #tpu.memory_space<vmem>>) offsets(%dma_start3A_95 : memref<128xi32, #tpu.memory_space<vmem>>) semaphore(%arg12 : memref<!tpu.dma_semaphore, #tpu.memory_space<semaphore_mem>>)
      %dma_start3A_99 = arith.constant 2 : i32
      %dma_start3A_100 = arith.constant 256 : i32
      %dma_start3A_101 = arith.constant 0 : i32
      %dma_start3A_102 = tpu.memref_slice %arg9[%dma_start3A_100, %dma_start3A_101] : memref<1024x16xf32, #tpu.memory_space<vmem>> -> memref<128x16xf32, #tpu.memory_space<vmem>>
      %dma_start3A_103 = arith.constant 0 : i32
      %dma_start3A_104 = tpu.memref_slice %arg7[%rem3A_47, %dma_start3A_99, %dma_start3A_103] : memref<2x8x128xi32, #tpu.memory_space<vmem>> -> memref<1x1x128xi32, #tpu.memory_space<vmem>>
      %dma_start3A_105 = tpu.memref_squeeze %dma_start3A_104 : memref<1x1x128xi32, #tpu.memory_space<vmem>> -> memref<128xi32, #tpu.memory_space<vmem>>
      %dma_start3A_106 = arith.constant 0 : i32
      %dma_start3A_107 = arith.constant 0 : i32
      %dma_start3A_108 = tpu.memref_slice %arg2[%dma_start3A_106, %dma_start3A_107] : memref<100000x16xf32, #tpu.memory_space<hbm>> -> memref<100000x16xf32, #tpu.memory_space<hbm>>
      tpu.enqueue_indirect_dma source(%dma_start3A_108 : memref<100000x16xf32, #tpu.memory_space<hbm>>) target(%dma_start3A_102 : memref<128x16xf32, #tpu.memory_space<vmem>>) offsets(%dma_start3A_105 : memref<128xi32, #tpu.memory_space<vmem>>) semaphore(%arg12 : memref<!tpu.dma_semaphore, #tpu.memory_space<semaphore_mem>>)
      %dma_start3A_109 = arith.constant 3 : i32
      %dma_start3A_110 = arith.constant 384 : i32
      %dma_start3A_111 = arith.constant 0 : i32
      %dma_start3A_112 = tpu.memref_slice %arg9[%dma_start3A_110, %dma_start3A_111] : memref<1024x16xf32, #tpu.memory_space<vmem>> -> memref<128x16xf32, #tpu.memory_space<vmem>>
      %dma_start3A_113 = arith.constant 0 : i32
      %dma_start3A_114 = tpu.memref_slice %arg7[%rem3A_47, %dma_start3A_109, %dma_start3A_113] : memref<2x8x128xi32, #tpu.memory_space<vmem>> -> memref<1x1x128xi32, #tpu.memory_space<vmem>>
      %dma_start3A_115 = tpu.memref_squeeze %dma_start3A_114 : memref<1x1x128xi32, #tpu.memory_space<vmem>> -> memref<128xi32, #tpu.memory_space<vmem>>
      %dma_start3A_116 = arith.constant 0 : i32
      %dma_start3A_117 = arith.constant 0 : i32
      %dma_start3A_118 = tpu.memref_slice %arg2[%dma_start3A_116, %dma_start3A_117] : memref<100000x16xf32, #tpu.memory_space<hbm>> -> memref<100000x16xf32, #tpu.memory_space<hbm>>
      tpu.enqueue_indirect_dma source(%dma_start3A_118 : memref<100000x16xf32, #tpu.memory_space<hbm>>) target(%dma_start3A_112 : memref<128x16xf32, #tpu.memory_space<vmem>>) offsets(%dma_start3A_115 : memref<128xi32, #tpu.memory_space<vmem>>) semaphore(%arg12 : memref<!tpu.dma_semaphore, #tpu.memory_space<semaphore_mem>>)
      %dma_start3A_119 = arith.constant 4 : i32
      %dma_start3A_120 = arith.constant 512 : i32
      %dma_start3A_121 = arith.constant 0 : i32
      %dma_start3A_122 = tpu.memref_slice %arg9[%dma_start3A_120, %dma_start3A_121] : memref<1024x16xf32, #tpu.memory_space<vmem>> -> memref<128x16xf32, #tpu.memory_space<vmem>>
      %dma_start3A_123 = arith.constant 0 : i32
      %dma_start3A_124 = tpu.memref_slice %arg7[%rem3A_47, %dma_start3A_119, %dma_start3A_123] : memref<2x8x128xi32, #tpu.memory_space<vmem>> -> memref<1x1x128xi32, #tpu.memory_space<vmem>>
      %dma_start3A_125 = tpu.memref_squeeze %dma_start3A_124 : memref<1x1x128xi32, #tpu.memory_space<vmem>> -> memref<128xi32, #tpu.memory_space<vmem>>
      %dma_start3A_126 = arith.constant 0 : i32
      %dma_start3A_127 = arith.constant 0 : i32
      %dma_start3A_128 = tpu.memref_slice %arg2[%dma_start3A_126, %dma_start3A_127] : memref<100000x16xf32, #tpu.memory_space<hbm>> -> memref<100000x16xf32, #tpu.memory_space<hbm>>
      tpu.enqueue_indirect_dma source(%dma_start3A_128 : memref<100000x16xf32, #tpu.memory_space<hbm>>) target(%dma_start3A_122 : memref<128x16xf32, #tpu.memory_space<vmem>>) offsets(%dma_start3A_125 : memref<128xi32, #tpu.memory_space<vmem>>) semaphore(%arg12 : memref<!tpu.dma_semaphore, #tpu.memory_space<semaphore_mem>>)
      %dma_start3A_129 = arith.constant 5 : i32
      %dma_start3A_130 = arith.constant 640 : i32
      %dma_start3A_131 = arith.constant 0 : i32
      %dma_start3A_132 = tpu.memref_slice %arg9[%dma_start3A_130, %dma_start3A_131] : memref<1024x16xf32, #tpu.memory_space<vmem>> -> memref<128x16xf32, #tpu.memory_space<vmem>>
      %dma_start3A_133 = arith.constant 0 : i32
      %dma_start3A_134 = tpu.memref_slice %arg7[%rem3A_47, %dma_start3A_129, %dma_start3A_133] : memref<2x8x128xi32, #tpu.memory_space<vmem>> -> memref<1x1x128xi32, #tpu.memory_space<vmem>>
      %dma_start3A_135 = tpu.memref_squeeze %dma_start3A_134 : memref<1x1x128xi32, #tpu.memory_space<vmem>> -> memref<128xi32, #tpu.memory_space<vmem>>
      %dma_start3A_136 = arith.constant 0 : i32
      %dma_start3A_137 = arith.constant 0 : i32
      %dma_start3A_138 = tpu.memref_slice %arg2[%dma_start3A_136, %dma_start3A_137] : memref<100000x16xf32, #tpu.memory_space<hbm>> -> memref<100000x16xf32, #tpu.memory_space<hbm>>
      tpu.enqueue_indirect_dma source(%dma_start3A_138 : memref<100000x16xf32, #tpu.memory_space<hbm>>) target(%dma_start3A_132 : memref<128x16xf32, #tpu.memory_space<vmem>>) offsets(%dma_start3A_135 : memref<128xi32, #tpu.memory_space<vmem>>) semaphore(%arg12 : memref<!tpu.dma_semaphore, #tpu.memory_space<semaphore_mem>>)
      %dma_start3A_139 = arith.constant 6 : i32
      %dma_start3A_140 = arith.constant 768 : i32
      %dma_start3A_141 = arith.constant 0 : i32
      %dma_start3A_142 = tpu.memref_slice %arg9[%dma_start3A_140, %dma_start3A_141] : memref<1024x16xf32, #tpu.memory_space<vmem>> -> memref<128x16xf32, #tpu.memory_space<vmem>>
      %dma_start3A_143 = arith.constant 0 : i32
      %dma_start3A_144 = tpu.memref_slice %arg7[%rem3A_47, %dma_start3A_139, %dma_start3A_143] : memref<2x8x128xi32, #tpu.memory_space<vmem>> -> memref<1x1x128xi32, #tpu.memory_space<vmem>>
      %dma_start3A_145 = tpu.memref_squeeze %dma_start3A_144 : memref<1x1x128xi32, #tpu.memory_space<vmem>> -> memref<128xi32, #tpu.memory_space<vmem>>
      %dma_start3A_146 = arith.constant 0 : i32
      %dma_start3A_147 = arith.constant 0 : i32
      %dma_start3A_148 = tpu.memref_slice %arg2[%dma_start3A_146, %dma_start3A_147] : memref<100000x16xf32, #tpu.memory_space<hbm>> -> memref<100000x16xf32, #tpu.memory_space<hbm>>
      tpu.enqueue_indirect_dma source(%dma_start3A_148 : memref<100000x16xf32, #tpu.memory_space<hbm>>) target(%dma_start3A_142 : memref<128x16xf32, #tpu.memory_space<vmem>>) offsets(%dma_start3A_145 : memref<128xi32, #tpu.memory_space<vmem>>) semaphore(%arg12 : memref<!tpu.dma_semaphore, #tpu.memory_space<semaphore_mem>>)
      %dma_start3A_149 = arith.constant 7 : i32
      %dma_start3A_150 = arith.constant 896 : i32
      %dma_start3A_151 = arith.constant 0 : i32
      %dma_start3A_152 = tpu.memref_slice %arg9[%dma_start3A_150, %dma_start3A_151] : memref<1024x16xf32, #tpu.memory_space<vmem>> -> memref<128x16xf32, #tpu.memory_space<vmem>>
      %dma_start3A_153 = arith.constant 0 : i32
      %dma_start3A_154 = tpu.memref_slice %arg7[%rem3A_47, %dma_start3A_149, %dma_start3A_153] : memref<2x8x128xi32, #tpu.memory_space<vmem>> -> memref<1x1x128xi32, #tpu.memory_space<vmem>>
      %dma_start3A_155 = tpu.memref_squeeze %dma_start3A_154 : memref<1x1x128xi32, #tpu.memory_space<vmem>> -> memref<128xi32, #tpu.memory_space<vmem>>
      %dma_start3A_156 = arith.constant 0 : i32
      %dma_start3A_157 = arith.constant 0 : i32
      %dma_start3A_158 = tpu.memref_slice %arg2[%dma_start3A_156, %dma_start3A_157] : memref<100000x16xf32, #tpu.memory_space<hbm>> -> memref<100000x16xf32, #tpu.memory_space<hbm>>
      tpu.enqueue_indirect_dma source(%dma_start3A_158 : memref<100000x16xf32, #tpu.memory_space<hbm>>) target(%dma_start3A_152 : memref<128x16xf32, #tpu.memory_space<vmem>>) offsets(%dma_start3A_155 : memref<128xi32, #tpu.memory_space<vmem>>) semaphore(%arg12 : memref<!tpu.dma_semaphore, #tpu.memory_space<semaphore_mem>>)
      %dma_wait3A_159 = arith.constant 0 : i32
      %dma_wait3A_160 = arith.constant 0 : i32
      %dma_wait3A_161 = arith.constant 0 : i32
      %dma_wait3A_162 = tpu.memref_slice %arg9[%dma_wait3A_160, %dma_wait3A_161] : memref<1024x16xf32, #tpu.memory_space<vmem>> -> memref<128x16xf32, #tpu.memory_space<vmem>>
      %dma_wait3A_163 = arith.constant 0 : i32
      %dma_wait3A_164 = tpu.memref_slice %arg7[%rem3A_47, %dma_wait3A_159, %dma_wait3A_163] : memref<2x8x128xi32, #tpu.memory_space<vmem>> -> memref<1x1x128xi32, #tpu.memory_space<vmem>>
      %dma_wait3A_165 = tpu.memref_squeeze %dma_wait3A_164 : memref<1x1x128xi32, #tpu.memory_space<vmem>> -> memref<128xi32, #tpu.memory_space<vmem>>
      %dma_wait3A_166 = arith.constant 0 : i32
      %dma_wait3A_167 = arith.constant 0 : i32
      %dma_wait3A_168 = tpu.memref_slice %arg2[%dma_wait3A_166, %dma_wait3A_167] : memref<100000x16xf32, #tpu.memory_space<hbm>> -> memref<100000x16xf32, #tpu.memory_space<hbm>>
      tpu.wait_indirect_dma semaphore(%arg12 : memref<!tpu.dma_semaphore, #tpu.memory_space<semaphore_mem>>) src(%dma_wait3A_168 : memref<100000x16xf32, #tpu.memory_space<hbm>>) dst(%dma_wait3A_162 : memref<128x16xf32, #tpu.memory_space<vmem>>)
      %dma_start3A_169 = arith.constant 0 : i32
      %dma_start3A_170 = arith.constant 0 : i32
      %dma_start3A_171 = arith.constant 0 : i32
      %dma_start3A_172 = tpu.memref_slice %arg9[%dma_start3A_170, %dma_start3A_171] : memref<1024x16xf32, #tpu.memory_space<vmem>> -> memref<128x16xf32, #tpu.memory_space<vmem>>
      %dma_start3A_173 = arith.constant 0 : i32
      %dma_start3A_174 = tpu.memref_slice %arg8[%rem3A_47, %dma_start3A_169, %dma_start3A_173] : memref<2x8x128xi32, #tpu.memory_space<vmem>> -> memref<1x1x128xi32, #tpu.memory_space<vmem>>
      %dma_start3A_175 = tpu.memref_squeeze %dma_start3A_174 : memref<1x1x128xi32, #tpu.memory_space<vmem>> -> memref<128xi32, #tpu.memory_space<vmem>>
      %dma_start3A_176 = arith.constant 0 : i32
      %dma_start3A_177 = arith.constant 0 : i32
      %dma_start3A_178 = tpu.memref_slice %arg10[%dma_start3A_176, %dma_start3A_177] : memref<100008x16xf32, #tpu.memory_space<vmem_shared>> -> memref<100008x16xf32, #tpu.memory_space<vmem_shared>>
      tpu.enqueue_indirect_dma source(%dma_start3A_172 : memref<128x16xf32, #tpu.memory_space<vmem>>) target(%dma_start3A_178 : memref<100008x16xf32, #tpu.memory_space<vmem_shared>>) offsets(%dma_start3A_175 : memref<128xi32, #tpu.memory_space<vmem>>) semaphore(%arg13 : memref<!tpu.dma_semaphore, #tpu.memory_space<semaphore_mem>>) {add = true}
      %dma_wait3A_179 = arith.constant 1 : i32
      %dma_wait3A_180 = arith.constant 128 : i32
      %dma_wait3A_181 = arith.constant 0 : i32
      %dma_wait3A_182 = tpu.memref_slice %arg9[%dma_wait3A_180, %dma_wait3A_181] : memref<1024x16xf32, #tpu.memory_space<vmem>> -> memref<128x16xf32, #tpu.memory_space<vmem>>
      %dma_wait3A_183 = arith.constant 0 : i32
      %dma_wait3A_184 = tpu.memref_slice %arg7[%rem3A_47, %dma_wait3A_179, %dma_wait3A_183] : memref<2x8x128xi32, #tpu.memory_space<vmem>> -> memref<1x1x128xi32, #tpu.memory_space<vmem>>
      %dma_wait3A_185 = tpu.memref_squeeze %dma_wait3A_184 : memref<1x1x128xi32, #tpu.memory_space<vmem>> -> memref<128xi32, #tpu.memory_space<vmem>>
      %dma_wait3A_186 = arith.constant 0 : i32
      %dma_wait3A_187 = arith.constant 0 : i32
      %dma_wait3A_188 = tpu.memref_slice %arg2[%dma_wait3A_186, %dma_wait3A_187] : memref<100000x16xf32, #tpu.memory_space<hbm>> -> memref<100000x16xf32, #tpu.memory_space<hbm>>
      tpu.wait_indirect_dma semaphore(%arg12 : memref<!tpu.dma_semaphore, #tpu.memory_space<semaphore_mem>>) src(%dma_wait3A_188 : memref<100000x16xf32, #tpu.memory_space<hbm>>) dst(%dma_wait3A_182 : memref<128x16xf32, #tpu.memory_space<vmem>>)
      %dma_start3A_189 = arith.constant 1 : i32
      %dma_start3A_190 = arith.constant 128 : i32
      %dma_start3A_191 = arith.constant 0 : i32
      %dma_start3A_192 = tpu.memref_slice %arg9[%dma_start3A_190, %dma_start3A_191] : memref<1024x16xf32, #tpu.memory_space<vmem>> -> memref<128x16xf32, #tpu.memory_space<vmem>>
      %dma_start3A_193 = arith.constant 0 : i32
      %dma_start3A_194 = tpu.memref_slice %arg8[%rem3A_47, %dma_start3A_189, %dma_start3A_193] : memref<2x8x128xi32, #tpu.memory_space<vmem>> -> memref<1x1x128xi32, #tpu.memory_space<vmem>>
      %dma_start3A_195 = tpu.memref_squeeze %dma_start3A_194 : memref<1x1x128xi32, #tpu.memory_space<vmem>> -> memref<128xi32, #tpu.memory_space<vmem>>
      %dma_start3A_196 = arith.constant 0 : i32
      %dma_start3A_197 = arith.constant 0 : i32
      %dma_start3A_198 = tpu.memref_slice %arg10[%dma_start3A_196, %dma_start3A_197] : memref<100008x16xf32, #tpu.memory_space<vmem_shared>> -> memref<100008x16xf32, #tpu.memory_space<vmem_shared>>
      tpu.enqueue_indirect_dma source(%dma_start3A_192 : memref<128x16xf32, #tpu.memory_space<vmem>>) target(%dma_start3A_198 : memref<100008x16xf32, #tpu.memory_space<vmem_shared>>) offsets(%dma_start3A_195 : memref<128xi32, #tpu.memory_space<vmem>>) semaphore(%arg13 : memref<!tpu.dma_semaphore, #tpu.memory_space<semaphore_mem>>) {add = true}
      %dma_wait3A_199 = arith.constant 2 : i32
      %dma_wait3A_200 = arith.constant 256 : i32
      %dma_wait3A_201 = arith.constant 0 : i32
      %dma_wait3A_202 = tpu.memref_slice %arg9[%dma_wait3A_200, %dma_wait3A_201] : memref<1024x16xf32, #tpu.memory_space<vmem>> -> memref<128x16xf32, #tpu.memory_space<vmem>>
      %dma_wait3A_203 = arith.constant 0 : i32
      %dma_wait3A_204 = tpu.memref_slice %arg7[%rem3A_47, %dma_wait3A_199, %dma_wait3A_203] : memref<2x8x128xi32, #tpu.memory_space<vmem>> -> memref<1x1x128xi32, #tpu.memory_space<vmem>>
      %dma_wait3A_205 = tpu.memref_squeeze %dma_wait3A_204 : memref<1x1x128xi32, #tpu.memory_space<vmem>> -> memref<128xi32, #tpu.memory_space<vmem>>
      %dma_wait3A_206 = arith.constant 0 : i32
      %dma_wait3A_207 = arith.constant 0 : i32
      %dma_wait3A_208 = tpu.memref_slice %arg2[%dma_wait3A_206, %dma_wait3A_207] : memref<100000x16xf32, #tpu.memory_space<hbm>> -> memref<100000x16xf32, #tpu.memory_space<hbm>>
      tpu.wait_indirect_dma semaphore(%arg12 : memref<!tpu.dma_semaphore, #tpu.memory_space<semaphore_mem>>) src(%dma_wait3A_208 : memref<100000x16xf32, #tpu.memory_space<hbm>>) dst(%dma_wait3A_202 : memref<128x16xf32, #tpu.memory_space<vmem>>)
      %dma_start3A_209 = arith.constant 2 : i32
      %dma_start3A_210 = arith.constant 256 : i32
      %dma_start3A_211 = arith.constant 0 : i32
      %dma_start3A_212 = tpu.memref_slice %arg9[%dma_start3A_210, %dma_start3A_211] : memref<1024x16xf32, #tpu.memory_space<vmem>> -> memref<128x16xf32, #tpu.memory_space<vmem>>
      %dma_start3A_213 = arith.constant 0 : i32
      %dma_start3A_214 = tpu.memref_slice %arg8[%rem3A_47, %dma_start3A_209, %dma_start3A_213] : memref<2x8x128xi32, #tpu.memory_space<vmem>> -> memref<1x1x128xi32, #tpu.memory_space<vmem>>
      %dma_start3A_215 = tpu.memref_squeeze %dma_start3A_214 : memref<1x1x128xi32, #tpu.memory_space<vmem>> -> memref<128xi32, #tpu.memory_space<vmem>>
      %dma_start3A_216 = arith.constant 0 : i32
      %dma_start3A_217 = arith.constant 0 : i32
      %dma_start3A_218 = tpu.memref_slice %arg10[%dma_start3A_216, %dma_start3A_217] : memref<100008x16xf32, #tpu.memory_space<vmem_shared>> -> memref<100008x16xf32, #tpu.memory_space<vmem_shared>>
      tpu.enqueue_indirect_dma source(%dma_start3A_212 : memref<128x16xf32, #tpu.memory_space<vmem>>) target(%dma_start3A_218 : memref<100008x16xf32, #tpu.memory_space<vmem_shared>>) offsets(%dma_start3A_215 : memref<128xi32, #tpu.memory_space<vmem>>) semaphore(%arg13 : memref<!tpu.dma_semaphore, #tpu.memory_space<semaphore_mem>>) {add = true}
      %dma_wait3A_219 = arith.constant 3 : i32
      %dma_wait3A_220 = arith.constant 384 : i32
      %dma_wait3A_221 = arith.constant 0 : i32
      %dma_wait3A_222 = tpu.memref_slice %arg9[%dma_wait3A_220, %dma_wait3A_221] : memref<1024x16xf32, #tpu.memory_space<vmem>> -> memref<128x16xf32, #tpu.memory_space<vmem>>
      %dma_wait3A_223 = arith.constant 0 : i32
      %dma_wait3A_224 = tpu.memref_slice %arg7[%rem3A_47, %dma_wait3A_219, %dma_wait3A_223] : memref<2x8x128xi32, #tpu.memory_space<vmem>> -> memref<1x1x128xi32, #tpu.memory_space<vmem>>
      %dma_wait3A_225 = tpu.memref_squeeze %dma_wait3A_224 : memref<1x1x128xi32, #tpu.memory_space<vmem>> -> memref<128xi32, #tpu.memory_space<vmem>>
      %dma_wait3A_226 = arith.constant 0 : i32
      %dma_wait3A_227 = arith.constant 0 : i32
      %dma_wait3A_228 = tpu.memref_slice %arg2[%dma_wait3A_226, %dma_wait3A_227] : memref<100000x16xf32, #tpu.memory_space<hbm>> -> memref<100000x16xf32, #tpu.memory_space<hbm>>
      tpu.wait_indirect_dma semaphore(%arg12 : memref<!tpu.dma_semaphore, #tpu.memory_space<semaphore_mem>>) src(%dma_wait3A_228 : memref<100000x16xf32, #tpu.memory_space<hbm>>) dst(%dma_wait3A_222 : memref<128x16xf32, #tpu.memory_space<vmem>>)
      %dma_start3A_229 = arith.constant 3 : i32
      %dma_start3A_230 = arith.constant 384 : i32
      %dma_start3A_231 = arith.constant 0 : i32
      %dma_start3A_232 = tpu.memref_slice %arg9[%dma_start3A_230, %dma_start3A_231] : memref<1024x16xf32, #tpu.memory_space<vmem>> -> memref<128x16xf32, #tpu.memory_space<vmem>>
      %dma_start3A_233 = arith.constant 0 : i32
      %dma_start3A_234 = tpu.memref_slice %arg8[%rem3A_47, %dma_start3A_229, %dma_start3A_233] : memref<2x8x128xi32, #tpu.memory_space<vmem>> -> memref<1x1x128xi32, #tpu.memory_space<vmem>>
      %dma_start3A_235 = tpu.memref_squeeze %dma_start3A_234 : memref<1x1x128xi32, #tpu.memory_space<vmem>> -> memref<128xi32, #tpu.memory_space<vmem>>
      %dma_start3A_236 = arith.constant 0 : i32
      %dma_start3A_237 = arith.constant 0 : i32
      %dma_start3A_238 = tpu.memref_slice %arg10[%dma_start3A_236, %dma_start3A_237] : memref<100008x16xf32, #tpu.memory_space<vmem_shared>> -> memref<100008x16xf32, #tpu.memory_space<vmem_shared>>
      tpu.enqueue_indirect_dma source(%dma_start3A_232 : memref<128x16xf32, #tpu.memory_space<vmem>>) target(%dma_start3A_238 : memref<100008x16xf32, #tpu.memory_space<vmem_shared>>) offsets(%dma_start3A_235 : memref<128xi32, #tpu.memory_space<vmem>>) semaphore(%arg13 : memref<!tpu.dma_semaphore, #tpu.memory_space<semaphore_mem>>) {add = true}
      %dma_wait3A_239 = arith.constant 4 : i32
      %dma_wait3A_240 = arith.constant 512 : i32
      %dma_wait3A_241 = arith.constant 0 : i32
      %dma_wait3A_242 = tpu.memref_slice %arg9[%dma_wait3A_240, %dma_wait3A_241] : memref<1024x16xf32, #tpu.memory_space<vmem>> -> memref<128x16xf32, #tpu.memory_space<vmem>>
      %dma_wait3A_243 = arith.constant 0 : i32
      %dma_wait3A_244 = tpu.memref_slice %arg7[%rem3A_47, %dma_wait3A_239, %dma_wait3A_243] : memref<2x8x128xi32, #tpu.memory_space<vmem>> -> memref<1x1x128xi32, #tpu.memory_space<vmem>>
      %dma_wait3A_245 = tpu.memref_squeeze %dma_wait3A_244 : memref<1x1x128xi32, #tpu.memory_space<vmem>> -> memref<128xi32, #tpu.memory_space<vmem>>
      %dma_wait3A_246 = arith.constant 0 : i32
      %dma_wait3A_247 = arith.constant 0 : i32
      %dma_wait3A_248 = tpu.memref_slice %arg2[%dma_wait3A_246, %dma_wait3A_247] : memref<100000x16xf32, #tpu.memory_space<hbm>> -> memref<100000x16xf32, #tpu.memory_space<hbm>>
      tpu.wait_indirect_dma semaphore(%arg12 : memref<!tpu.dma_semaphore, #tpu.memory_space<semaphore_mem>>) src(%dma_wait3A_248 : memref<100000x16xf32, #tpu.memory_space<hbm>>) dst(%dma_wait3A_242 : memref<128x16xf32, #tpu.memory_space<vmem>>)
      %dma_start3A_249 = arith.constant 4 : i32
      %dma_start3A_250 = arith.constant 512 : i32
      %dma_start3A_251 = arith.constant 0 : i32
      %dma_start3A_252 = tpu.memref_slice %arg9[%dma_start3A_250, %dma_start3A_251] : memref<1024x16xf32, #tpu.memory_space<vmem>> -> memref<128x16xf32, #tpu.memory_space<vmem>>
      %dma_start3A_253 = arith.constant 0 : i32
      %dma_start3A_254 = tpu.memref_slice %arg8[%rem3A_47, %dma_start3A_249, %dma_start3A_253] : memref<2x8x128xi32, #tpu.memory_space<vmem>> -> memref<1x1x128xi32, #tpu.memory_space<vmem>>
      %dma_start3A_255 = tpu.memref_squeeze %dma_start3A_254 : memref<1x1x128xi32, #tpu.memory_space<vmem>> -> memref<128xi32, #tpu.memory_space<vmem>>
      %dma_start3A_256 = arith.constant 0 : i32
      %dma_start3A_257 = arith.constant 0 : i32
      %dma_start3A_258 = tpu.memref_slice %arg10[%dma_start3A_256, %dma_start3A_257] : memref<100008x16xf32, #tpu.memory_space<vmem_shared>> -> memref<100008x16xf32, #tpu.memory_space<vmem_shared>>
      tpu.enqueue_indirect_dma source(%dma_start3A_252 : memref<128x16xf32, #tpu.memory_space<vmem>>) target(%dma_start3A_258 : memref<100008x16xf32, #tpu.memory_space<vmem_shared>>) offsets(%dma_start3A_255 : memref<128xi32, #tpu.memory_space<vmem>>) semaphore(%arg13 : memref<!tpu.dma_semaphore, #tpu.memory_space<semaphore_mem>>) {add = true}
      %dma_wait3A_259 = arith.constant 5 : i32
      %dma_wait3A_260 = arith.constant 640 : i32
      %dma_wait3A_261 = arith.constant 0 : i32
      %dma_wait3A_262 = tpu.memref_slice %arg9[%dma_wait3A_260, %dma_wait3A_261] : memref<1024x16xf32, #tpu.memory_space<vmem>> -> memref<128x16xf32, #tpu.memory_space<vmem>>
      %dma_wait3A_263 = arith.constant 0 : i32
      %dma_wait3A_264 = tpu.memref_slice %arg7[%rem3A_47, %dma_wait3A_259, %dma_wait3A_263] : memref<2x8x128xi32, #tpu.memory_space<vmem>> -> memref<1x1x128xi32, #tpu.memory_space<vmem>>
      %dma_wait3A_265 = tpu.memref_squeeze %dma_wait3A_264 : memref<1x1x128xi32, #tpu.memory_space<vmem>> -> memref<128xi32, #tpu.memory_space<vmem>>
      %dma_wait3A_266 = arith.constant 0 : i32
      %dma_wait3A_267 = arith.constant 0 : i32
      %dma_wait3A_268 = tpu.memref_slice %arg2[%dma_wait3A_266, %dma_wait3A_267] : memref<100000x16xf32, #tpu.memory_space<hbm>> -> memref<100000x16xf32, #tpu.memory_space<hbm>>
      tpu.wait_indirect_dma semaphore(%arg12 : memref<!tpu.dma_semaphore, #tpu.memory_space<semaphore_mem>>) src(%dma_wait3A_268 : memref<100000x16xf32, #tpu.memory_space<hbm>>) dst(%dma_wait3A_262 : memref<128x16xf32, #tpu.memory_space<vmem>>)
      %dma_start3A_269 = arith.constant 5 : i32
      %dma_start3A_270 = arith.constant 640 : i32
      %dma_start3A_271 = arith.constant 0 : i32
      %dma_start3A_272 = tpu.memref_slice %arg9[%dma_start3A_270, %dma_start3A_271] : memref<1024x16xf32, #tpu.memory_space<vmem>> -> memref<128x16xf32, #tpu.memory_space<vmem>>
      %dma_start3A_273 = arith.constant 0 : i32
      %dma_start3A_274 = tpu.memref_slice %arg8[%rem3A_47, %dma_start3A_269, %dma_start3A_273] : memref<2x8x128xi32, #tpu.memory_space<vmem>> -> memref<1x1x128xi32, #tpu.memory_space<vmem>>
      %dma_start3A_275 = tpu.memref_squeeze %dma_start3A_274 : memref<1x1x128xi32, #tpu.memory_space<vmem>> -> memref<128xi32, #tpu.memory_space<vmem>>
      %dma_start3A_276 = arith.constant 0 : i32
      %dma_start3A_277 = arith.constant 0 : i32
      %dma_start3A_278 = tpu.memref_slice %arg10[%dma_start3A_276, %dma_start3A_277] : memref<100008x16xf32, #tpu.memory_space<vmem_shared>> -> memref<100008x16xf32, #tpu.memory_space<vmem_shared>>
      tpu.enqueue_indirect_dma source(%dma_start3A_272 : memref<128x16xf32, #tpu.memory_space<vmem>>) target(%dma_start3A_278 : memref<100008x16xf32, #tpu.memory_space<vmem_shared>>) offsets(%dma_start3A_275 : memref<128xi32, #tpu.memory_space<vmem>>) semaphore(%arg13 : memref<!tpu.dma_semaphore, #tpu.memory_space<semaphore_mem>>) {add = true}
      %dma_wait3A_279 = arith.constant 6 : i32
      %dma_wait3A_280 = arith.constant 768 : i32
      %dma_wait3A_281 = arith.constant 0 : i32
      %dma_wait3A_282 = tpu.memref_slice %arg9[%dma_wait3A_280, %dma_wait3A_281] : memref<1024x16xf32, #tpu.memory_space<vmem>> -> memref<128x16xf32, #tpu.memory_space<vmem>>
      %dma_wait3A_283 = arith.constant 0 : i32
      %dma_wait3A_284 = tpu.memref_slice %arg7[%rem3A_47, %dma_wait3A_279, %dma_wait3A_283] : memref<2x8x128xi32, #tpu.memory_space<vmem>> -> memref<1x1x128xi32, #tpu.memory_space<vmem>>
      %dma_wait3A_285 = tpu.memref_squeeze %dma_wait3A_284 : memref<1x1x128xi32, #tpu.memory_space<vmem>> -> memref<128xi32, #tpu.memory_space<vmem>>
      %dma_wait3A_286 = arith.constant 0 : i32
      %dma_wait3A_287 = arith.constant 0 : i32
      %dma_wait3A_288 = tpu.memref_slice %arg2[%dma_wait3A_286, %dma_wait3A_287] : memref<100000x16xf32, #tpu.memory_space<hbm>> -> memref<100000x16xf32, #tpu.memory_space<hbm>>
      tpu.wait_indirect_dma semaphore(%arg12 : memref<!tpu.dma_semaphore, #tpu.memory_space<semaphore_mem>>) src(%dma_wait3A_288 : memref<100000x16xf32, #tpu.memory_space<hbm>>) dst(%dma_wait3A_282 : memref<128x16xf32, #tpu.memory_space<vmem>>)
      %dma_start3A_289 = arith.constant 6 : i32
      %dma_start3A_290 = arith.constant 768 : i32
      %dma_start3A_291 = arith.constant 0 : i32
      %dma_start3A_292 = tpu.memref_slice %arg9[%dma_start3A_290, %dma_start3A_291] : memref<1024x16xf32, #tpu.memory_space<vmem>> -> memref<128x16xf32, #tpu.memory_space<vmem>>
      %dma_start3A_293 = arith.constant 0 : i32
      %dma_start3A_294 = tpu.memref_slice %arg8[%rem3A_47, %dma_start3A_289, %dma_start3A_293] : memref<2x8x128xi32, #tpu.memory_space<vmem>> -> memref<1x1x128xi32, #tpu.memory_space<vmem>>
      %dma_start3A_295 = tpu.memref_squeeze %dma_start3A_294 : memref<1x1x128xi32, #tpu.memory_space<vmem>> -> memref<128xi32, #tpu.memory_space<vmem>>
      %dma_start3A_296 = arith.constant 0 : i32
      %dma_start3A_297 = arith.constant 0 : i32
      %dma_start3A_298 = tpu.memref_slice %arg10[%dma_start3A_296, %dma_start3A_297] : memref<100008x16xf32, #tpu.memory_space<vmem_shared>> -> memref<100008x16xf32, #tpu.memory_space<vmem_shared>>
      tpu.enqueue_indirect_dma source(%dma_start3A_292 : memref<128x16xf32, #tpu.memory_space<vmem>>) target(%dma_start3A_298 : memref<100008x16xf32, #tpu.memory_space<vmem_shared>>) offsets(%dma_start3A_295 : memref<128xi32, #tpu.memory_space<vmem>>) semaphore(%arg13 : memref<!tpu.dma_semaphore, #tpu.memory_space<semaphore_mem>>) {add = true}
      %dma_wait3A_299 = arith.constant 7 : i32
      %dma_wait3A_300 = arith.constant 896 : i32
      %dma_wait3A_301 = arith.constant 0 : i32
      %dma_wait3A_302 = tpu.memref_slice %arg9[%dma_wait3A_300, %dma_wait3A_301] : memref<1024x16xf32, #tpu.memory_space<vmem>> -> memref<128x16xf32, #tpu.memory_space<vmem>>
      %dma_wait3A_303 = arith.constant 0 : i32
      %dma_wait3A_304 = tpu.memref_slice %arg7[%rem3A_47, %dma_wait3A_299, %dma_wait3A_303] : memref<2x8x128xi32, #tpu.memory_space<vmem>> -> memref<1x1x128xi32, #tpu.memory_space<vmem>>
      %dma_wait3A_305 = tpu.memref_squeeze %dma_wait3A_304 : memref<1x1x128xi32, #tpu.memory_space<vmem>> -> memref<128xi32, #tpu.memory_space<vmem>>
      %dma_wait3A_306 = arith.constant 0 : i32
      %dma_wait3A_307 = arith.constant 0 : i32
      %dma_wait3A_308 = tpu.memref_slice %arg2[%dma_wait3A_306, %dma_wait3A_307] : memref<100000x16xf32, #tpu.memory_space<hbm>> -> memref<100000x16xf32, #tpu.memory_space<hbm>>
      tpu.wait_indirect_dma semaphore(%arg12 : memref<!tpu.dma_semaphore, #tpu.memory_space<semaphore_mem>>) src(%dma_wait3A_308 : memref<100000x16xf32, #tpu.memory_space<hbm>>) dst(%dma_wait3A_302 : memref<128x16xf32, #tpu.memory_space<vmem>>)
      %dma_start3A_309 = arith.constant 7 : i32
      %dma_start3A_310 = arith.constant 896 : i32
      %dma_start3A_311 = arith.constant 0 : i32
      %dma_start3A_312 = tpu.memref_slice %arg9[%dma_start3A_310, %dma_start3A_311] : memref<1024x16xf32, #tpu.memory_space<vmem>> -> memref<128x16xf32, #tpu.memory_space<vmem>>
      %dma_start3A_313 = arith.constant 0 : i32
      %dma_start3A_314 = tpu.memref_slice %arg8[%rem3A_47, %dma_start3A_309, %dma_start3A_313] : memref<2x8x128xi32, #tpu.memory_space<vmem>> -> memref<1x1x128xi32, #tpu.memory_space<vmem>>
      %dma_start3A_315 = tpu.memref_squeeze %dma_start3A_314 : memref<1x1x128xi32, #tpu.memory_space<vmem>> -> memref<128xi32, #tpu.memory_space<vmem>>
      %dma_start3A_316 = arith.constant 0 : i32
      %dma_start3A_317 = arith.constant 0 : i32
      %dma_start3A_318 = tpu.memref_slice %arg10[%dma_start3A_316, %dma_start3A_317] : memref<100008x16xf32, #tpu.memory_space<vmem_shared>> -> memref<100008x16xf32, #tpu.memory_space<vmem_shared>>
      tpu.enqueue_indirect_dma source(%dma_start3A_312 : memref<128x16xf32, #tpu.memory_space<vmem>>) target(%dma_start3A_318 : memref<100008x16xf32, #tpu.memory_space<vmem_shared>>) offsets(%dma_start3A_315 : memref<128xi32, #tpu.memory_space<vmem>>) semaphore(%arg13 : memref<!tpu.dma_semaphore, #tpu.memory_space<semaphore_mem>>) {add = true}
      %dma_wait3A_319 = arith.constant 0 : i32
      %dma_wait3A_320 = arith.constant 0 : i32
      %dma_wait3A_321 = arith.constant 0 : i32
      %dma_wait3A_322 = tpu.memref_slice %arg9[%dma_wait3A_320, %dma_wait3A_321] : memref<1024x16xf32, #tpu.memory_space<vmem>> -> memref<128x16xf32, #tpu.memory_space<vmem>>
      %dma_wait3A_323 = arith.constant 0 : i32
      %dma_wait3A_324 = tpu.memref_slice %arg8[%rem3A_47, %dma_wait3A_319, %dma_wait3A_323] : memref<2x8x128xi32, #tpu.memory_space<vmem>> -> memref<1x1x128xi32, #tpu.memory_space<vmem>>
      %dma_wait3A_325 = tpu.memref_squeeze %dma_wait3A_324 : memref<1x1x128xi32, #tpu.memory_space<vmem>> -> memref<128xi32, #tpu.memory_space<vmem>>
      %dma_wait3A_326 = arith.constant 0 : i32
      %dma_wait3A_327 = arith.constant 0 : i32
      %dma_wait3A_328 = tpu.memref_slice %arg10[%dma_wait3A_326, %dma_wait3A_327] : memref<100008x16xf32, #tpu.memory_space<vmem_shared>> -> memref<100008x16xf32, #tpu.memory_space<vmem_shared>>
      tpu.wait_indirect_dma semaphore(%arg13 : memref<!tpu.dma_semaphore, #tpu.memory_space<semaphore_mem>>) src(%dma_wait3A_322 : memref<128x16xf32, #tpu.memory_space<vmem>>) dst(%dma_wait3A_328 : memref<100008x16xf32, #tpu.memory_space<vmem_shared>>)
      %dma_wait3A_329 = arith.constant 1 : i32
      %dma_wait3A_330 = arith.constant 128 : i32
      %dma_wait3A_331 = arith.constant 0 : i32
      %dma_wait3A_332 = tpu.memref_slice %arg9[%dma_wait3A_330, %dma_wait3A_331] : memref<1024x16xf32, #tpu.memory_space<vmem>> -> memref<128x16xf32, #tpu.memory_space<vmem>>
      %dma_wait3A_333 = arith.constant 0 : i32
      %dma_wait3A_334 = tpu.memref_slice %arg8[%rem3A_47, %dma_wait3A_329, %dma_wait3A_333] : memref<2x8x128xi32, #tpu.memory_space<vmem>> -> memref<1x1x128xi32, #tpu.memory_space<vmem>>
      %dma_wait3A_335 = tpu.memref_squeeze %dma_wait3A_334 : memref<1x1x128xi32, #tpu.memory_space<vmem>> -> memref<128xi32, #tpu.memory_space<vmem>>
      %dma_wait3A_336 = arith.constant 0 : i32
      %dma_wait3A_337 = arith.constant 0 : i32
      %dma_wait3A_338 = tpu.memref_slice %arg10[%dma_wait3A_336, %dma_wait3A_337] : memref<100008x16xf32, #tpu.memory_space<vmem_shared>> -> memref<100008x16xf32, #tpu.memory_space<vmem_shared>>
      tpu.wait_indirect_dma semaphore(%arg13 : memref<!tpu.dma_semaphore, #tpu.memory_space<semaphore_mem>>) src(%dma_wait3A_332 : memref<128x16xf32, #tpu.memory_space<vmem>>) dst(%dma_wait3A_338 : memref<100008x16xf32, #tpu.memory_space<vmem_shared>>)
      %dma_wait3A_339 = arith.constant 2 : i32
      %dma_wait3A_340 = arith.constant 256 : i32
      %dma_wait3A_341 = arith.constant 0 : i32
      %dma_wait3A_342 = tpu.memref_slice %arg9[%dma_wait3A_340, %dma_wait3A_341] : memref<1024x16xf32, #tpu.memory_space<vmem>> -> memref<128x16xf32, #tpu.memory_space<vmem>>
      %dma_wait3A_343 = arith.constant 0 : i32
      %dma_wait3A_344 = tpu.memref_slice %arg8[%rem3A_47, %dma_wait3A_339, %dma_wait3A_343] : memref<2x8x128xi32, #tpu.memory_space<vmem>> -> memref<1x1x128xi32, #tpu.memory_space<vmem>>
      %dma_wait3A_345 = tpu.memref_squeeze %dma_wait3A_344 : memref<1x1x128xi32, #tpu.memory_space<vmem>> -> memref<128xi32, #tpu.memory_space<vmem>>
      %dma_wait3A_346 = arith.constant 0 : i32
      %dma_wait3A_347 = arith.constant 0 : i32
      %dma_wait3A_348 = tpu.memref_slice %arg10[%dma_wait3A_346, %dma_wait3A_347] : memref<100008x16xf32, #tpu.memory_space<vmem_shared>> -> memref<100008x16xf32, #tpu.memory_space<vmem_shared>>
      tpu.wait_indirect_dma semaphore(%arg13 : memref<!tpu.dma_semaphore, #tpu.memory_space<semaphore_mem>>) src(%dma_wait3A_342 : memref<128x16xf32, #tpu.memory_space<vmem>>) dst(%dma_wait3A_348 : memref<100008x16xf32, #tpu.memory_space<vmem_shared>>)
      %dma_wait3A_349 = arith.constant 3 : i32
      %dma_wait3A_350 = arith.constant 384 : i32
      %dma_wait3A_351 = arith.constant 0 : i32
      %dma_wait3A_352 = tpu.memref_slice %arg9[%dma_wait3A_350, %dma_wait3A_351] : memref<1024x16xf32, #tpu.memory_space<vmem>> -> memref<128x16xf32, #tpu.memory_space<vmem>>
      %dma_wait3A_353 = arith.constant 0 : i32
      %dma_wait3A_354 = tpu.memref_slice %arg8[%rem3A_47, %dma_wait3A_349, %dma_wait3A_353] : memref<2x8x128xi32, #tpu.memory_space<vmem>> -> memref<1x1x128xi32, #tpu.memory_space<vmem>>
      %dma_wait3A_355 = tpu.memref_squeeze %dma_wait3A_354 : memref<1x1x128xi32, #tpu.memory_space<vmem>> -> memref<128xi32, #tpu.memory_space<vmem>>
      %dma_wait3A_356 = arith.constant 0 : i32
      %dma_wait3A_357 = arith.constant 0 : i32
      %dma_wait3A_358 = tpu.memref_slice %arg10[%dma_wait3A_356, %dma_wait3A_357] : memref<100008x16xf32, #tpu.memory_space<vmem_shared>> -> memref<100008x16xf32, #tpu.memory_space<vmem_shared>>
      tpu.wait_indirect_dma semaphore(%arg13 : memref<!tpu.dma_semaphore, #tpu.memory_space<semaphore_mem>>) src(%dma_wait3A_352 : memref<128x16xf32, #tpu.memory_space<vmem>>) dst(%dma_wait3A_358 : memref<100008x16xf32, #tpu.memory_space<vmem_shared>>)
      %dma_wait3A_359 = arith.constant 4 : i32
      %dma_wait3A_360 = arith.constant 512 : i32
      %dma_wait3A_361 = arith.constant 0 : i32
      %dma_wait3A_362 = tpu.memref_slice %arg9[%dma_wait3A_360, %dma_wait3A_361] : memref<1024x16xf32, #tpu.memory_space<vmem>> -> memref<128x16xf32, #tpu.memory_space<vmem>>
      %dma_wait3A_363 = arith.constant 0 : i32
      %dma_wait3A_364 = tpu.memref_slice %arg8[%rem3A_47, %dma_wait3A_359, %dma_wait3A_363] : memref<2x8x128xi32, #tpu.memory_space<vmem>> -> memref<1x1x128xi32, #tpu.memory_space<vmem>>
      %dma_wait3A_365 = tpu.memref_squeeze %dma_wait3A_364 : memref<1x1x128xi32, #tpu.memory_space<vmem>> -> memref<128xi32, #tpu.memory_space<vmem>>
      %dma_wait3A_366 = arith.constant 0 : i32
      %dma_wait3A_367 = arith.constant 0 : i32
      %dma_wait3A_368 = tpu.memref_slice %arg10[%dma_wait3A_366, %dma_wait3A_367] : memref<100008x16xf32, #tpu.memory_space<vmem_shared>> -> memref<100008x16xf32, #tpu.memory_space<vmem_shared>>
      tpu.wait_indirect_dma semaphore(%arg13 : memref<!tpu.dma_semaphore, #tpu.memory_space<semaphore_mem>>) src(%dma_wait3A_362 : memref<128x16xf32, #tpu.memory_space<vmem>>) dst(%dma_wait3A_368 : memref<100008x16xf32, #tpu.memory_space<vmem_shared>>)
      %dma_wait3A_369 = arith.constant 5 : i32
      %dma_wait3A_370 = arith.constant 640 : i32
      %dma_wait3A_371 = arith.constant 0 : i32
      %dma_wait3A_372 = tpu.memref_slice %arg9[%dma_wait3A_370, %dma_wait3A_371] : memref<1024x16xf32, #tpu.memory_space<vmem>> -> memref<128x16xf32, #tpu.memory_space<vmem>>
      %dma_wait3A_373 = arith.constant 0 : i32
      %dma_wait3A_374 = tpu.memref_slice %arg8[%rem3A_47, %dma_wait3A_369, %dma_wait3A_373] : memref<2x8x128xi32, #tpu.memory_space<vmem>> -> memref<1x1x128xi32, #tpu.memory_space<vmem>>
      %dma_wait3A_375 = tpu.memref_squeeze %dma_wait3A_374 : memref<1x1x128xi32, #tpu.memory_space<vmem>> -> memref<128xi32, #tpu.memory_space<vmem>>
      %dma_wait3A_376 = arith.constant 0 : i32
      %dma_wait3A_377 = arith.constant 0 : i32
      %dma_wait3A_378 = tpu.memref_slice %arg10[%dma_wait3A_376, %dma_wait3A_377] : memref<100008x16xf32, #tpu.memory_space<vmem_shared>> -> memref<100008x16xf32, #tpu.memory_space<vmem_shared>>
      tpu.wait_indirect_dma semaphore(%arg13 : memref<!tpu.dma_semaphore, #tpu.memory_space<semaphore_mem>>) src(%dma_wait3A_372 : memref<128x16xf32, #tpu.memory_space<vmem>>) dst(%dma_wait3A_378 : memref<100008x16xf32, #tpu.memory_space<vmem_shared>>)
      %dma_wait3A_379 = arith.constant 6 : i32
      %dma_wait3A_380 = arith.constant 768 : i32
      %dma_wait3A_381 = arith.constant 0 : i32
      %dma_wait3A_382 = tpu.memref_slice %arg9[%dma_wait3A_380, %dma_wait3A_381] : memref<1024x16xf32, #tpu.memory_space<vmem>> -> memref<128x16xf32, #tpu.memory_space<vmem>>
      %dma_wait3A_383 = arith.constant 0 : i32
      %dma_wait3A_384 = tpu.memref_slice %arg8[%rem3A_47, %dma_wait3A_379, %dma_wait3A_383] : memref<2x8x128xi32, #tpu.memory_space<vmem>> -> memref<1x1x128xi32, #tpu.memory_space<vmem>>
      %dma_wait3A_385 = tpu.memref_squeeze %dma_wait3A_384 : memref<1x1x128xi32, #tpu.memory_space<vmem>> -> memref<128xi32, #tpu.memory_space<vmem>>
      %dma_wait3A_386 = arith.constant 0 : i32
      %dma_wait3A_387 = arith.constant 0 : i32
      %dma_wait3A_388 = tpu.memref_slice %arg10[%dma_wait3A_386, %dma_wait3A_387] : memref<100008x16xf32, #tpu.memory_space<vmem_shared>> -> memref<100008x16xf32, #tpu.memory_space<vmem_shared>>
      tpu.wait_indirect_dma semaphore(%arg13 : memref<!tpu.dma_semaphore, #tpu.memory_space<semaphore_mem>>) src(%dma_wait3A_382 : memref<128x16xf32, #tpu.memory_space<vmem>>) dst(%dma_wait3A_388 : memref<100008x16xf32, #tpu.memory_space<vmem_shared>>)
      %dma_wait3A_389 = arith.constant 7 : i32
      %dma_wait3A_390 = arith.constant 896 : i32
      %dma_wait3A_391 = arith.constant 0 : i32
      %dma_wait3A_392 = tpu.memref_slice %arg9[%dma_wait3A_390, %dma_wait3A_391] : memref<1024x16xf32, #tpu.memory_space<vmem>> -> memref<128x16xf32, #tpu.memory_space<vmem>>
      %dma_wait3A_393 = arith.constant 0 : i32
      %dma_wait3A_394 = tpu.memref_slice %arg8[%rem3A_47, %dma_wait3A_389, %dma_wait3A_393] : memref<2x8x128xi32, #tpu.memory_space<vmem>> -> memref<1x1x128xi32, #tpu.memory_space<vmem>>
      %dma_wait3A_395 = tpu.memref_squeeze %dma_wait3A_394 : memref<1x1x128xi32, #tpu.memory_space<vmem>> -> memref<128xi32, #tpu.memory_space<vmem>>
      %dma_wait3A_396 = arith.constant 0 : i32
      %dma_wait3A_397 = arith.constant 0 : i32
      %dma_wait3A_398 = tpu.memref_slice %arg10[%dma_wait3A_396, %dma_wait3A_397] : memref<100008x16xf32, #tpu.memory_space<vmem_shared>> -> memref<100008x16xf32, #tpu.memory_space<vmem_shared>>
      tpu.wait_indirect_dma semaphore(%arg13 : memref<!tpu.dma_semaphore, #tpu.memory_space<semaphore_mem>>) src(%dma_wait3A_392 : memref<128x16xf32, #tpu.memory_space<vmem>>) dst(%dma_wait3A_398 : memref<100008x16xf32, #tpu.memory_space<vmem_shared>>)
    }
    %scan3A_37 = arith.constant 98 : i32
    %barrier3A_38 = arith.constant 0 : index
    tpu.barrier barrier_id(%barrier3A_38)
    %mul3A_39 = arith.constant 16 : i32
    %mul3A_40 = arith.muli %arg0, %mul3A_39 : i32
    %add3A_41 = arith.addi %mul3A_40, %arg1 : i32
    "tpu.region"() ({
      %run_scoped3A = tpu.sem_alloc : memref<!tpu.dma_semaphore, #tpu.memory_space<semaphore_mem>>
      %dma_start3A_42 = arith.constant 0 : i32
      %dma_start3A_43 = arith.constant 0 : i32
      %dma_start3A_44 = tpu.memref_slice %arg6[%add3A_41, %dma_start3A_42, %dma_start3A_43] : memref<32x6250x16xf32, #tpu.memory_space<hbm>> -> memref<1x6250x16xf32, #tpu.memory_space<hbm>>
      %dma_start3A_45 = tpu.memref_squeeze %dma_start3A_44 : memref<1x6250x16xf32, #tpu.memory_space<hbm>> -> memref<6250x16xf32, #tpu.memory_space<hbm>>
      %dma_start3A_46 = arith.constant 0 : i32
      %dma_start3A_47 = tpu.memref_slice %arg10[%mul3A_2, %dma_start3A_46] : memref<100008x16xf32, #tpu.memory_space<vmem_shared>> -> memref<6250x16xf32, #tpu.memory_space<vmem_shared>>
      tpu.enqueue_dma source(%dma_start3A_47 : memref<6250x16xf32, #tpu.memory_space<vmem_shared>>) target(%dma_start3A_45 : memref<6250x16xf32, #tpu.memory_space<hbm>>) target_semaphore(%run_scoped3A : memref<!tpu.dma_semaphore, #tpu.memory_space<semaphore_mem>>)
      %dma_wait3A = arith.constant 0 : i32
      %dma_wait3A_48 = arith.constant 0 : i32
      %dma_wait3A_49 = tpu.memref_slice %arg6[%add3A_41, %dma_wait3A, %dma_wait3A_48] : memref<32x6250x16xf32, #tpu.memory_space<hbm>> -> memref<1x6250x16xf32, #tpu.memory_space<hbm>>
      %dma_wait3A_50 = tpu.memref_squeeze %dma_wait3A_49 : memref<1x6250x16xf32, #tpu.memory_space<hbm>> -> memref<6250x16xf32, #tpu.memory_space<hbm>>
      %dma_wait3A_51 = arith.constant 0 : i32
      %dma_wait3A_52 = tpu.memref_slice %arg10[%mul3A_2, %dma_wait3A_51] : memref<100008x16xf32, #tpu.memory_space<vmem_shared>> -> memref<6250x16xf32, #tpu.memory_space<vmem_shared>>
      tpu.wait_dma2 semaphore(%run_scoped3A : memref<!tpu.dma_semaphore, #tpu.memory_space<semaphore_mem>>) src(%dma_wait3A_52 : memref<6250x16xf32, #tpu.memory_space<vmem_shared>>) dst(%dma_wait3A_50 : memref<6250x16xf32, #tpu.memory_space<hbm>>)
      tpu.yield
    }) : () -> ()
    return
  }
}

module attributes {stable_mosaic.version = 14 : i64} {
  func.func @_tc1_body(%arg0: memref<12500x160xf32, #tpu.memory_space<vmem>>, %arg1: memref<2x12500x128xf32, #tpu.memory_space<vmem>>, %arg2: memref<160x128xf32, #tpu.memory_space<vmem>>, %arg3: memref<12500x128xf32, #tpu.memory_space<vmem>>, %arg4: memref<12500x128xf32, #tpu.memory_space<vmem>>) attributes {dimension_semantics = [], scalar_prefetch = 0 : i64, scratch_operands = 0 : i64, tpu.core_type = #tpu.core_type<tc>} {
    %get3A = arith.constant 0 : index
    %get3A_0 = arith.constant 0 : index
    %get3A_1 = arith.constant 0 : index
    %get3A_2 = vector.load %arg1[%get3A, %get3A_0, %get3A_1] : memref<2x12500x128xf32, #tpu.memory_space<vmem>>, vector<1x12500x128xf32>
    %get3A_3 = vector.shape_cast %get3A_2 : vector<1x12500x128xf32> to vector<12500x128xf32>
    %get3A_4 = arith.constant 1 : index
    %get3A_5 = arith.constant 0 : index
    %get3A_6 = arith.constant 0 : index
    %get3A_7 = vector.load %arg1[%get3A_4, %get3A_5, %get3A_6] : memref<2x12500x128xf32, #tpu.memory_space<vmem>>, vector<1x12500x128xf32>
    %get3A_8 = vector.shape_cast %get3A_7 : vector<1x12500x128xf32> to vector<12500x128xf32>
    %add3A = arith.addf %get3A_3, %get3A_8 : vector<12500x128xf32>
    %add3A_9 = arith.constant 1.000000e+00 : f32
    %add3A_10 = vector.broadcast %add3A_9 : f32 to vector<12500x128xf32>
    %add3A_11 = arith.addf %add3A, %add3A_10 : vector<12500x128xf32>
    %rsqrt3A = math.rsqrt %add3A_11 : vector<12500x128xf32>
    %get3A_12 = arith.constant 0 : index
    %get3A_13 = arith.constant 0 : index
    %get3A_14 = vector.load %arg0[%get3A_12, %get3A_13] : memref<12500x160xf32, #tpu.memory_space<vmem>>, vector<12500x160xf32>
    %get3A_15 = arith.constant 0 : index
    %get3A_16 = arith.constant 0 : index
    %get3A_17 = vector.load %arg2[%get3A_15, %get3A_16] : memref<160x128xf32, #tpu.memory_space<vmem>>, vector<160x128xf32>
    %dot_general3A = arith.constant dense<0.000000e+00> : vector<12500x128xf32>
    %dot_general3A_18 = tpu.matmul %get3A_14, %get3A_17, %dot_general3A {dimension_numbers = #tpu.dot_dimension_numbers<[1], [0], [0], [1], [0, 0, 1, 1], [], []>, transpose_lhs_hint = false} : vector<12500x160xf32>, vector<160x128xf32>, vector<12500x128xf32> -> vector<12500x128xf32>
    %mul3A = arith.mulf %rsqrt3A, %dot_general3A_18 : vector<12500x128xf32>
    %swap3A = arith.constant 0 : index
    %swap3A_19 = arith.constant 0 : index
    %swap3A_20 = vector.load %arg3[%swap3A, %swap3A_19] : memref<12500x128xf32, #tpu.memory_space<vmem>>, vector<12500x128xf32>
    tpu.vector_store %arg3[%swap3A, %swap3A_19], %mul3A {strides = array<i32>} : memref<12500x128xf32, #tpu.memory_space<vmem>>, vector<12500x128xf32>,
    %swap3A_21 = arith.constant 0 : index
    %swap3A_22 = arith.constant 0 : index
    %swap3A_23 = vector.load %arg4[%swap3A_21, %swap3A_22] : memref<12500x128xf32, #tpu.memory_space<vmem>>, vector<12500x128xf32>
    tpu.vector_store %arg4[%swap3A_21, %swap3A_22], %rsqrt3A {strides = array<i32>} : memref<12500x128xf32, #tpu.memory_space<vmem>>, vector<12500x128xf32>,
    return
  }
}

module attributes {stable_mosaic.version = 14 : i64} {
  func.func @_tc2_body(%arg0: memref<2x12500x128xf32, #tpu.memory_space<vmem>>, %arg1: memref<12500x128xf32, #tpu.memory_space<vmem>>, %arg2: memref<12500x128xf32, #tpu.memory_space<vmem>>, %arg3: memref<1x128xf32, #tpu.memory_space<vmem>>, %arg4: memref<128x128xf32, #tpu.memory_space<vmem>>, %arg5: memref<12500x128xf32, #tpu.memory_space<vmem>>) attributes {dimension_semantics = [], scalar_prefetch = 0 : i64, scratch_operands = 0 : i64, tpu.core_type = #tpu.core_type<tc>} {
    %get3A = arith.constant 0 : index
    %get3A_0 = arith.constant 0 : index
    %get3A_1 = vector.load %arg2[%get3A, %get3A_0] : memref<12500x128xf32, #tpu.memory_space<vmem>>, vector<12500x128xf32>
    %get3A_2 = arith.constant 0 : index
    %get3A_3 = arith.constant 0 : index
    %get3A_4 = arith.constant 0 : index
    %get3A_5 = vector.load %arg0[%get3A_2, %get3A_3, %get3A_4] : memref<2x12500x128xf32, #tpu.memory_space<vmem>>, vector<1x12500x128xf32>
    %get3A_6 = vector.shape_cast %get3A_5 : vector<1x12500x128xf32> to vector<12500x128xf32>
    %get3A_7 = arith.constant 1 : index
    %get3A_8 = arith.constant 0 : index
    %get3A_9 = arith.constant 0 : index
    %get3A_10 = vector.load %arg0[%get3A_7, %get3A_8, %get3A_9] : memref<2x12500x128xf32, #tpu.memory_space<vmem>>, vector<1x12500x128xf32>
    %get3A_11 = vector.shape_cast %get3A_10 : vector<1x12500x128xf32> to vector<12500x128xf32>
    %add3A = arith.addf %get3A_6, %get3A_11 : vector<12500x128xf32>
    %get3A_12 = arith.constant 0 : index
    %get3A_13 = arith.constant 0 : index
    %get3A_14 = vector.load %arg1[%get3A_12, %get3A_13] : memref<12500x128xf32, #tpu.memory_space<vmem>>, vector<12500x128xf32>
    %add3A_15 = arith.addf %add3A, %get3A_14 : vector<12500x128xf32>
    %mul3A = arith.mulf %get3A_1, %add3A_15 : vector<12500x128xf32>
    %get3A_16 = arith.constant 0 : index
    %get3A_17 = arith.constant 0 : index
    %get3A_18 = vector.load %arg3[%get3A_16, %get3A_17] : memref<1x128xf32, #tpu.memory_space<vmem>>, vector<1x128xf32>
    %add3A_19 = vector.broadcast %get3A_18 : vector<1x128xf32> to vector<12500x128xf32>
    %add3A_20 = arith.addf %mul3A, %add3A_19 : vector<12500x128xf32>
    %max3A = arith.constant 0.000000e+00 : f32
    %max3A_21 = vector.broadcast %max3A : f32 to vector<12500x128xf32>
    %max3A_22 = arith.maximumf %add3A_20, %max3A_21 : vector<12500x128xf32>
    %get3A_23 = arith.constant 0 : index
    %get3A_24 = arith.constant 0 : index
    %get3A_25 = vector.load %arg4[%get3A_23, %get3A_24] : memref<128x128xf32, #tpu.memory_space<vmem>>, vector<128x128xf32>
    %dot_general3A = arith.constant dense<0.000000e+00> : vector<12500x128xf32>
    %dot_general3A_26 = tpu.matmul %max3A_22, %get3A_25, %dot_general3A {dimension_numbers = #tpu.dot_dimension_numbers<[1], [0], [0], [1], [0, 0, 1, 1], [], []>, transpose_lhs_hint = false} : vector<12500x128xf32>, vector<128x128xf32>, vector<12500x128xf32> -> vector<12500x128xf32>
    %mul3A_27 = arith.mulf %get3A_1, %dot_general3A_26 : vector<12500x128xf32>
    %swap3A = arith.constant 0 : index
    %swap3A_28 = arith.constant 0 : index
    %swap3A_29 = vector.load %arg5[%swap3A, %swap3A_28] : memref<12500x128xf32, #tpu.memory_space<vmem>>, vector<12500x128xf32>
    tpu.vector_store %arg5[%swap3A, %swap3A_28], %mul3A_27 {strides = array<i32>} : memref<12500x128xf32, #tpu.memory_space<vmem>>, vector<12500x128xf32>,
    return
  }
}

module attributes {stable_mosaic.version = 14 : i64} {
  func.func @_tc3_body(%arg0: memref<2x12500x128xf32, #tpu.memory_space<vmem>>, %arg1: memref<12500x128xf32, #tpu.memory_space<vmem>>, %arg2: memref<12500x128xf32, #tpu.memory_space<vmem>>, %arg3: memref<1x2xf32, #tpu.memory_space<vmem>>, %arg4: memref<128x8xf32, #tpu.memory_space<vmem>>, %arg5: memref<128x8xf32, #tpu.memory_space<vmem>>, %arg6: memref<12500x8xf32, #tpu.memory_space<vmem>>, %arg7: memref<12500x8xf32, #tpu.memory_space<vmem>>) attributes {dimension_semantics = [], scalar_prefetch = 0 : i64, scratch_operands = 0 : i64, tpu.core_type = #tpu.core_type<tc>} {
    %get3A = arith.constant 0 : index
    %get3A_0 = arith.constant 0 : index
    %get3A_1 = vector.load %arg2[%get3A, %get3A_0] : memref<12500x128xf32, #tpu.memory_space<vmem>>, vector<12500x128xf32>
    %get3A_2 = arith.constant 0 : index
    %get3A_3 = arith.constant 0 : index
    %get3A_4 = arith.constant 0 : index
    %get3A_5 = vector.load %arg0[%get3A_2, %get3A_3, %get3A_4] : memref<2x12500x128xf32, #tpu.memory_space<vmem>>, vector<1x12500x128xf32>
    %get3A_6 = vector.shape_cast %get3A_5 : vector<1x12500x128xf32> to vector<12500x128xf32>
    %get3A_7 = arith.constant 1 : index
    %get3A_8 = arith.constant 0 : index
    %get3A_9 = arith.constant 0 : index
    %get3A_10 = vector.load %arg0[%get3A_7, %get3A_8, %get3A_9] : memref<2x12500x128xf32, #tpu.memory_space<vmem>>, vector<1x12500x128xf32>
    %get3A_11 = vector.shape_cast %get3A_10 : vector<1x12500x128xf32> to vector<12500x128xf32>
    %add3A = arith.addf %get3A_6, %get3A_11 : vector<12500x128xf32>
    %get3A_12 = arith.constant 0 : index
    %get3A_13 = arith.constant 0 : index
    %get3A_14 = vector.load %arg1[%get3A_12, %get3A_13] : memref<12500x128xf32, #tpu.memory_space<vmem>>, vector<12500x128xf32>
    %add3A_15 = arith.addf %add3A, %get3A_14 : vector<12500x128xf32>
    %mul3A = arith.mulf %get3A_1, %add3A_15 : vector<12500x128xf32>
    %get3A_16 = arith.constant 0 : index
    %get3A_17 = arith.constant 0 : index
    %get3A_18 = vector.load %arg4[%get3A_16, %get3A_17] : memref<128x8xf32, #tpu.memory_space<vmem>>, vector<128x8xf32>
    %dot_general3A = arith.constant dense<0.000000e+00> : vector<12500x8xf32>
    %dot_general3A_19 = tpu.matmul %mul3A, %get3A_18, %dot_general3A {dimension_numbers = #tpu.dot_dimension_numbers<[1], [0], [0], [1], [0, 0, 1, 1], [], []>, transpose_lhs_hint = false} : vector<12500x128xf32>, vector<128x8xf32>, vector<12500x8xf32> -> vector<12500x8xf32>
    %get3A_20 = arith.constant 0 : index
    %get3A_21 = arith.constant 0 : index
    %get3A_22 = vector.load %arg5[%get3A_20, %get3A_21] : memref<128x8xf32, #tpu.memory_space<vmem>>, vector<128x8xf32>
    %dot_general3A_23 = arith.constant dense<0.000000e+00> : vector<12500x8xf32>
    %dot_general3A_24 = tpu.matmul %mul3A, %get3A_22, %dot_general3A_23 {dimension_numbers = #tpu.dot_dimension_numbers<[1], [0], [0], [1], [0, 0, 1, 1], [], []>, transpose_lhs_hint = false} : vector<12500x128xf32>, vector<128x8xf32>, vector<12500x8xf32> -> vector<12500x8xf32>
    %get3A_25 = arith.constant 0 : index
    %get3A_26 = arith.constant 0 : index
    %get3A_27 = vector.load %arg3[%get3A_25, %get3A_26] : memref<1x2xf32, #tpu.memory_space<vmem>>, vector<1x1xf32>
    %get3A_28 = vector.extract %get3A_27[0, 0] : f32 from vector<1x1xf32>
    %add3A_29 = vector.broadcast %get3A_28 : f32 to vector<12500x8xf32>
    %add3A_30 = arith.addf %dot_general3A_19, %add3A_29 : vector<12500x8xf32>
    %get3A_31 = arith.constant 0 : index
    %get3A_32 = arith.constant 1 : index
    %get3A_33 = vector.load %arg3[%get3A_31, %get3A_32] : memref<1x2xf32, #tpu.memory_space<vmem>>, vector<1x1xf32>
    %get3A_34 = vector.extract %get3A_33[0, 0] : f32 from vector<1x1xf32>
    %add3A_35 = vector.broadcast %get3A_34 : f32 to vector<12500x8xf32>
    %add3A_36 = arith.addf %dot_general3A_24, %add3A_35 : vector<12500x8xf32>
    %max3A = arith.maximumf %add3A_30, %add3A_36 : vector<12500x8xf32>
    %sub3A = arith.subf %add3A_30, %max3A : vector<12500x8xf32>
    %exp3A = math.exp %sub3A : vector<12500x8xf32>
    %sub3A_37 = arith.subf %add3A_36, %max3A : vector<12500x8xf32>
    %exp3A_38 = math.exp %sub3A_37 : vector<12500x8xf32>
    %add3A_39 = arith.addf %exp3A, %exp3A_38 : vector<12500x8xf32>
    %log3A = math.log %add3A_39 : vector<12500x8xf32>
    %add3A_40 = arith.addf %max3A, %log3A : vector<12500x8xf32>
    %sub3A_41 = arith.subf %add3A_30, %add3A_40 : vector<12500x8xf32>
    %swap3A = arith.constant 0 : index
    %swap3A_42 = arith.constant 0 : index
    %swap3A_43 = vector.load %arg6[%swap3A, %swap3A_42] : memref<12500x8xf32, #tpu.memory_space<vmem>>, vector<12500x8xf32>
    tpu.vector_store %arg6[%swap3A, %swap3A_42], %sub3A_41 {strides = array<i32>} : memref<12500x8xf32, #tpu.memory_space<vmem>>, vector<12500x8xf32>,
    %sub3A_44 = arith.subf %add3A_36, %add3A_40 : vector<12500x8xf32>
    %swap3A_45 = arith.constant 0 : index
    %swap3A_46 = arith.constant 0 : index
    %swap3A_47 = vector.load %arg7[%swap3A_45, %swap3A_46] : memref<12500x8xf32, #tpu.memory_space<vmem>>, vector<12500x8xf32>
    tpu.vector_store %arg7[%swap3A_45, %swap3A_46], %sub3A_44 {strides = array<i32>} : memref<12500x8xf32, #tpu.memory_space<vmem>>, vector<12500x8xf32>,
    return
  }
}

</mosaic_0001>

<sc_bundles>
// kernel: kernel.11.cloned.1.call-start
scs
__scs_entry_jumppad:
0x0: {  	(pc) =	sbr.rel $0x88, $3  }
0x1: {  	(tag) =	ssettag $0x0;
	lr =	simm.s32 $0x1  }
0x2: {  	[smem:$0x3F9B] =	sst lr;
	_ =	strace $0xD0000000  }
0x3: {  	_ = 	snop  }
0x4: {  	_ = 	snop  }
0x5: {  	_ = 	snop  }
0x6: {  	_ = 	snop  }
0x7: {  	_ = 	snop  }
__scs_overlays_trampoline_lowered:
0x8: {  	[smem:$0x3FAA] =	sst s0  }
0x9: {  	[smem:$0x3FAB] =	sst s1  }
0xa: {  	[smem:$0x3FAC] =	sst s2  }
0xb: {  	[smem:$0x3FAD] =	sst s3  }
0xc: {  	[smem:$0x3FAE] =	sst s4  }
0xd: {  	[smem:$0x3FAF] =	sst s5  }
0xe: {  	[smem:$0x3FB0] =	sst s6  }
0xf: {  	[smem:$0x3FB1] =	sst s7  }
0x10: {  	[smem:$0x3FB2] =	sst s8  }
0x11: {  	[smem:$0x3FB3] =	sst s9;
	s0 =	simm.s32 @!p0 $0x0  }
0x12: {  	s1 =	sld [smem:$0x3F99];
	s0 =	simm.s32 @p0 $0x1  }
0x13: {  	[smem:$0x3FB4] =	sst s0;
	s0 =	simm.s32 @!p1 $0x0  }
0x14: {  	s2 =	sld [smem:$0x3F98];
	s0 =	simm.s32 @p1 $0x1  }
0x15: {  	[smem:$0x3FB5] =	sst s0;
	s0 =	simm.s32 @!p2 $0x0  }
0x16: {  	s3 =	sld [smem:$0x3FDB];
	s0 =	simm.s32 @p2 $0x1  }
0x17: {  	s4 =	simm.s32 $0x1BF5;
	[smem:$0x3FB7] =	sst s0  }
0x18: {  	s0 =	sld [smem:$0x3F9A];
	_ =	swait.ge [sflag:s4], $0x0  }
0x19: {  	s7 =	sld [smem:$0x3F9B]  }
0x1a: {  	s8 =	sadd.s32 $0xFFFFE003, lr  }
0x1b: {  	s9 =	sadd.s32 $0xFFFFFEF7, lr;
	s5 =	simm.s32 $0xFFFFFFFF;
	p2 =	slt.u32 s8, $0xFFFFF086  }
0x1c: {  	p1 =	slt.u32 s9, $0xF7A;
	s5 =	simm.s32 @!p2 $0x0  }
0x1d: {  	s5 =	simm.s32 @p1 $0x1;
	p0 =	seq.s32 s7, s2  }
0x1e: {  	s7 =	smul.u32 @!p0 $0xF7A, s2;
	p2 =	seq.s32 @!p0 s5, $0x0  }
0x1f: {  	s9 =	smul.u32 $0xF7A, s1;
	s8 =	simm.s32 @!p0 $0x1BF5;
	p2 =	por !p2, p0  }
0x20: {  	[sflag:s8] =	ssyncset.s32 @!p0 $0xFFFFF086;
	s6 =	sadd.s32 @!p0 s3, s7;
	s7 =	simm.s32 @!p0 $0x108  }
0x21: {  	s3 =	sadd.s32 s3, s9;
	s6 =	sadd.s32 @!p0 $0x88, s6;
	s7 =	simm.s32 @p2 $0x1082  }
0x22: {  	[simem:s7], [sflag:s8] =	dma.local @!p0 [hbm:s6], $0xF7A  }
0x23: {  	s9 =	sor.u32 $0xD0000000, s2;
	s6 =	simm.s32 $0x108;
	_ =	swait.ge @!p0 [sflag:s8], $0x0  }
0x24: {  	s3 =	sadd.s32 $0x88, s3;
	s6 =	simm.s32 @!p1 $0x1082;
	[sflag:s4] =	ssyncset.s32 $0xFFFFF086  }
0x25: {  	[simem:s6], [sflag:s4] =	dma.local [hbm:s3], $0xF7A  }
0x26: {  	[smem:$0x3F9B] =	sst s1;
	(tag) =	ssettag s2;
	_ =	strace s9  }
0x27: {  	s1 =	sld [smem:$0x3FAB]  }
0x28: {  	s2 =	sld [smem:$0x3FAC]  }
0x29: {  	s4 =	sld [smem:$0x3FAE]  }
0x2a: {  	p0 =	seq.s32 s5, $0x0;
	s5 =	sld [smem:$0x3FAF]  }
0x2b: {  	s6 =	sld [smem:$0x3FB0]  }
0x2c: {  	s7 =	sld [smem:$0x3FB1]  }
0x2d: {  	s3 =	simm.s32 $0x108;
	s8 =	sld [smem:$0x3FB2]  }
0x2e: {  	s3 =	simm.s32 @!p0 $0x1082;
	s9 =	sld [smem:$0x3FB3]  }
0x2f: {  	lr =	sadd.s32 s0, s3;
	s0 =	sld [smem:$0x3FAA]  }
0x30: {  	s3 =	sld [smem:$0x3FAD]  }
0x31: {  	[smem:$0x3FB6] =	sst s10  }
0x32: {  	s10 =	sld [smem:$0x3FB4];
	_ =	sdelay $0x3  }
0x33: {  	p0 =	seq.s32 s10, $0x1;
	s10 =	sld [smem:$0x3FB6];
	_ =	sdelay $0x3  }
0x34: {  	[smem:$0x3FB6] =	sst s10  }
0x35: {  	s10 =	sld [smem:$0x3FB5];
	_ =	sdelay $0x3  }
0x36: {  	p1 =	seq.s32 s10, $0x1;
	s10 =	sld [smem:$0x3FB6];
	_ =	sdelay $0x3  }
0x37: {  	[smem:$0x3FB6] =	sst s10  }
0x38: {  	s10 =	sld [smem:$0x3FB7]  }
0x39: {  	_ = 	snop;
	(pc) =	sbr.ind lr, $3  }
0x3a: {  	_ = 	snop  }
0x3b: {  	_ = 	snop  }
0x3c: {  	p2 =	seq.s32 s10, $0x1;
	s10 =	sld [smem:$0x3FB6]  }
0x3d: {  	_ =	shalt  }
0x3e: {  	_ =	shalt  }
0x3f: {  	_ =	shalt  }
0x40: {  	_ =	shalt  }
0x41: {  	_ =	shalt  }
0x42: {  	_ =	shalt  }
0x43: {  	_ =	shalt  }
0x44: {  	_ =	shalt  }
0x45: {  	_ =	shalt  }
0x46: {  	_ =	shalt  }
0x47: {  	_ =	shalt  }
0x48: {  	_ =	shalt  }
0x49: {  	_ =	shalt  }
0x4a: {  	_ =	shalt  }
0x4b: {  	_ =	shalt  }
0x4c: {  	_ =	shalt  }
0x4d: {  	_ =	shalt  }
0x4e: {  	_ =	shalt  }
0x4f: {  	_ =	shalt  }
0x50: {  	_ =	shalt  }
0x51: {  	_ =	shalt  }
0x52: {  	_ =	shalt  }
0x53: {  	_ =	shalt  }
0x54: {  	_ =	shalt  }
0x55: {  	_ =	shalt  }
0x56: {  	_ =	shalt  }
0x57: {  	_ =	shalt  }
0x58: {  	_ =	shalt  }
0x59: {  	_ =	shalt  }
0x5a: {  	_ =	shalt  }
0x5b: {  	_ =	shalt  }
0x5c: {  	_ =	shalt  }
0x5d: {  	_ =	shalt  }
0x5e: {  	_ =	shalt  }
0x5f: {  	_ =	shalt  }
0x60: {  	_ =	shalt  }
0x61: {  	_ =	shalt  }
0x62: {  	_ =	shalt  }
0x63: {  	_ =	shalt  }
0x64: {  	_ =	shalt  }
0x65: {  	_ =	shalt  }
0x66: {  	_ =	shalt  }
0x67: {  	_ =	shalt  }
0x68: {  	_ =	shalt  }
0x69: {  	_ =	shalt  }
0x6a: {  	_ =	shalt  }
0x6b: {  	_ =	shalt  }
0x6c: {  	_ =	shalt  }
0x6d: {  	_ =	shalt  }
0x6e: {  	_ =	shalt  }
0x6f: {  	_ =	shalt  }
0x70: {  	_ =	shalt  }
0x71: {  	_ =	shalt  }
0x72: {  	_ =	shalt  }
0x73: {  	_ =	shalt  }
0x74: {  	_ =	shalt  }
0x75: {  	_ =	shalt  }
0x76: {  	_ =	shalt  }
0x77: {  	_ =	shalt  }
0x78: {  	_ =	shalt  }
0x79: {  	_ =	shalt  }
0x7a: {  	_ =	shalt  }
0x7b: {  	_ =	shalt  }
0x7c: {  	_ =	shalt  }
0x7d: {  	_ =	shalt  }
0x7e: {  	_ =	shalt  }
0x7f: {  	_ =	shalt  }
0x80: {  	_ =	shalt  }
0x81: {  	_ =	shalt  }
0x82: {  	_ =	shalt  }
0x83: {  	_ =	shalt  }
0x84: {  	_ =	shalt  }
0x85: {  	_ =	shalt  }
0x86: {  	_ =	shalt  }
0x87: {  	_ =	shalt  }
.Lfunc_end0:
.L_simem_size_0:
called_computation.1_lowered:
.L_overlay_start_0:
0x88: {  	s2 =	sld [smem:$0x3FD9]  }
0x89: {  	s3 =	sld [smem:$0x3FFE];
	_ =	sdelay $0x1  }
0x8a: {  	s1 =	srdreg.scid  }
0x8b: {  	s0 =	sand.u32 $0x1, s1  }
0x8c: {  	s17 =	sshll.u32 s0, $0xA;
	s2 =	sadd.s32 s3, s2  }
0x8d: {  	s2 =	sadd.s32 s2, s17  }
0x8e: {  	[smem:$0x3FC2] =	sst s2  }
0x8f: {  	_ = 	snop  }
0x90: {  	s2 =	sld [smem:$0x3FD0];
	(tm) =	ssettm $0x1  }
0x91: {  	s18 =	sld [smem:$0x3FFB];
	_ =	sdelay $0x3  }
0x92: {  	_ =	strace s18  }
0x93: {  	s3 =	sld [smem:$0x3FFC];
	_ =	sdelay $0x3  }
0x94: {  	_ =	strace s3  }
0x95: {  	s3 =	sld [smem:$0x3FFD];
	_ =	sdelay $0x3  }
0x96: {  	_ =	strace s3  }
0x97: {  	_ =	strace $0x8FFFFFFF  }
0x98: {  	s19 =	sld [smem:$0x3FDB];
	_ =	sdelay $0x1  }
0x99: {  	s4 =	simm.s32 $_scs_section_size  }
0x9a: {  	s5 =	simm.s32 $_size__tile_overlayer_lowered;
	s6 =	simm.s32 $_tile_overlayer_lowered  }
0x9b: {  	s22 =	simm.s32 $0x1BFF;
	s21 =	sshll.u32 s6, $0x1;
	s3 =	sadd.s32 s4, s19  }
0x9c: {  	s7 =	simm.s32 $0x0;
	s20 =	sshll.u32 s5, $0x1;
	s5 =	sadd.s32 s21, s3  }
0x9d: {  	[timem:s7], [sflag:s22] =	dma.local [hbm:s5], s20  }
0x9e: {  	_ =	swait.ge [sflag:s22], s20  }
0x9f: {  	s4 =	ssub.s32 $0x0, s20;
	[sflag:s22] =	ssyncset.done $0x0  }
0xa0: {  	[sflag:s22] =	ssyncadd.s32 s4;
	_ =	sdelay $0x1  }
0xa1: {  	s23 =	simm.s32 $0x1B8B  }
0xa2: {  	_ =	swait.ge [sflag:s23], $0x1  }
0xa3: {  	[sflag:s23] =	ssyncset.done $0x0  }
0xa4: {  	s25 =	simm.s32 $0x1B8E;
	s24 =	sld [smem:$0x3FFE];
	[sflag:s23] =	ssyncadd.s32 $0xFFFFFFFF  }
0xa5: {  	s26 =	simm.s32 $execute0_lowered;
	[smem:$0x3FD2] =	sst s25  }
0xa6: {  	s5 =	sshll.u32 s26, $0x1;
	_ =	strace $0x80000049;
	[dreg:$0x1] =	wrdreg $0xFFFFFFFF  }
0xa7: {  	s28 =	simm.s32 $_size_execute0_lowered;
	s3 =	sadd.s32 s3, s5;
	[dreg:$0x0] =	wrdreg $0x0  }
0xa8: {  	s5 =	sshll.u32 s28, $0x1;
	[dreg:$0x2] =	wrdreg s3  }
0xa9: {  	[dreg:$0x3] =	wrdreg s5  }
0xaa: {  	[dreg:$0x4] =	wrdreg $0xC0  }
0xab: {  	_ =	task [dreg:s7], $0x5FFFF  }
0xac: {  	[dreg:$0x1] =	wrdreg $0xFFFFFFFF  }
0xad: {  	[dreg:$0x0] =	wrdreg $0x60  }
0xae: {  	[dreg:$0x2] =	wrdreg s24  }
0xaf: {  	[dreg:$0x3] =	wrdreg s2  }
0xb0: {  	[dreg:$0x4] =	wrdreg $0x50000  }
0xb1: {  	[dreg:$0x5] =	wrdreg $0x9  }
0xb2: {  	_ =	task.clear_ibuf [dreg:s7], $0x6FFFF;
	_ =	strace $0x90000049  }
0xb3: {  	s29 =	simm.s32 $0x9;
	_ =	strace $0x8000004B  }
0xb4: {  	_ =	swait.ge [sflag:s29], $0x1  }
0xb5: {  	[sflag:s29] =	ssyncadd.s32 $0xFFFFFFFF  }
0xb6: {  	_ =	strace $0x9000004B  }
0xb7: {  	_ =	sfence  }
0xb8: {  	s30 =	sld [smem:$0x0];
	_ =	sdelay $0x2  }
0xb9: {  	s31 =	sshll.u32 s1, $0xD;
	s1 =	sshrl.u32 s1, $0x2  }
0xba: {  	s3 =	sand.u32 $0x4000, s31;
	s1 =	sadd.s32 s1, s30  }
0xbb: {  	s0 =	sor.u32 s3, s0;
	s1 =	sshll.u32 s1, $0x11  }
0xbc: {  	s0 =	sor.u32 s1, s0  }
0xbd: {  	s0 =	sadd.s32 $0x8F2B, s0  }
0xbe: {  	[sflag:s0] =	ssyncadd.remote.s32 $0x1  }
0xbf: {  	_ =	sfence.sel $0xFFFF  }
0xc0: {  	[dreg:$0x0] =	wrdreg $0xFFFFFFFF;
	(pc) =	sbr.abs _section_cstart, $3  }
0xc1: {  	[dreg:$0x1] =	wrdreg $0xFFFFFFFF  }
0xc2: {  	_ =	task.clear_ibuf [dreg:s7], $0x2FFFF;
	_ =	strace $0x9FFFFFFF  }
0xc3: {  	(tm) =	ssettm $0x7FFFFFFF  }
tec
execute0_lowered:
.L_overlay_start_1:
0x0: {  	(tag) =	ssettag $0x1  }
0x1: {  	s6 =	rddreg [dreg:$0x0]  }
0x2: {  	s2 =	rddreg [dreg:$0x2];
	s3 =	simm.s32 $0x0  }
0x3: {  	s4 =	srdreg.scid;
	s0 =	stileid.u32;
	s17 =	simm.s32 $0x1800  }
0x4: {  	s18 =	simm.s32 $0x2000;
	s19 =	simm.s32 $0x2800;
	s20 =	simm.s32 $0x3000  }
0x5: {  	s21 =	simm.s32 $0x3800;
	s22 =	simm.s32 $0x4000;
	[smem:$0x7FF] =	sst s3  }
0x6: {  	s7 =	sand.u32 $0x1, s4;
	s5 =	sadd.s32 $0x65200, s6;
	s9 =	smul.u32 $0x61A80, s0  }
0x7: {  	s10 =	sadd.s32 $0xC7000, s6;
	s12 =	sadd.s32 $0x3200, s6;
	s24 =	sshll.u32 s0, $0x6  }
0x8: {  	s25 =	sshll.u32 s0, $0x8;
	_ =	strace $0x8000004A;
	s8 =	sshll.u32 s7, $0x4  }
0x9: {  	s11 =	ssub.s32 $0x2, s7;
	s26 =	sshll.u32 s7, $0x7;
	s16 =	sadd.s32 s25, s10  }
0xa: {  	s30 =	sadd.s32 s25, s12;
	s8 =	sor.u32 s0, s8;
	s13 =	sshrl.u32 s11, $0x1  }
0xb: {  	s9 =	sshrl.u32 s9, $0x2;
	s15 =	sor.u32 s26, s25;
	s29 =	sadd.s32 s26, s16  }
0xc: {  	s31 =	sadd.s32 s26, s30;
	s16 =	simm.s32 $0x1000;
	s25 =	simm.s32 $0x3  }
0xd: {  	s26 =	simm.s32 $0x0;
	s8 =	smul.u32 $0x30D4, s8;
	s28 =	sadd.s32 s10, s15  }
0xe: {  	s11 =	ssub.s32 s11, s13;
	s10 =	sadd.s32 $0x1000, s29;
	[dreg:$0x6] =	wrdreg s28  }
0xf: {  	s23 =	sadd.s32 s9, s2;
	[dreg:$0x4] =	wrdreg s10;
	s10 =	smax.u32 s11, $0x1  }
0x10: {  	s11 =	sshrl.u32 s23, $0x3;
	s23 =	simm.s32 $0x4800;
	s14 =	sadd.s32 s8, s6  }
0x11: {  	s6 =	sor.u32 $0x1C04, s24;
	s8 =	sadd.s32 s12, s15;
	s12 =	sadd.s32 $0x1000, s31  }
0x12: {  	s15 =	simm.s32 $0x80;
	s24 =	simm.s32 $0x2;
	s9 =	sadd.s32 $0x129000, s14  }
0x13: {  	[dreg:$0x5] =	wrdreg s12;
	s12 =	simm.s32 $0x4;
	s14 =	simm.s32 $0x1  }
.LBB2_1:
0x14: {  	s0 =	rddreg [dreg:$0x1]  }
0x15: {  	[spmem:s11], [sflag:s6] =	dma.local [hbm:s0], $0x30D4  }
0x16: {  	_ =	swait.ge [sflag:s12], $0x30D4  }
0x17: {  	[sflag:s12] =	ssyncset.done $0x0  }
0x18: {  	[sflag:s12] =	ssyncadd.s32 $0xFFFFCF2C  }
0x19: {  	[bflag:$0x0] =	sbarrier.arrive $0xFFFF  }
0x1a: {  	s4 =	rddreg [dreg:$0x6]  }
0x1b: {  	[tilespmem:s3], [sflag:$0x1] =	stream.linear.gather [hbm4b:s4+s3], $0x400, $0x38;
	[tilespmem:$0x1D6A8] =	vst v63  }
0x1c: {  	s7 =	simm.s32 $0x800  }
0x1d: {  	[tilespmem:s7], [sflag:$0x1] =	stream.linear.gather [hbm4b:s8+s3], $0x400, $0x38;
	[tilespmem:$0x1D6A8] =	vst v63  }
0x1e: {  	_ =	swait.ge [sflag:s14], $0x400  }
0x1f: {  	[sflag:s14] =	ssyncset.done $0x0  }
0x20: {  	p0 =	por $0x0, $0x0;
	[sflag:s14] =	ssyncadd.s32 $0xFFFFFC00  }
0x21: {  	s28 =	sand.u32 @!p0 $0x400, s3;
	s0 =	simm.s32 @!p0 $0x0;
	_ =	swait.ge [sflag:s14], $0x400  }
0x22: {  	s31 =	sxor.u32 @!p0 $0x400, s28;
	s29 =	rddreg [dreg:$0x4];
	[sflag:s14] =	ssyncset.done $0x0  }
0x23: {  	s30 =	rddreg [dreg:$0x5];
	[sflag:s14] =	ssyncadd.s32 $0xFFFFFC00;
	s29 =	sadd.s32 @!p0 $0x0, s29  }
0x24: {  	[tilespmem:s31], [sflag:$0x1] =	stream.linear.gather @!p0 [hbm4b:s29+s0], $0x400, $0x38;
	[tilespmem:$0x1D6A8] =	vst v63  }
0x25: {  	s30 =	sadd.s32 @!p0 $0x0, s30;
	s29 =	sxor.u32 @!p0 $0xC00, s28  }
0x26: {  	[tilespmem:s29], [sflag:$0x1] =	stream.linear.gather @!p0 [hbm4b:s30+s0], $0x400, $0x38;
	[tilespmem:$0x1D6A8] =	vst v63  }
0x27: {  	s28 =	simm.s32 @p0 $0x400  }
0x28: {  	[tilespmem:s16], [sflag:$0x2] =	stream.indirect.gather [hbm4b:s5+s15], $0x10, s28, s15, $0xb8;
	[tilespmem:$0x1D6A8] =	vst v63  }
0x29: {  	s13 =	sor.u32 $0x80, s28  }
0x2a: {  	[tilespmem:s17], [sflag:$0x2] =	stream.indirect.gather [hbm4b:s5+s15], $0x10, s13, s15, $0xb8;
	[tilespmem:$0x1D6A8] =	vst v63  }
0x2b: {  	s30 =	sor.u32 $0x100, s28  }
0x2c: {  	[tilespmem:s18], [sflag:$0x2] =	stream.indirect.gather [hbm4b:s5+s15], $0x10, s30, s15, $0xb8;
	[tilespmem:$0x1D6A8] =	vst v63  }
0x2d: {  	s31 =	sor.u32 $0x180, s28  }
0x2e: {  	[tilespmem:s19], [sflag:$0x2] =	stream.indirect.gather [hbm4b:s5+s15], $0x10, s31, s15, $0xb8;
	[tilespmem:$0x1D6A8] =	vst v63  }
0x2f: {  	s1 =	sor.u32 $0x200, s28  }
0x30: {  	[tilespmem:s20], [sflag:$0x2] =	stream.indirect.gather [hbm4b:s5+s15], $0x10, s1, s15, $0xb8;
	[tilespmem:$0x1D6A8] =	vst v63  }
0x31: {  	s4 =	sor.u32 $0x280, s28  }
0x32: {  	[tilespmem:s21], [sflag:$0x2] =	stream.indirect.gather [hbm4b:s5+s15], $0x10, s4, s15, $0xb8;
	[tilespmem:$0x1D6A8] =	vst v63  }
0x33: {  	s7 =	sor.u32 $0x300, s28  }
0x34: {  	[tilespmem:s22], [sflag:$0x2] =	stream.indirect.gather [hbm4b:s5+s15], $0x10, s7, s15, $0xb8;
	[tilespmem:$0x1D6A8] =	vst v63  }
0x35: {  	s13 =	sor.u32 $0x380, s28  }
0x36: {  	[tilespmem:s23], [sflag:$0x2] =	stream.indirect.gather [hbm4b:s5+s15], $0x10, s13, s15, $0xb8;
	[tilespmem:$0x1D6A8] =	vst v63  }
0x37: {  	_ =	swait.ge [sflag:s24], $0x800  }
0x38: {  	[sflag:s24] =	ssyncset.done $0x0  }
0x39: {  	s30 =	sor.u32 $0x800, s28;
	[sflag:s24] =	ssyncadd.s32 $0xFFFFF800  }
0x3a: {  	[spmem:s2] =	stream.indirect.scatter.add.f32 [tilespmem:s16], [sflag:$0x3], $0x10, s30, s15, $0xb8;
	[tilespmem:$0x1D6A8] =	vst v63  }
0x3b: {  	_ =	swait.ge [sflag:s24], $0x800  }
0x3c: {  	[sflag:s24] =	ssyncset.done $0x0  }
0x3d: {  	s31 =	sor.u32 $0x880, s28;
	[sflag:s24] =	ssyncadd.s32 $0xFFFFF800  }
0x3e: {  	[spmem:s2] =	stream.indirect.scatter.add.f32 [tilespmem:s17], [sflag:$0x3], $0x10, s31, s15, $0xb8;
	[tilespmem:$0x1D6A8] =	vst v63  }
0x3f: {  	_ =	swait.ge [sflag:s24], $0x800  }
0x40: {  	[sflag:s24] =	ssyncset.done $0x0  }
0x41: {  	s1 =	sor.u32 $0x900, s28;
	[sflag:s24] =	ssyncadd.s32 $0xFFFFF800  }
0x42: {  	[spmem:s2] =	stream.indirect.scatter.add.f32 [tilespmem:s18], [sflag:$0x3], $0x10, s1, s15, $0xb8;
	[tilespmem:$0x1D6A8] =	vst v63  }
0x43: {  	_ =	swait.ge [sflag:s24], $0x800  }
0x44: {  	[sflag:s24] =	ssyncset.done $0x0  }
0x45: {  	s4 =	sor.u32 $0x980, s28;
	[sflag:s24] =	ssyncadd.s32 $0xFFFFF800  }
0x46: {  	[spmem:s2] =	stream.indirect.scatter.add.f32 [tilespmem:s19], [sflag:$0x3], $0x10, s4, s15, $0xb8;
	[tilespmem:$0x1D6A8] =	vst v63  }
0x47: {  	_ =	swait.ge [sflag:s24], $0x800  }
0x48: {  	[sflag:s24] =	ssyncset.done $0x0  }
0x49: {  	s7 =	sor.u32 $0xA00, s28;
	[sflag:s24] =	ssyncadd.s32 $0xFFFFF800  }
0x4a: {  	[spmem:s2] =	stream.indirect.scatter.add.f32 [tilespmem:s20], [sflag:$0x3], $0x10, s7, s15, $0xb8;
	[tilespmem:$0x1D6A8] =	vst v63  }
0x4b: {  	_ =	swait.ge [sflag:s24], $0x800  }
0x4c: {  	[sflag:s24] =	ssyncset.done $0x0  }
0x4d: {  	s13 =	sor.u32 $0xA80, s28;
	[sflag:s24] =	ssyncadd.s32 $0xFFFFF800  }
0x4e: {  	[spmem:s2] =	stream.indirect.scatter.add.f32 [tilespmem:s21], [sflag:$0x3], $0x10, s13, s15, $0xb8;
	[tilespmem:$0x1D6A8] =	vst v63  }
0x4f: {  	_ =	swait.ge [sflag:s24], $0x800  }
0x50: {  	[sflag:s24] =	ssyncset.done $0x0  }
0x51: {  	s30 =	sor.u32 $0xB00, s28;
	[sflag:s24] =	ssyncadd.s32 $0xFFFFF800  }
0x52: {  	[spmem:s2] =	stream.indirect.scatter.add.f32 [tilespmem:s22], [sflag:$0x3], $0x10, s30, s15, $0xb8;
	[tilespmem:$0x1D6A8] =	vst v63  }
0x53: {  	_ =	swait.ge [sflag:s24], $0x800  }
0x54: {  	[sflag:s24] =	ssyncset.done $0x0  }
0x55: {  	s31 =	sor.u32 $0xB80, s28;
	[sflag:s24] =	ssyncadd.s32 $0xFFFFF800  }
0x56: {  	[spmem:s2] =	stream.indirect.scatter.add.f32 [tilespmem:s23], [sflag:$0x3], $0x10, s31, s15, $0xb8;
	[tilespmem:$0x1D6A8] =	vst v63  }
0x57: {  	_ =	swait.ge [sflag:s25], $0x800  }
0x58: {  	[sflag:s25] =	ssyncset.done $0x0  }
0x59: {  	[sflag:s25] =	ssyncadd.s32 $0xFFFFF800  }
0x5a: {  	_ =	swait.ge [sflag:s25], $0x800  }
0x5b: {  	[sflag:s25] =	ssyncset.done $0x0  }
0x5c: {  	[sflag:s25] =	ssyncadd.s32 $0xFFFFF800  }
0x5d: {  	_ =	swait.ge [sflag:s25], $0x800  }
0x5e: {  	[sflag:s25] =	ssyncset.done $0x0  }
0x5f: {  	[sflag:s25] =	ssyncadd.s32 $0xFFFFF800  }
0x60: {  	_ =	swait.ge [sflag:s25], $0x800  }
0x61: {  	[sflag:s25] =	ssyncset.done $0x0  }
0x62: {  	[sflag:s25] =	ssyncadd.s32 $0xFFFFF800  }
0x63: {  	_ =	swait.ge [sflag:s25], $0x800  }
0x64: {  	[sflag:s25] =	ssyncset.done $0x0  }
0x65: {  	[sflag:s25] =	ssyncadd.s32 $0xFFFFF800  }
0x66: {  	_ =	swait.ge [sflag:s25], $0x800  }
0x67: {  	[sflag:s25] =	ssyncset.done $0x0  }
0x68: {  	[sflag:s25] =	ssyncadd.s32 $0xFFFFF800  }
0x69: {  	_ =	swait.ge [sflag:s25], $0x800  }
0x6a: {  	[sflag:s25] =	ssyncset.done $0x0  }
0x6b: {  	[sflag:s25] =	ssyncadd.s32 $0xFFFFF800  }
0x6c: {  	s29 =	simm.s32 $0x0;
	s28 =	simm.s32 $0x1000;
	_ =	swait.ge [sflag:s25], $0x800  }
.LBB2_2:
0x6d: {  	[sflag:s25] =	ssyncset.done $0x0  }
0x6e: {  	[sflag:s25] =	ssyncadd.s32 $0xFFFFF800  }
0x6f: {  	_ =	swait.ge [sflag:s14], $0x400  }
0x70: {  	s0 =	smov.u32 s28;
	[sflag:s14] =	ssyncset.done $0x0  }
0x71: {  	s29 =	sadd.s32 $0x400, s29;
	p1 =	seq.s32 s0, $0x61000;
	[sflag:s14] =	ssyncadd.s32 $0xFFFFFC00  }
0x72: {  	s30 =	sand.u32 @!p1 $0x400, s29;
	s7 =	simm.s32 @!p1 $0x0;
	_ =	swait.ge [sflag:s14], $0x400  }
0x73: {  	s1 =	sxor.u32 @!p1 $0x400, s30;
	s31 =	rddreg [dreg:$0x4];
	[sflag:s14] =	ssyncset.done $0x0  }
0x74: {  	s4 =	rddreg [dreg:$0x5];
	[sflag:s14] =	ssyncadd.s32 $0xFFFFFC00;
	s31 =	sadd.s32 @!p1 s0, s31  }
0x75: {  	[tilespmem:s1], [sflag:$0x1] =	stream.linear.gather @!p1 [hbm4b:s31+s7], $0x400, $0x38;
	[tilespmem:$0x1D6A8] =	vst v63  }
0x76: {  	s13 =	sxor.u32 @!p1 $0xC00, s30;
	s0 =	sadd.s32 @!p1 s0, s4  }
0x77: {  	[tilespmem:s13], [sflag:$0x1] =	stream.linear.gather @!p1 [hbm4b:s0+s7], $0x400, $0x38;
	[tilespmem:$0x1D6A8] =	vst v63  }
0x78: {  	s30 =	simm.s32 @p1 $0x400  }
0x79: {  	[tilespmem:s16], [sflag:$0x2] =	stream.indirect.gather [hbm4b:s5+s15], $0x10, s30, s15, $0xb8;
	[tilespmem:$0x1D6A8] =	vst v63  }
0x7a: {  	s13 =	sor.u32 $0x80, s30  }
0x7b: {  	[tilespmem:s17], [sflag:$0x2] =	stream.indirect.gather [hbm4b:s5+s15], $0x10, s13, s15, $0xb8;
	[tilespmem:$0x1D6A8] =	vst v63  }
0x7c: {  	s31 =	sor.u32 $0x100, s30  }
0x7d: {  	[tilespmem:s18], [sflag:$0x2] =	stream.indirect.gather [hbm4b:s5+s15], $0x10, s31, s15, $0xb8;
	[tilespmem:$0x1D6A8] =	vst v63  }
0x7e: {  	s4 =	sor.u32 $0x180, s30  }
0x7f: {  	[tilespmem:s19], [sflag:$0x2] =	stream.indirect.gather [hbm4b:s5+s15], $0x10, s4, s15, $0xb8;
	[tilespmem:$0x1D6A8] =	vst v63  }
0x80: {  	s7 =	sor.u32 $0x200, s30  }
0x81: {  	[tilespmem:s20], [sflag:$0x2] =	stream.indirect.gather [hbm4b:s5+s15], $0x10, s7, s15, $0xb8;
	[tilespmem:$0x1D6A8] =	vst v63  }
0x82: {  	s13 =	sor.u32 $0x280, s30  }
0x83: {  	[tilespmem:s21], [sflag:$0x2] =	stream.indirect.gather [hbm4b:s5+s15], $0x10, s13, s15, $0xb8;
	[tilespmem:$0x1D6A8] =	vst v63  }
0x84: {  	s31 =	sor.u32 $0x300, s30  }
0x85: {  	[tilespmem:s22], [sflag:$0x2] =	stream.indirect.gather [hbm4b:s5+s15], $0x10, s31, s15, $0xb8;
	[tilespmem:$0x1D6A8] =	vst v63  }
0x86: {  	s4 =	sor.u32 $0x380, s30  }
0x87: {  	[tilespmem:s23], [sflag:$0x2] =	stream.indirect.gather [hbm4b:s5+s15], $0x10, s4, s15, $0xb8;
	[tilespmem:$0x1D6A8] =	vst v63  }
0x88: {  	_ =	swait.ge [sflag:s24], $0x800  }
0x89: {  	[sflag:s24] =	ssyncset.done $0x0  }
0x8a: {  	s7 =	sor.u32 $0x800, s30;
	[sflag:s24] =	ssyncadd.s32 $0xFFFFF800  }
0x8b: {  	[spmem:s2] =	stream.indirect.scatter.add.f32 [tilespmem:s16], [sflag:$0x3], $0x10, s7, s15, $0xb8;
	[tilespmem:$0x1D6A8] =	vst v63  }
0x8c: {  	_ =	swait.ge [sflag:s24], $0x800  }
0x8d: {  	[sflag:s24] =	ssyncset.done $0x0  }
0x8e: {  	s13 =	sor.u32 $0x880, s30;
	[sflag:s24] =	ssyncadd.s32 $0xFFFFF800  }
0x8f: {  	[spmem:s2] =	stream.indirect.scatter.add.f32 [tilespmem:s17], [sflag:$0x3], $0x10, s13, s15, $0xb8;
	[tilespmem:$0x1D6A8] =	vst v63  }
0x90: {  	_ =	swait.ge [sflag:s24], $0x800  }
0x91: {  	[sflag:s24] =	ssyncset.done $0x0  }
0x92: {  	s31 =	sor.u32 $0x900, s30;
	[sflag:s24] =	ssyncadd.s32 $0xFFFFF800  }
0x93: {  	[spmem:s2] =	stream.indirect.scatter.add.f32 [tilespmem:s18], [sflag:$0x3], $0x10, s31, s15, $0xb8;
	[tilespmem:$0x1D6A8] =	vst v63  }
0x94: {  	_ =	swait.ge [sflag:s24], $0x800  }
0x95: {  	[sflag:s24] =	ssyncset.done $0x0  }
0x96: {  	s1 =	sor.u32 $0x980, s30;
	[sflag:s24] =	ssyncadd.s32 $0xFFFFF800  }
0x97: {  	[spmem:s2] =	stream.indirect.scatter.add.f32 [tilespmem:s19], [sflag:$0x3], $0x10, s1, s15, $0xb8;
	[tilespmem:$0x1D6A8] =	vst v63  }
0x98: {  	_ =	swait.ge [sflag:s24], $0x800  }
0x99: {  	[sflag:s24] =	ssyncset.done $0x0  }
0x9a: {  	s4 =	sor.u32 $0xA00, s30;
	[sflag:s24] =	ssyncadd.s32 $0xFFFFF800  }
0x9b: {  	[spmem:s2] =	stream.indirect.scatter.add.f32 [tilespmem:s20], [sflag:$0x3], $0x10, s4, s15, $0xb8;
	[tilespmem:$0x1D6A8] =	vst v63  }
0x9c: {  	_ =	swait.ge [sflag:s24], $0x800  }
0x9d: {  	[sflag:s24] =	ssyncset.done $0x0  }
0x9e: {  	s7 =	sor.u32 $0xA80, s30;
	[sflag:s24] =	ssyncadd.s32 $0xFFFFF800  }
0x9f: {  	[spmem:s2] =	stream.indirect.scatter.add.f32 [tilespmem:s21], [sflag:$0x3], $0x10, s7, s15, $0xb8;
	[tilespmem:$0x1D6A8] =	vst v63  }
0xa0: {  	_ =	swait.ge [sflag:s24], $0x800  }
0xa1: {  	[sflag:s24] =	ssyncset.done $0x0  }
0xa2: {  	s13 =	sor.u32 $0xB00, s30;
	[sflag:s24] =	ssyncadd.s32 $0xFFFFF800  }
0xa3: {  	[spmem:s2] =	stream.indirect.scatter.add.f32 [tilespmem:s22], [sflag:$0x3], $0x10, s13, s15, $0xb8;
	[tilespmem:$0x1D6A8] =	vst v63  }
0xa4: {  	_ =	swait.ge [sflag:s24], $0x800  }
0xa5: {  	[sflag:s24] =	ssyncset.done $0x0  }
0xa6: {  	s31 =	sor.u32 $0xB80, s30;
	[sflag:s24] =	ssyncadd.s32 $0xFFFFF800  }
0xa7: {  	[spmem:s2] =	stream.indirect.scatter.add.f32 [tilespmem:s23], [sflag:$0x3], $0x10, s31, s15, $0xb8;
	[tilespmem:$0x1D6A8] =	vst v63  }
0xa8: {  	_ =	swait.ge [sflag:s25], $0x800  }
0xa9: {  	[sflag:s25] =	ssyncset.done $0x0  }
0xaa: {  	[sflag:s25] =	ssyncadd.s32 $0xFFFFF800  }
0xab: {  	_ =	swait.ge [sflag:s25], $0x800  }
0xac: {  	[sflag:s25] =	ssyncset.done $0x0  }
0xad: {  	[sflag:s25] =	ssyncadd.s32 $0xFFFFF800  }
0xae: {  	_ =	swait.ge [sflag:s25], $0x800  }
0xaf: {  	[sflag:s25] =	ssyncset.done $0x0  }
0xb0: {  	[sflag:s25] =	ssyncadd.s32 $0xFFFFF800  }
0xb1: {  	_ =	swait.ge [sflag:s25], $0x800  }
0xb2: {  	[sflag:s25] =	ssyncset.done $0x0  }
0xb3: {  	[sflag:s25] =	ssyncadd.s32 $0xFFFFF800  }
0xb4: {  	_ =	swait.ge [sflag:s25], $0x800  }
0xb5: {  	[sflag:s25] =	ssyncset.done $0x0  }
0xb6: {  	[sflag:s25] =	ssyncadd.s32 $0xFFFFF800  }
0xb7: {  	s28 =	sadd.s32 $0x1000, s28;
	_ =	swait.ge [sflag:s25], $0x800  }
0xb8: {  	p0 =	sne.s32 s28, $0x62000;
	[sflag:s25] =	ssyncset.done $0x0  }
.Ltmp0:
0xb9: {  	[sflag:s25] =	ssyncadd.s32 $0xFFFFF800;
	(pc) =	sbr.rel @p0 .LBB2_2-.Ltmp0, $4  }
0xba: {  	_ =	swait.ge [sflag:s25], $0x800  }
0xbb: {  	[sflag:s25] =	ssyncset.done $0x0  }
0xbc: {  	[sflag:s25] =	ssyncadd.s32 $0xFFFFF800  }
0xbd: {  	_ =	swait.ge [sflag:s25], $0x800  }
0xbe: {  	[sflag:s25] =	ssyncset.done $0x0;
	s26 =	sadd.s32 $0x1, s26  }
0xbf: {  	[sflag:s25] =	ssyncadd.s32 $0xFFFFF800;
	p0 =	sne.s32 s26, s10  }
.Ltmp1:
0xc0: {  	[bflag:$0x0] =	sbarrier.arrive $0xFFFF;
	(pc) =	sbr.rel @p0 .LBB2_1-.Ltmp1, $4  }
0xc1: {  	[hbm:s9], [sflag:s6] =	dma.local [spmem:s11], $0x30D4  }
0xc2: {  	_ =	swait.ge [sflag:s12], $0x30D4  }
0xc3: {  	[sflag:s12] =	ssyncset.done $0x0  }
0xc4: {  	[sflag:s12] =	ssyncadd.s32 $0xFFFFCF2C  }
0xc5: {  	_ =	sfence.sel $0x180000  }
0xc6: {  	[bflag:$0x0] =	sbarrier.arrive $0xFFFF  }
0xc7: {  	_ =	strace $0x9000004A  }
0xc8: {  	s0 =	stileid.u32;
	[bflag:$0x2] =	sbarrier.arrive $0xFFFF  }
0xc9: {  	p0 =	sne.s32 s0, $0x0;
	s0 =	rddreg [dreg:$0x3]  }
0xca: {  	s0 =	sadd.s32 @!p0 $0x100000, s0  }
0xcb: {  	[sflag:s0] =	ssyncadd.tile.s32 @!p0 $0x1;
	_ =	shalt  }
.Lfunc_end2:
_tile_overlayer_lowered:
.L_overlay_start_2:
0xcc: {  	(tag) =	ssettag $0x2  }
0xcd: {  	s0 =	rddreg [dreg:$0x0];
	s2 =	stileid.u32  }
0xce: {  	s1 =	rddreg [dreg:$0x1];
	p0 =	sne.s32 s2, $0x0  }
0xcf: {  	s3 =	rddreg [dreg:$0x2];
	[bflag:$0x3] =	sbarrier.arrive $0xFFFF;
	s2 =	simm.s32 @!p0 $0x1C04  }
0xd0: {  	[timem:s3], [sflag:s2] =	dma.local @!p0 [hbm:s0], s1  }
0xd1: {  	s0 =	simm.s32 @!p0 $0x4  }
0xd2: {  	_ =	swait.ge @!p0 [sflag:s0], s1  }
0xd3: {  	s1 =	ssub.s32 @!p0 $0x0, s1;
	[sflag:s0] =	ssyncset.done @!p0 $0x0  }
0xd4: {  	[sflag:s0] =	ssyncadd.s32 @!p0 s1  }
0xd5: {  	[bflag:$0x3] =	sbarrier.arrive $0xFFFF  }
0xd6: {  	_ =	shalt  }

// kernel: kernel.14.cloned.1.call-start
scs
__scs_entry_jumppad:
0x0: {  	(pc) =	sbr.rel $0x88, $3  }
0x1: {  	(tag) =	ssettag $0x0;
	lr =	simm.s32 $0x1  }
0x2: {  	[smem:$0x3F9B] =	sst lr;
	_ =	strace $0xD0000000  }
0x3: {  	_ = 	snop  }
0x4: {  	_ = 	snop  }
0x5: {  	_ = 	snop  }
0x6: {  	_ = 	snop  }
0x7: {  	_ = 	snop  }
__scs_overlays_trampoline_lowered:
0x8: {  	[smem:$0x3FAA] =	sst s0  }
0x9: {  	[smem:$0x3FAB] =	sst s1  }
0xa: {  	[smem:$0x3FAC] =	sst s2  }
0xb: {  	[smem:$0x3FAD] =	sst s3  }
0xc: {  	[smem:$0x3FAE] =	sst s4  }
0xd: {  	[smem:$0x3FAF] =	sst s5  }
0xe: {  	[smem:$0x3FB0] =	sst s6  }
0xf: {  	[smem:$0x3FB1] =	sst s7  }
0x10: {  	[smem:$0x3FB2] =	sst s8  }
0x11: {  	[smem:$0x3FB3] =	sst s9;
	s0 =	simm.s32 @!p0 $0x0  }
0x12: {  	s1 =	sld [smem:$0x3F99];
	s0 =	simm.s32 @p0 $0x1  }
0x13: {  	[smem:$0x3FB4] =	sst s0;
	s0 =	simm.s32 @!p1 $0x0  }
0x14: {  	s2 =	sld [smem:$0x3F98];
	s0 =	simm.s32 @p1 $0x1  }
0x15: {  	[smem:$0x3FB5] =	sst s0;
	s0 =	simm.s32 @!p2 $0x0  }
0x16: {  	s3 =	sld [smem:$0x3FDB];
	s0 =	simm.s32 @p2 $0x1  }
0x17: {  	s4 =	simm.s32 $0x1BF5;
	[smem:$0x3FB7] =	sst s0  }
0x18: {  	s0 =	sld [smem:$0x3F9A];
	_ =	swait.ge [sflag:s4], $0x0  }
0x19: {  	s7 =	sld [smem:$0x3F9B]  }
0x1a: {  	s8 =	sadd.s32 $0xFFFFE003, lr  }
0x1b: {  	s9 =	sadd.s32 $0xFFFFFEF7, lr;
	s5 =	simm.s32 $0xFFFFFFFF;
	p2 =	slt.u32 s8, $0xFFFFF086  }
0x1c: {  	p1 =	slt.u32 s9, $0xF7A;
	s5 =	simm.s32 @!p2 $0x0  }
0x1d: {  	s5 =	simm.s32 @p1 $0x1;
	p0 =	seq.s32 s7, s2  }
0x1e: {  	s7 =	smul.u32 @!p0 $0xF7A, s2;
	p2 =	seq.s32 @!p0 s5, $0x0  }
0x1f: {  	s9 =	smul.u32 $0xF7A, s1;
	s8 =	simm.s32 @!p0 $0x1BF5;
	p2 =	por !p2, p0  }
0x20: {  	[sflag:s8] =	ssyncset.s32 @!p0 $0xFFFFF086;
	s6 =	sadd.s32 @!p0 s3, s7;
	s7 =	simm.s32 @!p0 $0x108  }
0x21: {  	s3 =	sadd.s32 s3, s9;
	s6 =	sadd.s32 @!p0 $0x88, s6;
	s7 =	simm.s32 @p2 $0x1082  }
0x22: {  	[simem:s7], [sflag:s8] =	dma.local @!p0 [hbm:s6], $0xF7A  }
0x23: {  	s9 =	sor.u32 $0xD0000000, s2;
	s6 =	simm.s32 $0x108;
	_ =	swait.ge @!p0 [sflag:s8], $0x0  }
0x24: {  	s3 =	sadd.s32 $0x88, s3;
	s6 =	simm.s32 @!p1 $0x1082;
	[sflag:s4] =	ssyncset.s32 $0xFFFFF086  }
0x25: {  	[simem:s6], [sflag:s4] =	dma.local [hbm:s3], $0xF7A  }
0x26: {  	[smem:$0x3F9B] =	sst s1;
	(tag) =	ssettag s2;
	_ =	strace s9  }
0x27: {  	s1 =	sld [smem:$0x3FAB]  }
0x28: {  	s2 =	sld [smem:$0x3FAC]  }
0x29: {  	s4 =	sld [smem:$0x3FAE]  }
0x2a: {  	p0 =	seq.s32 s5, $0x0;
	s5 =	sld [smem:$0x3FAF]  }
0x2b: {  	s6 =	sld [smem:$0x3FB0]  }
0x2c: {  	s7 =	sld [smem:$0x3FB1]  }
0x2d: {  	s3 =	simm.s32 $0x108;
	s8 =	sld [smem:$0x3FB2]  }
0x2e: {  	s3 =	simm.s32 @!p0 $0x1082;
	s9 =	sld [smem:$0x3FB3]  }
0x2f: {  	lr =	sadd.s32 s0, s3;
	s0 =	sld [smem:$0x3FAA]  }
0x30: {  	s3 =	sld [smem:$0x3FAD]  }
0x31: {  	[smem:$0x3FB6] =	sst s10  }
0x32: {  	s10 =	sld [smem:$0x3FB4];
	_ =	sdelay $0x3  }
0x33: {  	p0 =	seq.s32 s10, $0x1;
	s10 =	sld [smem:$0x3FB6];
	_ =	sdelay $0x3  }
0x34: {  	[smem:$0x3FB6] =	sst s10  }
0x35: {  	s10 =	sld [smem:$0x3FB5];
	_ =	sdelay $0x3  }
0x36: {  	p1 =	seq.s32 s10, $0x1;
	s10 =	sld [smem:$0x3FB6];
	_ =	sdelay $0x3  }
0x37: {  	[smem:$0x3FB6] =	sst s10  }
0x38: {  	s10 =	sld [smem:$0x3FB7]  }
0x39: {  	_ = 	snop;
	(pc) =	sbr.ind lr, $3  }
0x3a: {  	_ = 	snop  }
0x3b: {  	_ = 	snop  }
0x3c: {  	p2 =	seq.s32 s10, $0x1;
	s10 =	sld [smem:$0x3FB6]  }
0x3d: {  	_ =	shalt  }
0x3e: {  	_ =	shalt  }
0x3f: {  	_ =	shalt  }
0x40: {  	_ =	shalt  }
0x41: {  	_ =	shalt  }
0x42: {  	_ =	shalt  }
0x43: {  	_ =	shalt  }
0x44: {  	_ =	shalt  }
0x45: {  	_ =	shalt  }
0x46: {  	_ =	shalt  }
0x47: {  	_ =	shalt  }
0x48: {  	_ =	shalt  }
0x49: {  	_ =	shalt  }
0x4a: {  	_ =	shalt  }
0x4b: {  	_ =	shalt  }
0x4c: {  	_ =	shalt  }
0x4d: {  	_ =	shalt  }
0x4e: {  	_ =	shalt  }
0x4f: {  	_ =	shalt  }
0x50: {  	_ =	shalt  }
0x51: {  	_ =	shalt  }
0x52: {  	_ =	shalt  }
0x53: {  	_ =	shalt  }
0x54: {  	_ =	shalt  }
0x55: {  	_ =	shalt  }
0x56: {  	_ =	shalt  }
0x57: {  	_ =	shalt  }
0x58: {  	_ =	shalt  }
0x59: {  	_ =	shalt  }
0x5a: {  	_ =	shalt  }
0x5b: {  	_ =	shalt  }
0x5c: {  	_ =	shalt  }
0x5d: {  	_ =	shalt  }
0x5e: {  	_ =	shalt  }
0x5f: {  	_ =	shalt  }
0x60: {  	_ =	shalt  }
0x61: {  	_ =	shalt  }
0x62: {  	_ =	shalt  }
0x63: {  	_ =	shalt  }
0x64: {  	_ =	shalt  }
0x65: {  	_ =	shalt  }
0x66: {  	_ =	shalt  }
0x67: {  	_ =	shalt  }
0x68: {  	_ =	shalt  }
0x69: {  	_ =	shalt  }
0x6a: {  	_ =	shalt  }
0x6b: {  	_ =	shalt  }
0x6c: {  	_ =	shalt  }
0x6d: {  	_ =	shalt  }
0x6e: {  	_ =	shalt  }
0x6f: {  	_ =	shalt  }
0x70: {  	_ =	shalt  }
0x71: {  	_ =	shalt  }
0x72: {  	_ =	shalt  }
0x73: {  	_ =	shalt  }
0x74: {  	_ =	shalt  }
0x75: {  	_ =	shalt  }
0x76: {  	_ =	shalt  }
0x77: {  	_ =	shalt  }
0x78: {  	_ =	shalt  }
0x79: {  	_ =	shalt  }
0x7a: {  	_ =	shalt  }
0x7b: {  	_ =	shalt  }
0x7c: {  	_ =	shalt  }
0x7d: {  	_ =	shalt  }
0x7e: {  	_ =	shalt  }
0x7f: {  	_ =	shalt  }
0x80: {  	_ =	shalt  }
0x81: {  	_ =	shalt  }
0x82: {  	_ =	shalt  }
0x83: {  	_ =	shalt  }
0x84: {  	_ =	shalt  }
0x85: {  	_ =	shalt  }
0x86: {  	_ =	shalt  }
0x87: {  	_ =	shalt  }
.Lfunc_end0:
.L_simem_size_0:
called_computation.2_lowered:
.L_overlay_start_0:
0x88: {  	s2 =	sld [smem:$0x3FD9]  }
0x89: {  	s3 =	sld [smem:$0x3FFE];
	_ =	sdelay $0x1  }
0x8a: {  	s1 =	srdreg.scid  }
0x8b: {  	s0 =	sand.u32 $0x1, s1  }
0x8c: {  	s17 =	sshll.u32 s0, $0xA;
	s2 =	sadd.s32 s3, s2  }
0x8d: {  	s2 =	sadd.s32 s2, s17  }
0x8e: {  	[smem:$0x3FC2] =	sst s2  }
0x8f: {  	_ = 	snop  }
0x90: {  	s2 =	sld [smem:$0x3FD0];
	(tm) =	ssettm $0x1  }
0x91: {  	s18 =	sld [smem:$0x3FFB];
	_ =	sdelay $0x3  }
0x92: {  	_ =	strace s18  }
0x93: {  	s3 =	sld [smem:$0x3FFC];
	_ =	sdelay $0x3  }
0x94: {  	_ =	strace s3  }
0x95: {  	s3 =	sld [smem:$0x3FFD];
	_ =	sdelay $0x3  }
0x96: {  	_ =	strace s3  }
0x97: {  	_ =	strace $0x8FFFFFFF  }
0x98: {  	s19 =	sld [smem:$0x3FDB];
	_ =	sdelay $0x1  }
0x99: {  	s4 =	simm.s32 $_scs_section_size  }
0x9a: {  	s5 =	simm.s32 $_size__tile_overlayer_lowered;
	s6 =	simm.s32 $_tile_overlayer_lowered  }
0x9b: {  	s22 =	simm.s32 $0x1BFF;
	s21 =	sshll.u32 s6, $0x1;
	s3 =	sadd.s32 s4, s19  }
0x9c: {  	s7 =	simm.s32 $0x0;
	s20 =	sshll.u32 s5, $0x1;
	s5 =	sadd.s32 s21, s3  }
0x9d: {  	[timem:s7], [sflag:s22] =	dma.local [hbm:s5], s20  }
0x9e: {  	_ =	swait.ge [sflag:s22], s20  }
0x9f: {  	s4 =	ssub.s32 $0x0, s20;
	[sflag:s22] =	ssyncset.done $0x0  }
0xa0: {  	[sflag:s22] =	ssyncadd.s32 s4;
	_ =	sdelay $0x1  }
0xa1: {  	s23 =	simm.s32 $0x1B8B  }
0xa2: {  	_ =	swait.ge [sflag:s23], $0x1  }
0xa3: {  	[sflag:s23] =	ssyncset.done $0x0  }
0xa4: {  	s25 =	simm.s32 $0x1B8E;
	s24 =	sld [smem:$0x3FFE];
	[sflag:s23] =	ssyncadd.s32 $0xFFFFFFFF  }
0xa5: {  	s26 =	simm.s32 $execute0_lowered;
	[smem:$0x3FD2] =	sst s25  }
0xa6: {  	s5 =	sshll.u32 s26, $0x1;
	_ =	strace $0x8000004C;
	[dreg:$0x1] =	wrdreg $0xFFFFFFFF  }
0xa7: {  	s28 =	simm.s32 $_size_execute0_lowered;
	s3 =	sadd.s32 s3, s5;
	[dreg:$0x0] =	wrdreg $0x0  }
0xa8: {  	s5 =	sshll.u32 s28, $0x1;
	[dreg:$0x2] =	wrdreg s3  }
0xa9: {  	[dreg:$0x3] =	wrdreg s5  }
0xaa: {  	[dreg:$0x4] =	wrdreg $0xC0  }
0xab: {  	_ =	task [dreg:s7], $0x5FFFF  }
0xac: {  	[dreg:$0x1] =	wrdreg $0xFFFFFFFF  }
0xad: {  	[dreg:$0x0] =	wrdreg $0x60  }
0xae: {  	[dreg:$0x2] =	wrdreg s24  }
0xaf: {  	[dreg:$0x3] =	wrdreg s2  }
0xb0: {  	[dreg:$0x4] =	wrdreg $0x50000  }
0xb1: {  	[dreg:$0x5] =	wrdreg $0x9  }
0xb2: {  	_ =	task.clear_ibuf [dreg:s7], $0x6FFFF;
	_ =	strace $0x9000004C  }
0xb3: {  	s29 =	simm.s32 $0x9;
	_ =	strace $0x8000004E  }
0xb4: {  	_ =	swait.ge [sflag:s29], $0x1  }
0xb5: {  	[sflag:s29] =	ssyncadd.s32 $0xFFFFFFFF  }
0xb6: {  	_ =	strace $0x9000004E  }
0xb7: {  	_ =	sfence  }
0xb8: {  	s30 =	sld [smem:$0x0];
	_ =	sdelay $0x2  }
0xb9: {  	s31 =	sshll.u32 s1, $0xD;
	s1 =	sshrl.u32 s1, $0x2  }
0xba: {  	s3 =	sand.u32 $0x4000, s31;
	s1 =	sadd.s32 s1, s30  }
0xbb: {  	s0 =	sor.u32 s3, s0;
	s1 =	sshll.u32 s1, $0x11  }
0xbc: {  	s0 =	sor.u32 s1, s0  }
0xbd: {  	s0 =	sadd.s32 $0x8F2B, s0  }
0xbe: {  	[sflag:s0] =	ssyncadd.remote.s32 $0x1  }
0xbf: {  	_ =	sfence.sel $0xFFFF  }
0xc0: {  	[dreg:$0x0] =	wrdreg $0xFFFFFFFF;
	(pc) =	sbr.abs _section_cstart, $3  }
0xc1: {  	[dreg:$0x1] =	wrdreg $0xFFFFFFFF  }
0xc2: {  	_ =	task.clear_ibuf [dreg:s7], $0x2FFFF;
	_ =	strace $0x9FFFFFFF  }
0xc3: {  	(tm) =	ssettm $0x7FFFFFFF  }
tec
execute0_lowered:
.L_overlay_start_1:
0x0: {  	(tag) =	ssettag $0x1  }
0x1: {  	s6 =	rddreg [dreg:$0x0]  }
0x2: {  	s2 =	rddreg [dreg:$0x2];
	s3 =	simm.s32 $0x0  }
0x3: {  	s4 =	srdreg.scid;
	s0 =	stileid.u32;
	s17 =	simm.s32 $0x1800  }
0x4: {  	s18 =	simm.s32 $0x2000;
	s19 =	simm.s32 $0x2800;
	s20 =	simm.s32 $0x3000  }
0x5: {  	s21 =	simm.s32 $0x3800;
	s22 =	simm.s32 $0x4000;
	[smem:$0x7FF] =	sst s3  }
0x6: {  	s7 =	sand.u32 $0x1, s4;
	s5 =	sadd.s32 $0x65200, s6;
	s9 =	smul.u32 $0x61A80, s0  }
0x7: {  	s10 =	sadd.s32 $0xC7000, s6;
	s12 =	sadd.s32 $0x3200, s6;
	s24 =	sshll.u32 s0, $0x6  }
0x8: {  	s25 =	sshll.u32 s0, $0x8;
	_ =	strace $0x8000004D;
	s8 =	sshll.u32 s7, $0x4  }
0x9: {  	s11 =	ssub.s32 $0x2, s7;
	s26 =	sshll.u32 s7, $0x7;
	s16 =	sadd.s32 s25, s10  }
0xa: {  	s30 =	sadd.s32 s25, s12;
	s8 =	sor.u32 s0, s8;
	s13 =	sshrl.u32 s11, $0x1  }
0xb: {  	s9 =	sshrl.u32 s9, $0x2;
	s15 =	sor.u32 s26, s25;
	s29 =	sadd.s32 s26, s16  }
0xc: {  	s31 =	sadd.s32 s26, s30;
	s16 =	simm.s32 $0x1000;
	s25 =	simm.s32 $0x3  }
0xd: {  	s26 =	simm.s32 $0x0;
	s8 =	smul.u32 $0x30D4, s8;
	s28 =	sadd.s32 s10, s15  }
0xe: {  	s11 =	ssub.s32 s11, s13;
	s10 =	sadd.s32 $0x1000, s29;
	[dreg:$0x6] =	wrdreg s28  }
0xf: {  	s23 =	sadd.s32 s9, s2;
	[dreg:$0x4] =	wrdreg s10;
	s10 =	smax.u32 s11, $0x1  }
0x10: {  	s11 =	sshrl.u32 s23, $0x3;
	s23 =	simm.s32 $0x4800;
	s14 =	sadd.s32 s8, s6  }
0x11: {  	s6 =	sor.u32 $0x1C04, s24;
	s8 =	sadd.s32 s12, s15;
	s12 =	sadd.s32 $0x1000, s31  }
0x12: {  	s15 =	simm.s32 $0x80;
	s24 =	simm.s32 $0x2;
	s9 =	sadd.s32 $0x129000, s14  }
0x13: {  	[dreg:$0x5] =	wrdreg s12;
	s12 =	simm.s32 $0x4;
	s14 =	simm.s32 $0x1  }
.LBB2_1:
0x14: {  	s0 =	rddreg [dreg:$0x1]  }
0x15: {  	[spmem:s11], [sflag:s6] =	dma.local [hbm:s0], $0x30D4  }
0x16: {  	_ =	swait.ge [sflag:s12], $0x30D4  }
0x17: {  	[sflag:s12] =	ssyncset.done $0x0  }
0x18: {  	[sflag:s12] =	ssyncadd.s32 $0xFFFFCF2C  }
0x19: {  	[bflag:$0x0] =	sbarrier.arrive $0xFFFF  }
0x1a: {  	s4 =	rddreg [dreg:$0x6]  }
0x1b: {  	[tilespmem:s3], [sflag:$0x1] =	stream.linear.gather [hbm4b:s4+s3], $0x400, $0x38;
	[tilespmem:$0x1D6A8] =	vst v63  }
0x1c: {  	s7 =	simm.s32 $0x800  }
0x1d: {  	[tilespmem:s7], [sflag:$0x1] =	stream.linear.gather [hbm4b:s8+s3], $0x400, $0x38;
	[tilespmem:$0x1D6A8] =	vst v63  }
0x1e: {  	_ =	swait.ge [sflag:s14], $0x400  }
0x1f: {  	[sflag:s14] =	ssyncset.done $0x0  }
0x20: {  	p0 =	por $0x0, $0x0;
	[sflag:s14] =	ssyncadd.s32 $0xFFFFFC00  }
0x21: {  	s28 =	sand.u32 @!p0 $0x400, s3;
	s0 =	simm.s32 @!p0 $0x0;
	_ =	swait.ge [sflag:s14], $0x400  }
0x22: {  	s31 =	sxor.u32 @!p0 $0x400, s28;
	s29 =	rddreg [dreg:$0x4];
	[sflag:s14] =	ssyncset.done $0x0  }
0x23: {  	s30 =	rddreg [dreg:$0x5];
	[sflag:s14] =	ssyncadd.s32 $0xFFFFFC00;
	s29 =	sadd.s32 @!p0 $0x0, s29  }
0x24: {  	[tilespmem:s31], [sflag:$0x1] =	stream.linear.gather @!p0 [hbm4b:s29+s0], $0x400, $0x38;
	[tilespmem:$0x1D6A8] =	vst v63  }
0x25: {  	s30 =	sadd.s32 @!p0 $0x0, s30;
	s29 =	sxor.u32 @!p0 $0xC00, s28  }
0x26: {  	[tilespmem:s29], [sflag:$0x1] =	stream.linear.gather @!p0 [hbm4b:s30+s0], $0x400, $0x38;
	[tilespmem:$0x1D6A8] =	vst v63  }
0x27: {  	s28 =	simm.s32 @p0 $0x400  }
0x28: {  	[tilespmem:s16], [sflag:$0x2] =	stream.indirect.gather [hbm4b:s5+s15], $0x10, s28, s15, $0xb8;
	[tilespmem:$0x1D6A8] =	vst v63  }
0x29: {  	s13 =	sor.u32 $0x80, s28  }
0x2a: {  	[tilespmem:s17], [sflag:$0x2] =	stream.indirect.gather [hbm4b:s5+s15], $0x10, s13, s15, $0xb8;
	[tilespmem:$0x1D6A8] =	vst v63  }
0x2b: {  	s30 =	sor.u32 $0x100, s28  }
0x2c: {  	[tilespmem:s18], [sflag:$0x2] =	stream.indirect.gather [hbm4b:s5+s15], $0x10, s30, s15, $0xb8;
	[tilespmem:$0x1D6A8] =	vst v63  }
0x2d: {  	s31 =	sor.u32 $0x180, s28  }
0x2e: {  	[tilespmem:s19], [sflag:$0x2] =	stream.indirect.gather [hbm4b:s5+s15], $0x10, s31, s15, $0xb8;
	[tilespmem:$0x1D6A8] =	vst v63  }
0x2f: {  	s1 =	sor.u32 $0x200, s28  }
0x30: {  	[tilespmem:s20], [sflag:$0x2] =	stream.indirect.gather [hbm4b:s5+s15], $0x10, s1, s15, $0xb8;
	[tilespmem:$0x1D6A8] =	vst v63  }
0x31: {  	s4 =	sor.u32 $0x280, s28  }
0x32: {  	[tilespmem:s21], [sflag:$0x2] =	stream.indirect.gather [hbm4b:s5+s15], $0x10, s4, s15, $0xb8;
	[tilespmem:$0x1D6A8] =	vst v63  }
0x33: {  	s7 =	sor.u32 $0x300, s28  }
0x34: {  	[tilespmem:s22], [sflag:$0x2] =	stream.indirect.gather [hbm4b:s5+s15], $0x10, s7, s15, $0xb8;
	[tilespmem:$0x1D6A8] =	vst v63  }
0x35: {  	s13 =	sor.u32 $0x380, s28  }
0x36: {  	[tilespmem:s23], [sflag:$0x2] =	stream.indirect.gather [hbm4b:s5+s15], $0x10, s13, s15, $0xb8;
	[tilespmem:$0x1D6A8] =	vst v63  }
0x37: {  	_ =	swait.ge [sflag:s24], $0x800  }
0x38: {  	[sflag:s24] =	ssyncset.done $0x0  }
0x39: {  	s30 =	sor.u32 $0x800, s28;
	[sflag:s24] =	ssyncadd.s32 $0xFFFFF800  }
0x3a: {  	[spmem:s2] =	stream.indirect.scatter.add.f32 [tilespmem:s16], [sflag:$0x3], $0x10, s30, s15, $0xb8;
	[tilespmem:$0x1D6A8] =	vst v63  }
0x3b: {  	_ =	swait.ge [sflag:s24], $0x800  }
0x3c: {  	[sflag:s24] =	ssyncset.done $0x0  }
0x3d: {  	s31 =	sor.u32 $0x880, s28;
	[sflag:s24] =	ssyncadd.s32 $0xFFFFF800  }
0x3e: {  	[spmem:s2] =	stream.indirect.scatter.add.f32 [tilespmem:s17], [sflag:$0x3], $0x10, s31, s15, $0xb8;
	[tilespmem:$0x1D6A8] =	vst v63  }
0x3f: {  	_ =	swait.ge [sflag:s24], $0x800  }
0x40: {  	[sflag:s24] =	ssyncset.done $0x0  }
0x41: {  	s1 =	sor.u32 $0x900, s28;
	[sflag:s24] =	ssyncadd.s32 $0xFFFFF800  }
0x42: {  	[spmem:s2] =	stream.indirect.scatter.add.f32 [tilespmem:s18], [sflag:$0x3], $0x10, s1, s15, $0xb8;
	[tilespmem:$0x1D6A8] =	vst v63  }
0x43: {  	_ =	swait.ge [sflag:s24], $0x800  }
0x44: {  	[sflag:s24] =	ssyncset.done $0x0  }
0x45: {  	s4 =	sor.u32 $0x980, s28;
	[sflag:s24] =	ssyncadd.s32 $0xFFFFF800  }
0x46: {  	[spmem:s2] =	stream.indirect.scatter.add.f32 [tilespmem:s19], [sflag:$0x3], $0x10, s4, s15, $0xb8;
	[tilespmem:$0x1D6A8] =	vst v63  }
0x47: {  	_ =	swait.ge [sflag:s24], $0x800  }
0x48: {  	[sflag:s24] =	ssyncset.done $0x0  }
0x49: {  	s7 =	sor.u32 $0xA00, s28;
	[sflag:s24] =	ssyncadd.s32 $0xFFFFF800  }
0x4a: {  	[spmem:s2] =	stream.indirect.scatter.add.f32 [tilespmem:s20], [sflag:$0x3], $0x10, s7, s15, $0xb8;
	[tilespmem:$0x1D6A8] =	vst v63  }
0x4b: {  	_ =	swait.ge [sflag:s24], $0x800  }
0x4c: {  	[sflag:s24] =	ssyncset.done $0x0  }
0x4d: {  	s13 =	sor.u32 $0xA80, s28;
	[sflag:s24] =	ssyncadd.s32 $0xFFFFF800  }
0x4e: {  	[spmem:s2] =	stream.indirect.scatter.add.f32 [tilespmem:s21], [sflag:$0x3], $0x10, s13, s15, $0xb8;
	[tilespmem:$0x1D6A8] =	vst v63  }
0x4f: {  	_ =	swait.ge [sflag:s24], $0x800  }
0x50: {  	[sflag:s24] =	ssyncset.done $0x0  }
0x51: {  	s30 =	sor.u32 $0xB00, s28;
	[sflag:s24] =	ssyncadd.s32 $0xFFFFF800  }
0x52: {  	[spmem:s2] =	stream.indirect.scatter.add.f32 [tilespmem:s22], [sflag:$0x3], $0x10, s30, s15, $0xb8;
	[tilespmem:$0x1D6A8] =	vst v63  }
0x53: {  	_ =	swait.ge [sflag:s24], $0x800  }
0x54: {  	[sflag:s24] =	ssyncset.done $0x0  }
0x55: {  	s31 =	sor.u32 $0xB80, s28;
	[sflag:s24] =	ssyncadd.s32 $0xFFFFF800  }
0x56: {  	[spmem:s2] =	stream.indirect.scatter.add.f32 [tilespmem:s23], [sflag:$0x3], $0x10, s31, s15, $0xb8;
	[tilespmem:$0x1D6A8] =	vst v63  }
0x57: {  	_ =	swait.ge [sflag:s25], $0x800  }
0x58: {  	[sflag:s25] =	ssyncset.done $0x0  }
0x59: {  	[sflag:s25] =	ssyncadd.s32 $0xFFFFF800  }
0x5a: {  	_ =	swait.ge [sflag:s25], $0x800  }
0x5b: {  	[sflag:s25] =	ssyncset.done $0x0  }
0x5c: {  	[sflag:s25] =	ssyncadd.s32 $0xFFFFF800  }
0x5d: {  	_ =	swait.ge [sflag:s25], $0x800  }
0x5e: {  	[sflag:s25] =	ssyncset.done $0x0  }
0x5f: {  	[sflag:s25] =	ssyncadd.s32 $0xFFFFF800  }
0x60: {  	_ =	swait.ge [sflag:s25], $0x800  }
0x61: {  	[sflag:s25] =	ssyncset.done $0x0  }
0x62: {  	[sflag:s25] =	ssyncadd.s32 $0xFFFFF800  }
0x63: {  	_ =	swait.ge [sflag:s25], $0x800  }
0x64: {  	[sflag:s25] =	ssyncset.done $0x0  }
0x65: {  	[sflag:s25] =	ssyncadd.s32 $0xFFFFF800  }
0x66: {  	_ =	swait.ge [sflag:s25], $0x800  }
0x67: {  	[sflag:s25] =	ssyncset.done $0x0  }
0x68: {  	[sflag:s25] =	ssyncadd.s32 $0xFFFFF800  }
0x69: {  	_ =	swait.ge [sflag:s25], $0x800  }
0x6a: {  	[sflag:s25] =	ssyncset.done $0x0  }
0x6b: {  	[sflag:s25] =	ssyncadd.s32 $0xFFFFF800  }
0x6c: {  	s29 =	simm.s32 $0x0;
	s28 =	simm.s32 $0x1000;
	_ =	swait.ge [sflag:s25], $0x800  }
.LBB2_2:
0x6d: {  	[sflag:s25] =	ssyncset.done $0x0  }
0x6e: {  	[sflag:s25] =	ssyncadd.s32 $0xFFFFF800  }
0x6f: {  	_ =	swait.ge [sflag:s14], $0x400  }
0x70: {  	s0 =	smov.u32 s28;
	[sflag:s14] =	ssyncset.done $0x0  }
0x71: {  	s29 =	sadd.s32 $0x400, s29;
	p1 =	seq.s32 s0, $0x61000;
	[sflag:s14] =	ssyncadd.s32 $0xFFFFFC00  }
0x72: {  	s30 =	sand.u32 @!p1 $0x400, s29;
	s7 =	simm.s32 @!p1 $0x0;
	_ =	swait.ge [sflag:s14], $0x400  }
0x73: {  	s1 =	sxor.u32 @!p1 $0x400, s30;
	s31 =	rddreg [dreg:$0x4];
	[sflag:s14] =	ssyncset.done $0x0  }
0x74: {  	s4 =	rddreg [dreg:$0x5];
	[sflag:s14] =	ssyncadd.s32 $0xFFFFFC00;
	s31 =	sadd.s32 @!p1 s0, s31  }
0x75: {  	[tilespmem:s1], [sflag:$0x1] =	stream.linear.gather @!p1 [hbm4b:s31+s7], $0x400, $0x38;
	[tilespmem:$0x1D6A8] =	vst v63  }
0x76: {  	s13 =	sxor.u32 @!p1 $0xC00, s30;
	s0 =	sadd.s32 @!p1 s0, s4  }
0x77: {  	[tilespmem:s13], [sflag:$0x1] =	stream.linear.gather @!p1 [hbm4b:s0+s7], $0x400, $0x38;
	[tilespmem:$0x1D6A8] =	vst v63  }
0x78: {  	s30 =	simm.s32 @p1 $0x400  }
0x79: {  	[tilespmem:s16], [sflag:$0x2] =	stream.indirect.gather [hbm4b:s5+s15], $0x10, s30, s15, $0xb8;
	[tilespmem:$0x1D6A8] =	vst v63  }
0x7a: {  	s13 =	sor.u32 $0x80, s30  }
0x7b: {  	[tilespmem:s17], [sflag:$0x2] =	stream.indirect.gather [hbm4b:s5+s15], $0x10, s13, s15, $0xb8;
	[tilespmem:$0x1D6A8] =	vst v63  }
0x7c: {  	s31 =	sor.u32 $0x100, s30  }
0x7d: {  	[tilespmem:s18], [sflag:$0x2] =	stream.indirect.gather [hbm4b:s5+s15], $0x10, s31, s15, $0xb8;
	[tilespmem:$0x1D6A8] =	vst v63  }
0x7e: {  	s4 =	sor.u32 $0x180, s30  }
0x7f: {  	[tilespmem:s19], [sflag:$0x2] =	stream.indirect.gather [hbm4b:s5+s15], $0x10, s4, s15, $0xb8;
	[tilespmem:$0x1D6A8] =	vst v63  }
0x80: {  	s7 =	sor.u32 $0x200, s30  }
0x81: {  	[tilespmem:s20], [sflag:$0x2] =	stream.indirect.gather [hbm4b:s5+s15], $0x10, s7, s15, $0xb8;
	[tilespmem:$0x1D6A8] =	vst v63  }
0x82: {  	s13 =	sor.u32 $0x280, s30  }
0x83: {  	[tilespmem:s21], [sflag:$0x2] =	stream.indirect.gather [hbm4b:s5+s15], $0x10, s13, s15, $0xb8;
	[tilespmem:$0x1D6A8] =	vst v63  }
0x84: {  	s31 =	sor.u32 $0x300, s30  }
0x85: {  	[tilespmem:s22], [sflag:$0x2] =	stream.indirect.gather [hbm4b:s5+s15], $0x10, s31, s15, $0xb8;
	[tilespmem:$0x1D6A8] =	vst v63  }
0x86: {  	s4 =	sor.u32 $0x380, s30  }
0x87: {  	[tilespmem:s23], [sflag:$0x2] =	stream.indirect.gather [hbm4b:s5+s15], $0x10, s4, s15, $0xb8;
	[tilespmem:$0x1D6A8] =	vst v63  }
0x88: {  	_ =	swait.ge [sflag:s24], $0x800  }
0x89: {  	[sflag:s24] =	ssyncset.done $0x0  }
0x8a: {  	s7 =	sor.u32 $0x800, s30;
	[sflag:s24] =	ssyncadd.s32 $0xFFFFF800  }
0x8b: {  	[spmem:s2] =	stream.indirect.scatter.add.f32 [tilespmem:s16], [sflag:$0x3], $0x10, s7, s15, $0xb8;
	[tilespmem:$0x1D6A8] =	vst v63  }
0x8c: {  	_ =	swait.ge [sflag:s24], $0x800  }
0x8d: {  	[sflag:s24] =	ssyncset.done $0x0  }
0x8e: {  	s13 =	sor.u32 $0x880, s30;
	[sflag:s24] =	ssyncadd.s32 $0xFFFFF800  }
0x8f: {  	[spmem:s2] =	stream.indirect.scatter.add.f32 [tilespmem:s17], [sflag:$0x3], $0x10, s13, s15, $0xb8;
	[tilespmem:$0x1D6A8] =	vst v63  }
0x90: {  	_ =	swait.ge [sflag:s24], $0x800  }
0x91: {  	[sflag:s24] =	ssyncset.done $0x0  }
0x92: {  	s31 =	sor.u32 $0x900, s30;
	[sflag:s24] =	ssyncadd.s32 $0xFFFFF800  }
0x93: {  	[spmem:s2] =	stream.indirect.scatter.add.f32 [tilespmem:s18], [sflag:$0x3], $0x10, s31, s15, $0xb8;
	[tilespmem:$0x1D6A8] =	vst v63  }
0x94: {  	_ =	swait.ge [sflag:s24], $0x800  }
0x95: {  	[sflag:s24] =	ssyncset.done $0x0  }
0x96: {  	s1 =	sor.u32 $0x980, s30;
	[sflag:s24] =	ssyncadd.s32 $0xFFFFF800  }
0x97: {  	[spmem:s2] =	stream.indirect.scatter.add.f32 [tilespmem:s19], [sflag:$0x3], $0x10, s1, s15, $0xb8;
	[tilespmem:$0x1D6A8] =	vst v63  }
0x98: {  	_ =	swait.ge [sflag:s24], $0x800  }
0x99: {  	[sflag:s24] =	ssyncset.done $0x0  }
0x9a: {  	s4 =	sor.u32 $0xA00, s30;
	[sflag:s24] =	ssyncadd.s32 $0xFFFFF800  }
0x9b: {  	[spmem:s2] =	stream.indirect.scatter.add.f32 [tilespmem:s20], [sflag:$0x3], $0x10, s4, s15, $0xb8;
	[tilespmem:$0x1D6A8] =	vst v63  }
0x9c: {  	_ =	swait.ge [sflag:s24], $0x800  }
0x9d: {  	[sflag:s24] =	ssyncset.done $0x0  }
0x9e: {  	s7 =	sor.u32 $0xA80, s30;
	[sflag:s24] =	ssyncadd.s32 $0xFFFFF800  }
0x9f: {  	[spmem:s2] =	stream.indirect.scatter.add.f32 [tilespmem:s21], [sflag:$0x3], $0x10, s7, s15, $0xb8;
	[tilespmem:$0x1D6A8] =	vst v63  }
0xa0: {  	_ =	swait.ge [sflag:s24], $0x800  }
0xa1: {  	[sflag:s24] =	ssyncset.done $0x0  }
0xa2: {  	s13 =	sor.u32 $0xB00, s30;
	[sflag:s24] =	ssyncadd.s32 $0xFFFFF800  }
0xa3: {  	[spmem:s2] =	stream.indirect.scatter.add.f32 [tilespmem:s22], [sflag:$0x3], $0x10, s13, s15, $0xb8;
	[tilespmem:$0x1D6A8] =	vst v63  }
0xa4: {  	_ =	swait.ge [sflag:s24], $0x800  }
0xa5: {  	[sflag:s24] =	ssyncset.done $0x0  }
0xa6: {  	s31 =	sor.u32 $0xB80, s30;
	[sflag:s24] =	ssyncadd.s32 $0xFFFFF800  }
0xa7: {  	[spmem:s2] =	stream.indirect.scatter.add.f32 [tilespmem:s23], [sflag:$0x3], $0x10, s31, s15, $0xb8;
	[tilespmem:$0x1D6A8] =	vst v63  }
0xa8: {  	_ =	swait.ge [sflag:s25], $0x800  }
0xa9: {  	[sflag:s25] =	ssyncset.done $0x0  }
0xaa: {  	[sflag:s25] =	ssyncadd.s32 $0xFFFFF800  }
0xab: {  	_ =	swait.ge [sflag:s25], $0x800  }
0xac: {  	[sflag:s25] =	ssyncset.done $0x0  }
0xad: {  	[sflag:s25] =	ssyncadd.s32 $0xFFFFF800  }
0xae: {  	_ =	swait.ge [sflag:s25], $0x800  }
0xaf: {  	[sflag:s25] =	ssyncset.done $0x0  }
0xb0: {  	[sflag:s25] =	ssyncadd.s32 $0xFFFFF800  }
0xb1: {  	_ =	swait.ge [sflag:s25], $0x800  }
0xb2: {  	[sflag:s25] =	ssyncset.done $0x0  }
0xb3: {  	[sflag:s25] =	ssyncadd.s32 $0xFFFFF800  }
0xb4: {  	_ =	swait.ge [sflag:s25], $0x800  }
0xb5: {  	[sflag:s25] =	ssyncset.done $0x0  }
0xb6: {  	[sflag:s25] =	ssyncadd.s32 $0xFFFFF800  }
0xb7: {  	s28 =	sadd.s32 $0x1000, s28;
	_ =	swait.ge [sflag:s25], $0x800  }
0xb8: {  	p0 =	sne.s32 s28, $0x62000;
	[sflag:s25] =	ssyncset.done $0x0  }
.Ltmp0:
0xb9: {  	[sflag:s25] =	ssyncadd.s32 $0xFFFFF800;
	(pc) =	sbr.rel @p0 .LBB2_2-.Ltmp0, $4  }
0xba: {  	_ =	swait.ge [sflag:s25], $0x800  }
0xbb: {  	[sflag:s25] =	ssyncset.done $0x0  }
0xbc: {  	[sflag:s25] =	ssyncadd.s32 $0xFFFFF800  }
0xbd: {  	_ =	swait.ge [sflag:s25], $0x800  }
0xbe: {  	[sflag:s25] =	ssyncset.done $0x0;
	s26 =	sadd.s32 $0x1, s26  }
0xbf: {  	[sflag:s25] =	ssyncadd.s32 $0xFFFFF800;
	p0 =	sne.s32 s26, s10  }
.Ltmp1:
0xc0: {  	[bflag:$0x0] =	sbarrier.arrive $0xFFFF;
	(pc) =	sbr.rel @p0 .LBB2_1-.Ltmp1, $4  }
0xc1: {  	[hbm:s9], [sflag:s6] =	dma.local [spmem:s11], $0x30D4  }
0xc2: {  	_ =	swait.ge [sflag:s12], $0x30D4  }
0xc3: {  	[sflag:s12] =	ssyncset.done $0x0  }
0xc4: {  	[sflag:s12] =	ssyncadd.s32 $0xFFFFCF2C  }
0xc5: {  	_ =	sfence.sel $0x180000  }
0xc6: {  	[bflag:$0x0] =	sbarrier.arrive $0xFFFF  }
0xc7: {  	_ =	strace $0x9000004D  }
0xc8: {  	s0 =	stileid.u32;
	[bflag:$0x2] =	sbarrier.arrive $0xFFFF  }
0xc9: {  	p0 =	sne.s32 s0, $0x0;
	s0 =	rddreg [dreg:$0x3]  }
0xca: {  	s0 =	sadd.s32 @!p0 $0x100000, s0  }
0xcb: {  	[sflag:s0] =	ssyncadd.tile.s32 @!p0 $0x1;
	_ =	shalt  }
.Lfunc_end2:
_tile_overlayer_lowered:
.L_overlay_start_2:
0xcc: {  	(tag) =	ssettag $0x2  }
0xcd: {  	s0 =	rddreg [dreg:$0x0];
	s2 =	stileid.u32  }
0xce: {  	s1 =	rddreg [dreg:$0x1];
	p0 =	sne.s32 s2, $0x0  }
0xcf: {  	s3 =	rddreg [dreg:$0x2];
	[bflag:$0x3] =	sbarrier.arrive $0xFFFF;
	s2 =	simm.s32 @!p0 $0x1C04  }
0xd0: {  	[timem:s3], [sflag:s2] =	dma.local @!p0 [hbm:s0], s1  }
0xd1: {  	s0 =	simm.s32 @!p0 $0x4  }
0xd2: {  	_ =	swait.ge @!p0 [sflag:s0], s1  }
0xd3: {  	s1 =	ssub.s32 @!p0 $0x0, s1;
	[sflag:s0] =	ssyncset.done @!p0 $0x0  }
0xd4: {  	[sflag:s0] =	ssyncadd.s32 @!p0 s1  }
0xd5: {  	[bflag:$0x3] =	sbarrier.arrive $0xFFFF  }
0xd6: {  	_ =	shalt  }

// kernel: kernel.8.cloned.1.call-start
scs
__scs_entry_jumppad:
0x0: {  	(pc) =	sbr.rel $0x88, $3  }
0x1: {  	(tag) =	ssettag $0x0;
	lr =	simm.s32 $0x1  }
0x2: {  	[smem:$0x3F9B] =	sst lr;
	_ =	strace $0xD0000000  }
0x3: {  	_ = 	snop  }
0x4: {  	_ = 	snop  }
0x5: {  	_ = 	snop  }
0x6: {  	_ = 	snop  }
0x7: {  	_ = 	snop  }
__scs_overlays_trampoline_lowered:
0x8: {  	[smem:$0x3FAA] =	sst s0  }
0x9: {  	[smem:$0x3FAB] =	sst s1  }
0xa: {  	[smem:$0x3FAC] =	sst s2  }
0xb: {  	[smem:$0x3FAD] =	sst s3  }
0xc: {  	[smem:$0x3FAE] =	sst s4  }
0xd: {  	[smem:$0x3FAF] =	sst s5  }
0xe: {  	[smem:$0x3FB0] =	sst s6  }
0xf: {  	[smem:$0x3FB1] =	sst s7  }
0x10: {  	[smem:$0x3FB2] =	sst s8  }
0x11: {  	[smem:$0x3FB3] =	sst s9;
	s0 =	simm.s32 @!p0 $0x0  }
0x12: {  	s1 =	sld [smem:$0x3F99];
	s0 =	simm.s32 @p0 $0x1  }
0x13: {  	[smem:$0x3FB4] =	sst s0;
	s0 =	simm.s32 @!p1 $0x0  }
0x14: {  	s2 =	sld [smem:$0x3F98];
	s0 =	simm.s32 @p1 $0x1  }
0x15: {  	[smem:$0x3FB5] =	sst s0;
	s0 =	simm.s32 @!p2 $0x0  }
0x16: {  	s3 =	sld [smem:$0x3FDB];
	s0 =	simm.s32 @p2 $0x1  }
0x17: {  	s4 =	simm.s32 $0x1BF5;
	[smem:$0x3FB7] =	sst s0  }
0x18: {  	s0 =	sld [smem:$0x3F9A];
	_ =	swait.ge [sflag:s4], $0x0  }
0x19: {  	s7 =	sld [smem:$0x3F9B]  }
0x1a: {  	s8 =	sadd.s32 $0xFFFFE003, lr  }
0x1b: {  	s9 =	sadd.s32 $0xFFFFFEF7, lr;
	s5 =	simm.s32 $0xFFFFFFFF;
	p2 =	slt.u32 s8, $0xFFFFF086  }
0x1c: {  	p1 =	slt.u32 s9, $0xF7A;
	s5 =	simm.s32 @!p2 $0x0  }
0x1d: {  	s5 =	simm.s32 @p1 $0x1;
	p0 =	seq.s32 s7, s2  }
0x1e: {  	s7 =	smul.u32 @!p0 $0xF7A, s2;
	p2 =	seq.s32 @!p0 s5, $0x0  }
0x1f: {  	s9 =	smul.u32 $0xF7A, s1;
	s8 =	simm.s32 @!p0 $0x1BF5;
	p2 =	por !p2, p0  }
0x20: {  	[sflag:s8] =	ssyncset.s32 @!p0 $0xFFFFF086;
	s6 =	sadd.s32 @!p0 s3, s7;
	s7 =	simm.s32 @!p0 $0x108  }
0x21: {  	s3 =	sadd.s32 s3, s9;
	s6 =	sadd.s32 @!p0 $0x88, s6;
	s7 =	simm.s32 @p2 $0x1082  }
0x22: {  	[simem:s7], [sflag:s8] =	dma.local @!p0 [hbm:s6], $0xF7A  }
0x23: {  	s9 =	sor.u32 $0xD0000000, s2;
	s6 =	simm.s32 $0x108;
	_ =	swait.ge @!p0 [sflag:s8], $0x0  }
0x24: {  	s3 =	sadd.s32 $0x88, s3;
	s6 =	simm.s32 @!p1 $0x1082;
	[sflag:s4] =	ssyncset.s32 $0xFFFFF086  }
0x25: {  	[simem:s6], [sflag:s4] =	dma.local [hbm:s3], $0xF7A  }
0x26: {  	[smem:$0x3F9B] =	sst s1;
	(tag) =	ssettag s2;
	_ =	strace s9  }
0x27: {  	s1 =	sld [smem:$0x3FAB]  }
0x28: {  	s2 =	sld [smem:$0x3FAC]  }
0x29: {  	s4 =	sld [smem:$0x3FAE]  }
0x2a: {  	p0 =	seq.s32 s5, $0x0;
	s5 =	sld [smem:$0x3FAF]  }
0x2b: {  	s6 =	sld [smem:$0x3FB0]  }
0x2c: {  	s7 =	sld [smem:$0x3FB1]  }
0x2d: {  	s3 =	simm.s32 $0x108;
	s8 =	sld [smem:$0x3FB2]  }
0x2e: {  	s3 =	simm.s32 @!p0 $0x1082;
	s9 =	sld [smem:$0x3FB3]  }
0x2f: {  	lr =	sadd.s32 s0, s3;
	s0 =	sld [smem:$0x3FAA]  }
0x30: {  	s3 =	sld [smem:$0x3FAD]  }
0x31: {  	[smem:$0x3FB6] =	sst s10  }
0x32: {  	s10 =	sld [smem:$0x3FB4];
	_ =	sdelay $0x3  }
0x33: {  	p0 =	seq.s32 s10, $0x1;
	s10 =	sld [smem:$0x3FB6];
	_ =	sdelay $0x3  }
0x34: {  	[smem:$0x3FB6] =	sst s10  }
0x35: {  	s10 =	sld [smem:$0x3FB5];
	_ =	sdelay $0x3  }
0x36: {  	p1 =	seq.s32 s10, $0x1;
	s10 =	sld [smem:$0x3FB6];
	_ =	sdelay $0x3  }
0x37: {  	[smem:$0x3FB6] =	sst s10  }
0x38: {  	s10 =	sld [smem:$0x3FB7]  }
0x39: {  	_ = 	snop;
	(pc) =	sbr.ind lr, $3  }
0x3a: {  	_ = 	snop  }
0x3b: {  	_ = 	snop  }
0x3c: {  	p2 =	seq.s32 s10, $0x1;
	s10 =	sld [smem:$0x3FB6]  }
0x3d: {  	_ =	shalt  }
0x3e: {  	_ =	shalt  }
0x3f: {  	_ =	shalt  }
0x40: {  	_ =	shalt  }
0x41: {  	_ =	shalt  }
0x42: {  	_ =	shalt  }
0x43: {  	_ =	shalt  }
0x44: {  	_ =	shalt  }
0x45: {  	_ =	shalt  }
0x46: {  	_ =	shalt  }
0x47: {  	_ =	shalt  }
0x48: {  	_ =	shalt  }
0x49: {  	_ =	shalt  }
0x4a: {  	_ =	shalt  }
0x4b: {  	_ =	shalt  }
0x4c: {  	_ =	shalt  }
0x4d: {  	_ =	shalt  }
0x4e: {  	_ =	shalt  }
0x4f: {  	_ =	shalt  }
0x50: {  	_ =	shalt  }
0x51: {  	_ =	shalt  }
0x52: {  	_ =	shalt  }
0x53: {  	_ =	shalt  }
0x54: {  	_ =	shalt  }
0x55: {  	_ =	shalt  }
0x56: {  	_ =	shalt  }
0x57: {  	_ =	shalt  }
0x58: {  	_ =	shalt  }
0x59: {  	_ =	shalt  }
0x5a: {  	_ =	shalt  }
0x5b: {  	_ =	shalt  }
0x5c: {  	_ =	shalt  }
0x5d: {  	_ =	shalt  }
0x5e: {  	_ =	shalt  }
0x5f: {  	_ =	shalt  }
0x60: {  	_ =	shalt  }
0x61: {  	_ =	shalt  }
0x62: {  	_ =	shalt  }
0x63: {  	_ =	shalt  }
0x64: {  	_ =	shalt  }
0x65: {  	_ =	shalt  }
0x66: {  	_ =	shalt  }
0x67: {  	_ =	shalt  }
0x68: {  	_ =	shalt  }
0x69: {  	_ =	shalt  }
0x6a: {  	_ =	shalt  }
0x6b: {  	_ =	shalt  }
0x6c: {  	_ =	shalt  }
0x6d: {  	_ =	shalt  }
0x6e: {  	_ =	shalt  }
0x6f: {  	_ =	shalt  }
0x70: {  	_ =	shalt  }
0x71: {  	_ =	shalt  }
0x72: {  	_ =	shalt  }
0x73: {  	_ =	shalt  }
0x74: {  	_ =	shalt  }
0x75: {  	_ =	shalt  }
0x76: {  	_ =	shalt  }
0x77: {  	_ =	shalt  }
0x78: {  	_ =	shalt  }
0x79: {  	_ =	shalt  }
0x7a: {  	_ =	shalt  }
0x7b: {  	_ =	shalt  }
0x7c: {  	_ =	shalt  }
0x7d: {  	_ =	shalt  }
0x7e: {  	_ =	shalt  }
0x7f: {  	_ =	shalt  }
0x80: {  	_ =	shalt  }
0x81: {  	_ =	shalt  }
0x82: {  	_ =	shalt  }
0x83: {  	_ =	shalt  }
0x84: {  	_ =	shalt  }
0x85: {  	_ =	shalt  }
0x86: {  	_ =	shalt  }
0x87: {  	_ =	shalt  }
.Lfunc_end0:
.L_simem_size_0:
called_computation_lowered:
.L_overlay_start_0:
0x88: {  	s2 =	sld [smem:$0x3FD9]  }
0x89: {  	s3 =	sld [smem:$0x3FFE];
	_ =	sdelay $0x1  }
0x8a: {  	s1 =	srdreg.scid  }
0x8b: {  	s0 =	sand.u32 $0x1, s1  }
0x8c: {  	s17 =	sshll.u32 s0, $0xA;
	s2 =	sadd.s32 s3, s2  }
0x8d: {  	s2 =	sadd.s32 s2, s17  }
0x8e: {  	[smem:$0x3FC2] =	sst s2  }
0x8f: {  	_ = 	snop  }
0x90: {  	s2 =	sld [smem:$0x3FD0];
	(tm) =	ssettm $0x1  }
0x91: {  	s18 =	sld [smem:$0x3FFB];
	_ =	sdelay $0x3  }
0x92: {  	_ =	strace s18  }
0x93: {  	s3 =	sld [smem:$0x3FFC];
	_ =	sdelay $0x3  }
0x94: {  	_ =	strace s3  }
0x95: {  	s3 =	sld [smem:$0x3FFD];
	_ =	sdelay $0x3  }
0x96: {  	_ =	strace s3  }
0x97: {  	_ =	strace $0x8FFFFFFF  }
0x98: {  	s19 =	sld [smem:$0x3FDB];
	_ =	sdelay $0x1  }
0x99: {  	s4 =	simm.s32 $_scs_section_size  }
0x9a: {  	s5 =	simm.s32 $_size__tile_overlayer_lowered;
	s6 =	simm.s32 $_tile_overlayer_lowered  }
0x9b: {  	s22 =	simm.s32 $0x1BFF;
	s21 =	sshll.u32 s6, $0x1;
	s3 =	sadd.s32 s4, s19  }
0x9c: {  	s7 =	simm.s32 $0x0;
	s20 =	sshll.u32 s5, $0x1;
	s5 =	sadd.s32 s21, s3  }
0x9d: {  	[timem:s7], [sflag:s22] =	dma.local [hbm:s5], s20  }
0x9e: {  	_ =	swait.ge [sflag:s22], s20  }
0x9f: {  	s4 =	ssub.s32 $0x0, s20;
	[sflag:s22] =	ssyncset.done $0x0  }
0xa0: {  	[sflag:s22] =	ssyncadd.s32 s4;
	_ =	sdelay $0x1  }
0xa1: {  	s23 =	simm.s32 $0x1B8B  }
0xa2: {  	_ =	swait.ge [sflag:s23], $0x1  }
0xa3: {  	[sflag:s23] =	ssyncset.done $0x0  }
0xa4: {  	s25 =	simm.s32 $0x1B8E;
	s24 =	sld [smem:$0x3FFE];
	[sflag:s23] =	ssyncadd.s32 $0xFFFFFFFF  }
0xa5: {  	s26 =	simm.s32 $execute0_lowered;
	[smem:$0x3FD2] =	sst s25  }
0xa6: {  	s5 =	sshll.u32 s26, $0x1;
	_ =	strace $0x80000046;
	[dreg:$0x1] =	wrdreg $0xFFFFFFFF  }
0xa7: {  	s28 =	simm.s32 $_size_execute0_lowered;
	s3 =	sadd.s32 s3, s5;
	[dreg:$0x0] =	wrdreg $0x0  }
0xa8: {  	s5 =	sshll.u32 s28, $0x1;
	[dreg:$0x2] =	wrdreg s3  }
0xa9: {  	[dreg:$0x3] =	wrdreg s5  }
0xaa: {  	[dreg:$0x4] =	wrdreg $0xC0  }
0xab: {  	_ =	task [dreg:s7], $0x5FFFF  }
0xac: {  	[dreg:$0x1] =	wrdreg $0xFFFFFFFF  }
0xad: {  	[dreg:$0x0] =	wrdreg $0x60  }
0xae: {  	[dreg:$0x2] =	wrdreg s24  }
0xaf: {  	[dreg:$0x3] =	wrdreg s2  }
0xb0: {  	[dreg:$0x4] =	wrdreg $0x10000  }
0xb1: {  	[dreg:$0x5] =	wrdreg $0x9  }
0xb2: {  	_ =	task.clear_ibuf [dreg:s7], $0x6FFFF;
	_ =	strace $0x90000046  }
0xb3: {  	s29 =	simm.s32 $0x9;
	_ =	strace $0x80000048  }
0xb4: {  	_ =	swait.ge [sflag:s29], $0x1  }
0xb5: {  	[sflag:s29] =	ssyncadd.s32 $0xFFFFFFFF  }
0xb6: {  	_ =	strace $0x90000048  }
0xb7: {  	_ =	sfence  }
0xb8: {  	s30 =	sld [smem:$0x0];
	_ =	sdelay $0x2  }
0xb9: {  	s31 =	sshll.u32 s1, $0xD;
	s1 =	sshrl.u32 s1, $0x2  }
0xba: {  	s3 =	sand.u32 $0x4000, s31;
	s1 =	sadd.s32 s1, s30  }
0xbb: {  	s0 =	sor.u32 s3, s0;
	s1 =	sshll.u32 s1, $0x11  }
0xbc: {  	s0 =	sor.u32 s1, s0  }
0xbd: {  	s0 =	sadd.s32 $0x8F2B, s0  }
0xbe: {  	[sflag:s0] =	ssyncadd.remote.s32 $0x1  }
0xbf: {  	_ =	sfence.sel $0xFFFF  }
0xc0: {  	[dreg:$0x0] =	wrdreg $0xFFFFFFFF;
	(pc) =	sbr.abs _section_cstart, $3  }
0xc1: {  	[dreg:$0x1] =	wrdreg $0xFFFFFFFF  }
0xc2: {  	_ =	task.clear_ibuf [dreg:s7], $0x2FFFF;
	_ =	strace $0x9FFFFFFF  }
0xc3: {  	(tm) =	ssettm $0x7FFFFFFF  }
tec
execute0_lowered:
.L_overlay_start_1:
0x0: {  	(tag) =	ssettag $0x1  }
0x1: {  	s6 =	rddreg [dreg:$0x0]  }
0x2: {  	s0 =	srdreg.scid;
	s2 =	rddreg [dreg:$0x1]  }
0x3: {  	s3 =	rddreg [dreg:$0x2];
	s1 =	stileid.u32;
	s4 =	simm.s32 $0x0  }
0x4: {  	s15 =	simm.s32 $0x80;
	s16 =	simm.s32 $0x2;
	s17 =	simm.s32 $0x400  }
0x5: {  	s18 =	simm.s32 $0x480;
	s19 =	simm.s32 $0x500;
	s20 =	simm.s32 $0x580  }
0x6: {  	s21 =	simm.s32 $0x600;
	s22 =	simm.s32 $0x680;
	s23 =	simm.s32 $0x700  }
0x7: {  	s24 =	simm.s32 $0x780;
	s7 =	sand.u32 $0x1, s0;
	s0 =	rddreg [dreg:$0x3]  }
0x8: {  	s25 =	simm.s32 $0x0;
	[smem:$0x7FF] =	sst s4;
	s9 =	sadd.s32 $0x3200, s6  }
0x9: {  	s10 =	smul.u32 $0x61A80, s1;
	s12 =	sshll.u32 s1, $0x8;
	s31 =	sshll.u32 s1, $0x6  }
0xa: {  	s5 =	sshll.u32 s7, $0x4;
	_ =	strace $0x80000047;
	s29 =	ssub.s32 $0x2, s7  }
0xb: {  	s13 =	sshll.u32 s7, $0x7;
	s5 =	sor.u32 s1, s5;
	s11 =	sshrl.u32 s29, $0x1  }
0xc: {  	s30 =	sshrl.u32 s10, $0x2;
	s7 =	sor.u32 s13, s12;
	s8 =	smul.u32 $0x30D4, s5  }
0xd: {  	s10 =	simm.s32 $0x800;
	s5 =	sadd.s32 $0x65200, s6;
	s11 =	ssub.s32 s29, s11  }
0xe: {  	s14 =	sadd.s32 s30, s3;
	s8 =	sadd.s32 s8, s6;
	s6 =	sadd.s32 s9, s7  }
0xf: {  	s9 =	sadd.s32 s12, s9;
	s12 =	sor.u32 $0x1C03, s31;
	s7 =	sadd.s32 $0x65400, s8  }
0x10: {  	s8 =	smax.u32 s11, $0x1;
	s9 =	sadd.s32 s13, s9;
	s11 =	simm.s32 $0x3  }
0x11: {  	s13 =	sshrl.u32 s14, $0x3;
	s14 =	simm.s32 $0x1;
	s9 =	sadd.s32 $0x1000, s9  }
.LBB2_1:
0x12: {  	[tilespmem:s10], [sflag:$0x3] =	stream.linear.gather [hbm4b:s5+s4], $0x800, $0x38;
	[tilespmem:$0x196A8] =	vst v63  }
0x13: {  	_ =	swait.ge [sflag:s11], $0x800  }
0x14: {  	[sflag:s11] =	ssyncset.done $0x0  }
0x15: {  	[sflag:s11] =	ssyncadd.s32 $0xFFFFF800  }
0x16: {  	[spmem:s13], [sflag:s12] =	dma.local [hbm:s2], $0x30D4  }
0x17: {  	_ =	swait.ge [sflag:s11], $0x30D4  }
0x18: {  	[sflag:s11] =	ssyncset.done $0x0  }
0x19: {  	[sflag:s11] =	ssyncadd.s32 $0xFFFFCF2C  }
0x1a: {  	[bflag:$0x0] =	sbarrier.arrive $0xFFFF  }
0x1b: {  	[tilespmem:s4], [sflag:$0x1] =	stream.linear.gather [hbm4b:s6+s4], $0x400, $0x38;
	[tilespmem:$0x196A8] =	vst v63  }
0x1c: {  	s26 =	simm.s32 $0x0;
	_ =	swait.ge [sflag:s14], $0x400  }
0x1d: {  	s26 =	sand.u32 $0x400, s26;
	[sflag:s14] =	ssyncset.done $0x0  }
0x1e: {  	s28 =	sxor.u32 $0x400, s26;
	[sflag:s14] =	ssyncadd.s32 $0xFFFFFC00  }
0x1f: {  	[tilespmem:s28], [sflag:$0x1] =	stream.linear.gather [hbm4b:s9+s4], $0x400, $0x38;
	[tilespmem:$0x196A8] =	vst v63  }
0x20: {  	_ = 	snop  }
0x21: {  	[spmem:s3] =	stream.indirect.scatter.add.f32 [tilespmem:s10], [sflag:$0x2], $0x10, s26, s15, $0xb8;
	[tilespmem:$0x196A8] =	vst v63  }
0x22: {  	s28 =	sor.u32 $0x80, s26  }
0x23: {  	[spmem:s3] =	stream.indirect.scatter.add.f32 [tilespmem:s10], [sflag:$0x2], $0x10, s28, s15, $0xb8;
	[tilespmem:$0x196A8] =	vst v63  }
0x24: {  	s28 =	sor.u32 $0x100, s26  }
0x25: {  	[spmem:s3] =	stream.indirect.scatter.add.f32 [tilespmem:s10], [sflag:$0x2], $0x10, s28, s15, $0xb8;
	[tilespmem:$0x196A8] =	vst v63  }
0x26: {  	s28 =	sor.u32 $0x180, s26  }
0x27: {  	[spmem:s3] =	stream.indirect.scatter.add.f32 [tilespmem:s10], [sflag:$0x2], $0x10, s28, s15, $0xb8;
	[tilespmem:$0x196A8] =	vst v63  }
0x28: {  	s28 =	sor.u32 $0x200, s26  }
0x29: {  	[spmem:s3] =	stream.indirect.scatter.add.f32 [tilespmem:s10], [sflag:$0x2], $0x10, s28, s15, $0xb8;
	[tilespmem:$0x196A8] =	vst v63  }
0x2a: {  	s28 =	sor.u32 $0x280, s26  }
0x2b: {  	[spmem:s3] =	stream.indirect.scatter.add.f32 [tilespmem:s10], [sflag:$0x2], $0x10, s28, s15, $0xb8;
	[tilespmem:$0x196A8] =	vst v63  }
0x2c: {  	s28 =	sor.u32 $0x300, s26  }
0x2d: {  	[spmem:s3] =	stream.indirect.scatter.add.f32 [tilespmem:s10], [sflag:$0x2], $0x10, s28, s15, $0xb8;
	[tilespmem:$0x196A8] =	vst v63  }
0x2e: {  	s26 =	sor.u32 $0x380, s26  }
0x2f: {  	[spmem:s3] =	stream.indirect.scatter.add.f32 [tilespmem:s10], [sflag:$0x2], $0x10, s26, s15, $0xb8;
	[tilespmem:$0x196A8] =	vst v63  }
0x30: {  	_ =	swait.ge [sflag:s16], $0x800  }
0x31: {  	[sflag:s16] =	ssyncset.done $0x0  }
0x32: {  	[sflag:s16] =	ssyncadd.s32 $0xFFFFF800  }
0x33: {  	_ =	swait.ge [sflag:s16], $0x800  }
0x34: {  	[sflag:s16] =	ssyncset.done $0x0  }
0x35: {  	[sflag:s16] =	ssyncadd.s32 $0xFFFFF800  }
0x36: {  	_ =	swait.ge [sflag:s16], $0x800  }
0x37: {  	[sflag:s16] =	ssyncset.done $0x0  }
0x38: {  	[sflag:s16] =	ssyncadd.s32 $0xFFFFF800  }
0x39: {  	_ =	swait.ge [sflag:s16], $0x800  }
0x3a: {  	[sflag:s16] =	ssyncset.done $0x0  }
0x3b: {  	[sflag:s16] =	ssyncadd.s32 $0xFFFFF800  }
0x3c: {  	_ =	swait.ge [sflag:s16], $0x800  }
0x3d: {  	[sflag:s16] =	ssyncset.done $0x0  }
0x3e: {  	[sflag:s16] =	ssyncadd.s32 $0xFFFFF800  }
0x3f: {  	_ =	swait.ge [sflag:s16], $0x800  }
0x40: {  	[sflag:s16] =	ssyncset.done $0x0  }
0x41: {  	[sflag:s16] =	ssyncadd.s32 $0xFFFFF800  }
0x42: {  	_ =	swait.ge [sflag:s16], $0x800  }
0x43: {  	[sflag:s16] =	ssyncset.done $0x0  }
0x44: {  	[sflag:s16] =	ssyncadd.s32 $0xFFFFF800  }
0x45: {  	_ =	swait.ge [sflag:s16], $0x800  }
0x46: {  	s28 =	smov.u32 s9;
	s26 =	simm.s32 $0x1;
	[sflag:s16] =	ssyncset.done $0x0  }
.LBB2_2:
0x47: {  	p0 =	sne.s32 s26, $0x60;
	[sflag:s16] =	ssyncadd.s32 $0xFFFFF800;
	s28 =	sadd.s32 $0x1000, s28  }
0x48: {  	s29 =	sshll.u32 s26, $0xA;
	s26 =	sadd.s32 $0x1, s26;
	_ =	swait.ge [sflag:s14], $0x400  }
0x49: {  	s29 =	sand.u32 $0x400, s29;
	[sflag:s14] =	ssyncset.done $0x0  }
0x4a: {  	s30 =	sxor.u32 $0x400, s29;
	[sflag:s14] =	ssyncadd.s32 $0xFFFFFC00  }
0x4b: {  	[tilespmem:s30], [sflag:$0x1] =	stream.linear.gather [hbm4b:s28+s4], $0x400, $0x38;
	[tilespmem:$0x196A8] =	vst v63  }
0x4c: {  	_ = 	snop  }
0x4d: {  	[spmem:s3] =	stream.indirect.scatter.add.f32 [tilespmem:s10], [sflag:$0x2], $0x10, s29, s15, $0xb8;
	[tilespmem:$0x196A8] =	vst v63  }
0x4e: {  	s30 =	sor.u32 $0x80, s29  }
0x4f: {  	[spmem:s3] =	stream.indirect.scatter.add.f32 [tilespmem:s10], [sflag:$0x2], $0x10, s30, s15, $0xb8;
	[tilespmem:$0x196A8] =	vst v63  }
0x50: {  	s30 =	sor.u32 $0x100, s29  }
0x51: {  	[spmem:s3] =	stream.indirect.scatter.add.f32 [tilespmem:s10], [sflag:$0x2], $0x10, s30, s15, $0xb8;
	[tilespmem:$0x196A8] =	vst v63  }
0x52: {  	s30 =	sor.u32 $0x180, s29  }
0x53: {  	[spmem:s3] =	stream.indirect.scatter.add.f32 [tilespmem:s10], [sflag:$0x2], $0x10, s30, s15, $0xb8;
	[tilespmem:$0x196A8] =	vst v63  }
0x54: {  	s30 =	sor.u32 $0x200, s29  }
0x55: {  	[spmem:s3] =	stream.indirect.scatter.add.f32 [tilespmem:s10], [sflag:$0x2], $0x10, s30, s15, $0xb8;
	[tilespmem:$0x196A8] =	vst v63  }
0x56: {  	s30 =	sor.u32 $0x280, s29  }
0x57: {  	[spmem:s3] =	stream.indirect.scatter.add.f32 [tilespmem:s10], [sflag:$0x2], $0x10, s30, s15, $0xb8;
	[tilespmem:$0x196A8] =	vst v63  }
0x58: {  	s30 =	sor.u32 $0x300, s29  }
0x59: {  	[spmem:s3] =	stream.indirect.scatter.add.f32 [tilespmem:s10], [sflag:$0x2], $0x10, s30, s15, $0xb8;
	[tilespmem:$0x196A8] =	vst v63  }
0x5a: {  	s29 =	sor.u32 $0x380, s29  }
0x5b: {  	[spmem:s3] =	stream.indirect.scatter.add.f32 [tilespmem:s10], [sflag:$0x2], $0x10, s29, s15, $0xb8;
	[tilespmem:$0x196A8] =	vst v63  }
0x5c: {  	_ =	swait.ge [sflag:s16], $0x800  }
0x5d: {  	[sflag:s16] =	ssyncset.done $0x0  }
0x5e: {  	[sflag:s16] =	ssyncadd.s32 $0xFFFFF800  }
0x5f: {  	_ =	swait.ge [sflag:s16], $0x800  }
0x60: {  	[sflag:s16] =	ssyncset.done $0x0  }
0x61: {  	[sflag:s16] =	ssyncadd.s32 $0xFFFFF800  }
0x62: {  	_ =	swait.ge [sflag:s16], $0x800  }
0x63: {  	[sflag:s16] =	ssyncset.done $0x0  }
0x64: {  	[sflag:s16] =	ssyncadd.s32 $0xFFFFF800  }
0x65: {  	_ =	swait.ge [sflag:s16], $0x800  }
0x66: {  	[sflag:s16] =	ssyncset.done $0x0  }
0x67: {  	[sflag:s16] =	ssyncadd.s32 $0xFFFFF800  }
0x68: {  	_ =	swait.ge [sflag:s16], $0x800  }
0x69: {  	[sflag:s16] =	ssyncset.done $0x0  }
0x6a: {  	[sflag:s16] =	ssyncadd.s32 $0xFFFFF800  }
0x6b: {  	_ =	swait.ge [sflag:s16], $0x800  }
0x6c: {  	[sflag:s16] =	ssyncset.done $0x0  }
0x6d: {  	[sflag:s16] =	ssyncadd.s32 $0xFFFFF800  }
.Ltmp0:
0x6e: {  	_ =	swait.ge [sflag:s16], $0x800;
	(pc) =	sbr.rel @p0 .LBB2_2-.Ltmp0, $4  }
0x6f: {  	[sflag:s16] =	ssyncset.done $0x0  }
0x70: {  	[sflag:s16] =	ssyncadd.s32 $0xFFFFF800  }
0x71: {  	_ =	swait.ge [sflag:s16], $0x800  }
0x72: {  	[sflag:s16] =	ssyncset.done $0x0  }
0x73: {  	[sflag:s16] =	ssyncadd.s32 $0xFFFFF800  }
0x74: {  	_ =	swait.ge [sflag:s14], $0x400  }
0x75: {  	[sflag:s14] =	ssyncset.done $0x0  }
0x76: {  	[sflag:s14] =	ssyncadd.s32 $0xFFFFFC00  }
0x77: {  	[spmem:s3] =	stream.indirect.scatter.add.f32 [tilespmem:s10], [sflag:$0x2], $0x10, s17, s15, $0xb8;
	[tilespmem:$0x196A8] =	vst v63  }
0x78: {  	_ = 	snop  }
0x79: {  	[spmem:s3] =	stream.indirect.scatter.add.f32 [tilespmem:s10], [sflag:$0x2], $0x10, s18, s15, $0xb8;
	[tilespmem:$0x196A8] =	vst v63  }
0x7a: {  	_ = 	snop  }
0x7b: {  	[spmem:s3] =	stream.indirect.scatter.add.f32 [tilespmem:s10], [sflag:$0x2], $0x10, s19, s15, $0xb8;
	[tilespmem:$0x196A8] =	vst v63  }
0x7c: {  	_ = 	snop  }
0x7d: {  	[spmem:s3] =	stream.indirect.scatter.add.f32 [tilespmem:s10], [sflag:$0x2], $0x10, s20, s15, $0xb8;
	[tilespmem:$0x196A8] =	vst v63  }
0x7e: {  	_ = 	snop  }
0x7f: {  	[spmem:s3] =	stream.indirect.scatter.add.f32 [tilespmem:s10], [sflag:$0x2], $0x10, s21, s15, $0xb8;
	[tilespmem:$0x196A8] =	vst v63  }
0x80: {  	_ = 	snop  }
0x81: {  	[spmem:s3] =	stream.indirect.scatter.add.f32 [tilespmem:s10], [sflag:$0x2], $0x10, s22, s15, $0xb8;
	[tilespmem:$0x196A8] =	vst v63  }
0x82: {  	_ = 	snop  }
0x83: {  	[spmem:s3] =	stream.indirect.scatter.add.f32 [tilespmem:s10], [sflag:$0x2], $0x10, s23, s15, $0xb8;
	[tilespmem:$0x196A8] =	vst v63  }
0x84: {  	_ = 	snop  }
0x85: {  	[spmem:s3] =	stream.indirect.scatter.add.f32 [tilespmem:s10], [sflag:$0x2], $0x10, s24, s15, $0xb8;
	[tilespmem:$0x196A8] =	vst v63  }
0x86: {  	_ =	swait.ge [sflag:s16], $0x800  }
0x87: {  	[sflag:s16] =	ssyncset.done $0x0  }
0x88: {  	[sflag:s16] =	ssyncadd.s32 $0xFFFFF800  }
0x89: {  	_ =	swait.ge [sflag:s16], $0x800  }
0x8a: {  	[sflag:s16] =	ssyncset.done $0x0  }
0x8b: {  	[sflag:s16] =	ssyncadd.s32 $0xFFFFF800  }
0x8c: {  	_ =	swait.ge [sflag:s16], $0x800  }
0x8d: {  	[sflag:s16] =	ssyncset.done $0x0  }
0x8e: {  	[sflag:s16] =	ssyncadd.s32 $0xFFFFF800  }
0x8f: {  	_ =	swait.ge [sflag:s16], $0x800  }
0x90: {  	[sflag:s16] =	ssyncset.done $0x0  }
0x91: {  	[sflag:s16] =	ssyncadd.s32 $0xFFFFF800  }
0x92: {  	_ =	swait.ge [sflag:s16], $0x800  }
0x93: {  	[sflag:s16] =	ssyncset.done $0x0  }
0x94: {  	[sflag:s16] =	ssyncadd.s32 $0xFFFFF800  }
0x95: {  	_ =	swait.ge [sflag:s16], $0x800  }
0x96: {  	[sflag:s16] =	ssyncset.done $0x0  }
0x97: {  	[sflag:s16] =	ssyncadd.s32 $0xFFFFF800  }
0x98: {  	_ =	swait.ge [sflag:s16], $0x800  }
0x99: {  	[sflag:s16] =	ssyncset.done $0x0  }
0x9a: {  	[sflag:s16] =	ssyncadd.s32 $0xFFFFF800  }
0x9b: {  	_ =	swait.ge [sflag:s16], $0x800  }
0x9c: {  	s25 =	sadd.s32 $0x1, s25;
	[sflag:s16] =	ssyncset.done $0x0  }
0x9d: {  	p0 =	sne.s32 s25, s8;
	[sflag:s16] =	ssyncadd.s32 $0xFFFFF800  }
.Ltmp1:
0x9e: {  	[bflag:$0x0] =	sbarrier.arrive $0xFFFF;
	(pc) =	sbr.rel @p0 .LBB2_1-.Ltmp1, $4  }
0x9f: {  	[hbm:s7], [sflag:s12] =	dma.local [spmem:s13], $0x30D4  }
0xa0: {  	_ =	swait.ge [sflag:s11], $0x30D4  }
0xa1: {  	[sflag:s11] =	ssyncset.done $0x0  }
0xa2: {  	[sflag:s11] =	ssyncadd.s32 $0xFFFFCF2C  }
0xa3: {  	_ =	sfence.sel $0x180000  }
0xa4: {  	[bflag:$0x0] =	sbarrier.arrive $0xFFFF  }
0xa5: {  	p0 =	sne.s32 s1, $0x0;
	_ =	strace $0x90000047  }
0xa6: {  	s0 =	sadd.s32 @!p0 $0x100000, s0;
	[bflag:$0x2] =	sbarrier.arrive $0xFFFF  }
0xa7: {  	[sflag:s0] =	ssyncadd.tile.s32 @!p0 $0x1;
	_ =	shalt  }
.Lfunc_end2:
_tile_overlayer_lowered:
.L_overlay_start_2:
0xa8: {  	(tag) =	ssettag $0x2  }
0xa9: {  	s0 =	rddreg [dreg:$0x0];
	s2 =	stileid.u32  }
0xaa: {  	s1 =	rddreg [dreg:$0x1];
	p0 =	sne.s32 s2, $0x0  }
0xab: {  	s3 =	rddreg [dreg:$0x2];
	[bflag:$0x3] =	sbarrier.arrive $0xFFFF;
	s2 =	simm.s32 @!p0 $0x1C03  }
0xac: {  	[timem:s3], [sflag:s2] =	dma.local @!p0 [hbm:s0], s1  }
0xad: {  	s0 =	simm.s32 @!p0 $0x3  }
0xae: {  	_ =	swait.ge @!p0 [sflag:s0], s1  }
0xaf: {  	s1 =	ssub.s32 @!p0 $0x0, s1;
	[sflag:s0] =	ssyncset.done @!p0 $0x0  }
0xb0: {  	[sflag:s0] =	ssyncadd.s32 @!p0 s1  }
0xb1: {  	[bflag:$0x3] =	sbarrier.arrive $0xFFFF  }
0xb2: {  	_ =	shalt  }

</sc_bundles>
